<compile_context>
chip_gen: v7x
topology: tpu7x:2x2x1
jax: 0.10.2.dev20260603
libtpu: 0.0.44.dev20260713+nightly
codegen_flags: <defaults>
</compile_context>

<pallas_src>
import functools
import math

import jax
import jax.numpy as jnp
from jax import lax
from jax.experimental import pallas as pl
from jax.experimental.pallas import tpu as pltpu
from jax.experimental.pallas import tpu_sc as plsc

_N_TABLE = 4000
_N_NON = 6000
_N_NODES = 10000
_N_COLS = 26
_DIM = 128
_N_HEADS = 8
_HEAD_DIM = 16
_N_EDGES = 320000
_FFN_DIM = 256

_TR = 16
_BLK = 1000
_NC = 2
_NS = 16
_NW = _NC * _NS
_EPW = _N_EDGES // _NW
_CH = 128
_CHD = 80
_NCHUNKD = _EPW // _CHD
_EPWP = 10240
_NCHUNK = _EPWP // _CH
_N_PAD = 10240
_RPS = _N_PAD // _NS



def _ln(x, g, b):
    m = jnp.mean(x, axis=-1, keepdims=True)
    xc = x - m
    v = jnp.mean(xc * xc, axis=-1, keepdims=True)
    return xc * lax.rsqrt(v + 1e-5) * g + b


def _table_body(x_ref, wqkv_ref, wo_ref, g1_ref, b1_ref,
                wf1_ref, bf1_ref, wf2_ref, bf2_ref, g2_ref, b2_ref, out_ref):
    x = x_ref[...].reshape(_TR * _N_COLS, _DIM)
    qkv = jnp.dot(x, wqkv_ref[...], preferred_element_type=jnp.float32)
    q = qkv[:, :_DIM].reshape(_TR, _N_COLS, _DIM)
    k = qkv[:, _DIM:2 * _DIM].reshape(_TR, _N_COLS, _DIM)
    v = qkv[:, 2 * _DIM:].reshape(_TR, _N_COLS, _DIM)
    heads = []
    for h in range(_N_HEADS):
        lo = h * _HEAD_DIM
        qh = q[:, :, lo:lo + _HEAD_DIM]
        kh = k[:, :, lo:lo + _HEAD_DIM]
        vh = v[:, :, lo:lo + _HEAD_DIM]
        s = lax.dot_general(qh, kh, (((2,), (2,)), ((0,), (0,))),
                            preferred_element_type=jnp.float32)
        e = jnp.exp(s)
        vp = jnp.concatenate(
            [vh, jnp.ones((_TR, _N_COLS, _HEAD_DIM), jnp.float32)], axis=2)
        u = lax.dot_general(e, vp, (((2,), (1,)), ((0,), (0,))),
                            preferred_element_type=jnp.float32)
        heads.append(u[:, :, :_HEAD_DIM] / u[:, :, _HEAD_DIM:_HEAD_DIM + 1])
    o = jnp.concatenate(heads, axis=-1).reshape(_TR * _N_COLS, _DIM)
    o = jnp.dot(o, wo_ref[...], preferred_element_type=jnp.float32)
    x1 = _ln(x + o, g1_ref[...], b1_ref[...])
    f = jax.nn.gelu(jnp.dot(x1, wf1_ref[...], preferred_element_type=jnp.float32)
                    + bf1_ref[...])
    f = jnp.dot(f, wf2_ref[...], preferred_element_type=jnp.float32) + bf2_ref[...]
    x2 = _ln(x1 + f, g2_ref[...], b2_ref[...])
    out_ref[...] = jnp.mean(x2.reshape(_TR, _N_COLS, _DIM), axis=1)


def _table_encode(table, Wq, Wk, Wv, Wo, g1, b1, Wf1, bf1, Wf2, bf2, g2, b2):
    full = lambda shape: pl.BlockSpec(shape, lambda i: tuple(0 for _ in shape))
    wqkv = jnp.concatenate(
        [Wq * (1.0 / math.sqrt(_HEAD_DIM)), Wk, Wv], axis=1)
    return pl.pallas_call(
        _table_body,
        grid=(_N_TABLE // _TR,),
        in_specs=[
            pl.BlockSpec((_TR, _N_COLS, _DIM), lambda i: (i, 0, 0)),
            full((_DIM, 3 * _DIM)),
            full((_DIM, _DIM)),
            full((1, _DIM)), full((1, _DIM)),
            full((_DIM, _FFN_DIM)), full((1, _FFN_DIM)),
            full((_FFN_DIM, _DIM)), full((1, _DIM)),
            full((1, _DIM)), full((1, _DIM)),
        ],
        out_specs=pl.BlockSpec((_TR, _DIM), lambda i: (i, 0)),
        out_shape=jax.ShapeDtypeStruct((_N_TABLE, _DIM), jnp.float32),
    )(table, wqkv, Wo, g1, b1, Wf1, bf1, Wf2, bf2, g2, b2)



def _deg_terms(c0_ref, c1_ref):
    deg = c0_ref[...][:, 0:1] + c1_ref[...][:, 0:1] + 1.0
    return deg, lax.rsqrt(deg)


def _gcn_pre_body(x_ref, w_ref, c0_ref, c1_ref, hs_ref, self_ref):
    deg, r = _deg_terms(c0_ref, c1_ref)
    hw = jnp.dot(x_ref[...], w_ref[...], preferred_element_type=jnp.float32)
    hs_ref[...] = hw * r
    self_ref[...] = hw / deg


def _gcn_mid_body(a0_ref, a1_ref, self_ref, c0_ref, c1_ref, b1_ref, w2_ref,
                  hs2_ref, self2_ref):
    deg, r = _deg_terms(c0_ref, c1_ref)
    h = r * (a0_ref[...] + a1_ref[...]) + self_ref[...] + b1_ref[...]
    h = jnp.maximum(h, 0.0)
    hw = jnp.dot(h, w2_ref[...], preferred_element_type=jnp.float32)
    hs2_ref[...] = hw * r
    self2_ref[...] = hw / deg


def _gcn_out_body(a0_ref, a1_ref, self_ref, c0_ref, c1_ref, b2_ref, out_ref):
    deg, r = _deg_terms(c0_ref, c1_ref)
    out_ref[...] = r * (a0_ref[...] + a1_ref[...]) + self_ref[...] + b2_ref[...]


def _rows(shape):
    return pl.BlockSpec(shape, lambda i: (i,) + tuple(0 for _ in shape[1:]))


def _bcast(shape):
    return pl.BlockSpec(shape, lambda i: tuple(0 for _ in shape))


def _gcn_pre(nodes, W, c0, c1):
    return pl.pallas_call(
        _gcn_pre_body,
        grid=(_N_NODES // _BLK,),
        in_specs=[_rows((_BLK, _DIM)), _bcast((_DIM, _DIM)),
                  _rows((_BLK, 16)), _rows((_BLK, 16))],
        out_specs=[_rows((_BLK, _DIM)), _rows((_BLK, _DIM))],
        out_shape=[jax.ShapeDtypeStruct((_N_NODES, _DIM), jnp.float32),
                   jax.ShapeDtypeStruct((_N_NODES, _DIM), jnp.float32)],
    )(nodes, W, c0, c1)


def _gcn_mid(a0, a1, self1, c0, c1, b1, W2):
    return pl.pallas_call(
        _gcn_mid_body,
        grid=(_N_NODES // _BLK,),
        in_specs=[_rows((_BLK, _DIM)), _rows((_BLK, _DIM)), _rows((_BLK, _DIM)),
                  _rows((_BLK, 16)), _rows((_BLK, 16)),
                  _bcast((1, _DIM)), _bcast((_DIM, _DIM))],
        out_specs=[_rows((_BLK, _DIM)), _rows((_BLK, _DIM))],
        out_shape=[jax.ShapeDtypeStruct((_N_NODES, _DIM), jnp.float32),
                   jax.ShapeDtypeStruct((_N_NODES, _DIM), jnp.float32)],
    )(a0, a1, self1, c0, c1, b1, W2)


def _gcn_out(a0, a1, self2, c0, c1, b2):
    return pl.pallas_call(
        _gcn_out_body,
        grid=(_N_TABLE // _BLK,),
        in_specs=[_rows((_BLK, _DIM)), _rows((_BLK, _DIM)), _rows((_BLK, _DIM)),
                  _rows((_BLK, 16)), _rows((_BLK, 16)), _bcast((1, _DIM))],
        out_specs=_rows((_BLK, _DIM)),
        out_shape=jax.ShapeDtypeStruct((_N_TABLE, _DIM), jnp.float32),
    )(a0, a1, self2, c0, c1, b2)



def _sc_mesh():
    return plsc.VectorSubcoreMesh(core_axis_name="c", subcore_axis_name="s",
                                  num_cores=_NC, num_subcores=_NS)


def _sc_deg_body(dst_hbm, z16_hbm, out_hbm, didx, ones_v, acc):
    cid = lax.axis_index("c")
    sid = lax.axis_index("s")
    wid = sid * _NC + cid
    one = jnp.ones((16,), jnp.float32)
    for i in range(_CHD):
        ones_v[i, :] = one
    rbase = sid * _RPS
    pltpu.sync_copy(z16_hbm.at[pl.ds(rbase, _RPS)], acc.at[pl.ds(rbase, _RPS)])
    plsc.subcore_barrier()
    ebase = wid * _EPW

    def _chunk(i, carry):
        off = ebase + i * _CHD
        pltpu.sync_copy(dst_hbm.at[pl.ds(off, _CHD)], didx)
        pltpu.sync_copy(ones_v, acc.at[didx], add=True)
        return carry

    lax.fori_loop(0, _NCHUNKD, _chunk, 0)
    plsc.subcore_barrier()
    pltpu.sync_copy(acc.at[pl.ds(rbase, _RPS)],
                    out_hbm.at[cid, pl.ds(rbase, _RPS)])


def _sc_degrees(dst):
    z16 = jnp.zeros((_N_PAD, 16), jnp.float32)
    call = pl.kernel(
        _sc_deg_body,
        out_type=jax.ShapeDtypeStruct((_NC, _N_PAD, 16), jnp.float32),
        mesh=_sc_mesh(),
        scratch_types=[
            pltpu.VMEM((_CHD,), jnp.int32),
            pltpu.VMEM((_CHD, 16), jnp.float32),
            pltpu.VMEM_SHARED((_N_PAD, 16), jnp.float32),
        ],
    )
    return call(dst, z16)


def _sc_agg_body(hs_hbm, srcp_hbm, dstp_hbm, z_hbm, out_hbm,
                 sidx_a, didx_a, sidx_b, didx_b, rows0, rows1, acc,
                 sem0, sem1, sem_a, sem_b):
    cid = lax.axis_index("c")
    sid = lax.axis_index("s")
    wid = sid * _NC + cid
    rbase = sid * _RPS
    ebase = wid * _EPWP

    def _fetch(buf_s, buf_d, c, sem):
        off = ebase + c * _CH
        pltpu.async_copy(srcp_hbm.at[pl.ds(off, _CH)], buf_s, sem)
        pltpu.async_copy(dstp_hbm.at[pl.ds(off, _CH)], buf_d, sem)

    def _fetch_wait(buf_s, buf_d, sem):
        pltpu.make_async_copy(srcp_hbm.at[pl.ds(0, _CH)], buf_s, sem).wait()
        pltpu.make_async_copy(dstp_hbm.at[pl.ds(0, _CH)], buf_d, sem).wait()

    pltpu.sync_copy(z_hbm.at[pl.ds(rbase, _RPS)], acc.at[pl.ds(rbase, _RPS)])
    plsc.subcore_barrier()

    _fetch(sidx_a, didx_a, 0, sem_a)
    _fetch_wait(sidx_a, didx_a, sem_a)
    pltpu.async_copy(hs_hbm.at[sidx_a], rows0, sem0)
    _fetch(sidx_b, didx_b, 1, sem_b)

    def _pair(g, carry):
        ca = 2 * g
        _fetch_wait(sidx_b, didx_b, sem_b)
        pltpu.async_copy(hs_hbm.at[sidx_b], rows1, sem1)
        pltpu.make_async_copy(hs_hbm.at[sidx_a], rows0, sem0).wait()
        pltpu.sync_copy(rows0, acc.at[didx_a], add=True)

        @pl.when(ca + 2 < _NCHUNK)
        def _():
            _fetch(sidx_a, didx_a, ca + 2, sem_a)
            _fetch_wait(sidx_a, didx_a, sem_a)
            pltpu.async_copy(hs_hbm.at[sidx_a], rows0, sem0)

        pltpu.make_async_copy(hs_hbm.at[sidx_b], rows1, sem1).wait()
        pltpu.sync_copy(rows1, acc.at[didx_b], add=True)

        @pl.when(ca + 3 < _NCHUNK)
        def _():
            _fetch(sidx_b, didx_b, ca + 3, sem_b)

        return carry

    lax.fori_loop(0, _NCHUNK // 2, _pair, 0)
    plsc.subcore_barrier()
    pltpu.sync_copy(acc.at[pl.ds(rbase, _RPS)],
                    out_hbm.at[cid, pl.ds(rbase, _RPS)])


def _sc_aggregate(hs, srcp, dstp):
    z = jnp.zeros((_N_PAD, _DIM), jnp.float32)
    call = pl.kernel(
        _sc_agg_body,
        out_type=jax.ShapeDtypeStruct((_NC, _N_PAD, _DIM), jnp.float32),
        mesh=_sc_mesh(),
        scratch_types=[
            pltpu.VMEM((_CH,), jnp.int32),
            pltpu.VMEM((_CH,), jnp.int32),
            pltpu.VMEM((_CH,), jnp.int32),
            pltpu.VMEM((_CH,), jnp.int32),
            pltpu.VMEM((_CH, _DIM), jnp.float32),
            pltpu.VMEM((_CH, _DIM), jnp.float32),
            pltpu.VMEM_SHARED((_N_PAD, _DIM), jnp.float32),
            pltpu.SemaphoreType.DMA,
            pltpu.SemaphoreType.DMA,
            pltpu.SemaphoreType.DMA,
            pltpu.SemaphoreType.DMA,
        ],
    )
    return call(hs, srcp, dstp, z)



def kernel(table, non_table, adj, Wq, Wk, Wv, Wo, ln1_g, ln1_b, Wf1, bf1,
           Wf2, bf2, ln2_g, ln2_b, Wg1, bg1, Wg2, bg2):
    npad = _EPWP - _EPW
    spread = (jnp.arange(npad, dtype=jnp.int32) % 240)[None, :]
    src2 = adj[0].astype(jnp.int32).reshape(_NW, _EPW)
    dst2 = adj[1].astype(jnp.int32).reshape(_NW, _EPW)
    srcp = jnp.concatenate(
        [src2, jnp.broadcast_to(spread, (_NW, npad))], axis=1).reshape(-1)
    dstp = jnp.concatenate(
        [dst2, jnp.broadcast_to(_N_NODES + spread, (_NW, npad))],
        axis=1).reshape(-1)

    cnt = _sc_degrees(adj[1].astype(jnp.int32))
    c0 = cnt[0]
    c1 = cnt[1]

    t_emb = _table_encode(table, Wq, Wk, Wv, Wo,
                          ln1_g.reshape(1, -1), ln1_b.reshape(1, -1),
                          Wf1, bf1.reshape(1, -1), Wf2, bf2.reshape(1, -1),
                          ln2_g.reshape(1, -1), ln2_b.reshape(1, -1))
    nodes = jnp.concatenate([t_emb, non_table], axis=0)

    hs1, self1 = _gcn_pre(nodes, Wg1, c0, c1)
    agg1 = _sc_aggregate(hs1, srcp, dstp)
    hs2, self2 = _gcn_mid(agg1[0], agg1[1], self1, c0, c1,
                          bg1.reshape(1, -1), Wg2)
    agg2 = _sc_aggregate(hs2, srcp, dstp)
    return _gcn_out(agg2[0], agg2[1], self2, c0, c1, bg2.reshape(1, -1))

# --- scband reference (transcript-rebuilt; emitter-appended) ---
"""Pipeline reference for scband-bridge-1657857376421 (READ-ONLY COPY).

The authoritative reference and input builder live on the scoring server;
editing this copy changes nothing except your own understanding.
"""

import jax, jax.numpy as jnp
import numpy as np

N_TABLE = 4000
N_NON = 6000
N_NODES = 10000
N_COLS = 26
DIM = 128
N_HEADS = 8
HEAD_DIM = 16
N_EDGES = 320000
FFN_DIM = 256


def setup_inputs(seed: int = 0):
    key = jax.random.key(seed)
    ks = jax.random.split(key, 20)
    s = 0.02
    inp = {}
    inp["table"] = jax.random.normal(ks[0], (N_TABLE, N_COLS, DIM), jnp.float32)
    inp["non_table"] = jax.random.normal(ks[1], (N_NON, DIM), jnp.float32)
    inp["adj"] = jax.random.randint(ks[2], (2, N_EDGES), 0, N_NODES)
    inp["Wq"] = jax.random.normal(ks[3], (DIM, DIM), jnp.float32) * s
    inp["Wk"] = jax.random.normal(ks[4], (DIM, DIM), jnp.float32) * s
    inp["Wv"] = jax.random.normal(ks[5], (DIM, DIM), jnp.float32) * s
    inp["Wo"] = jax.random.normal(ks[6], (DIM, DIM), jnp.float32) * s
    inp["ln1_g"] = jnp.ones((DIM,), jnp.float32)
    inp["ln1_b"] = jnp.zeros((DIM,), jnp.float32)
    inp["Wf1"] = jax.random.normal(ks[7], (DIM, FFN_DIM), jnp.float32) * s
    inp["bf1"] = jnp.zeros((FFN_DIM,), jnp.float32)
    inp["Wf2"] = jax.random.normal(ks[8], (FFN_DIM, DIM), jnp.float32) * s
    inp["bf2"] = jnp.zeros((DIM,), jnp.float32)
    inp["ln2_g"] = jnp.ones((DIM,), jnp.float32)
    inp["ln2_b"] = jnp.zeros((DIM,), jnp.float32)
    inp["Wg1"] = jax.random.normal(ks[9], (DIM, DIM), jnp.float32) * s
    inp["bg1"] = jnp.zeros((DIM,), jnp.float32)
    inp["Wg2"] = jax.random.normal(ks[10], (DIM, DIM), jnp.float32) * s
    inp["bg2"] = jnp.zeros((DIM,), jnp.float32)
    return inp


def _layernorm(x, g, b):
    m = jnp.mean(x, axis=-1, keepdims=True)
    v = jnp.var(x, axis=-1, keepdims=True)
    return (x - m) / jnp.sqrt(v + 1e-5) * g + b


def _table_conv(x, Wq, Wk, Wv, Wo, ln1_g, ln1_b, Wf1, bf1, Wf2, bf2, ln2_g, ln2_b):
    B, C, D = x.shape
    q = (x @ Wq).reshape(B, C, N_HEADS, HEAD_DIM).transpose(0, 2, 1, 3)
    k = (x @ Wk).reshape(B, C, N_HEADS, HEAD_DIM).transpose(0, 2, 1, 3)
    v = (x @ Wv).reshape(B, C, N_HEADS, HEAD_DIM).transpose(0, 2, 1, 3)
    attn = jax.nn.softmax(q @ k.transpose(0, 1, 3, 2) / np.sqrt(HEAD_DIM), axis=-1)
    o = (attn @ v).transpose(0, 2, 1, 3).reshape(B, C, D) @ Wo
    x = _layernorm(x + o, ln1_g, ln1_b)
    f = jax.nn.gelu(x @ Wf1 + bf1) @ Wf2 + bf2
    x = _layernorm(x + f, ln2_g, ln2_b)
    return x


def _gcn(h, adj, W, b):
    hw = h @ W
    src = adj[0]
    dst = adj[1]
    deg = jax.ops.segment_sum(jnp.ones((adj.shape[1],), jnp.float32), dst, num_segments=N_NODES) + 1.0
    norm = jax.lax.rsqrt(deg[src] * deg[dst])
    msg = hw[src] * norm[:, None]
    out = jax.ops.segment_sum(msg, dst, num_segments=N_NODES) + hw / deg[:, None] + b
    return out


def reference(table, non_table, adj, Wq, Wk, Wv, Wo, ln1_g, ln1_b, Wf1, bf1, Wf2, bf2, ln2_g, ln2_b, Wg1, bg1, Wg2, bg2):
    # TableEncoder: one TabTransformerConv layer, then mean over columns
    x = _table_conv(table, Wq, Wk, Wv, Wo, ln1_g, ln1_b, Wf1, bf1, Wf2, bf2, ln2_g, ln2_b)
    t_emb = jnp.mean(x, axis=1)
    # Bridge: concat table embeddings with non-table node features
    nodes = jnp.concatenate([t_emb, non_table], axis=0)
    # GraphEncoder: 2-layer GCN (dropout is identity in eval mode)
    h = jax.nn.relu(_gcn(nodes, adj, Wg1, bg1))
    h = _gcn(h, adj, Wg2, bg2)
    return h[:N_TABLE]

if __name__ == "__main__":
    import jax
    _d = setup_inputs()
    print(jax.jit(kernel)(*tuple(_d.values())))

</pallas_src>

<mosaic_0001>
#map = affine_map<(d0, d1) -> (0)>
#map1 = affine_map<(d0, d1) -> (0, 0)>
#map2 = affine_map<(d0, d1) -> (0, 0, 0)>
module attributes {stable_mosaic.version = 14 : i64} {
  func.func @_sc_deg_body(%arg0: i32, %arg1: i32, %arg2: memref<320000xi32, #tpu.memory_space<hbm>>, %arg3: memref<10240x16xf32, #tpu.memory_space<hbm>>, %arg4: memref<2x10240x16xf32, #tpu.memory_space<hbm>>, %arg5: memref<80xi32, #tpu.memory_space<vmem>>, %arg6: memref<80x16xf32, #tpu.memory_space<vmem>>, %arg7: memref<10240x16xf32, #tpu.memory_space<vmem_shared>>) attributes {dimension_semantics = [#tpu.dimension_semantics<core_parallel>, #tpu.dimension_semantics<subcore_parallel>], iteration_bounds = array<i64: 2, 16>, scalar_prefetch = 0 : i64, scratch_operands = 3 : i64, tpu.core_type = #tpu.core_type<sc_vector_subcore>, window_params = [{transform_indices = #map}, {transform_indices = #map1}, {transform_indices = #map2}]} {
    %mul3A = arith.constant 2 : i32
    %mul3A_0 = arith.muli %arg1, %mul3A : i32
    %add3A = arith.addi %mul3A_0, %arg0 : i32
    %broadcast_in_dim3A = arith.constant 1.000000e+00 : f32
    %broadcast_in_dim3A_1 = vector.broadcast %broadcast_in_dim3A : f32 to vector<16xf32>
    %swap3A = arith.constant 0 : i32
    %swap3A_2 = arith.index_cast %swap3A : i32 to index
    %swap3A_3 = arith.constant 0 : index
    %swap3A_4 = tpu.vector_load %arg6[%swap3A_2, %swap3A_3] {strides = array<i32>} : memref<80x16xf32, #tpu.memory_space<vmem>>, vector<1x16xf32>,
    %swap3A_5 = vector.shape_cast %swap3A_4 : vector<1x16xf32> to vector<16xf32>
    %swap3A_6 = vector.shape_cast %broadcast_in_dim3A_1 : vector<16xf32> to vector<1x16xf32>
    tpu.vector_store %arg6[%swap3A_2, %swap3A_3], %swap3A_6 {strides = array<i32>} : memref<80x16xf32, #tpu.memory_space<vmem>>, vector<1x16xf32>,
    %swap3A_7 = arith.constant 1 : i32
    %swap3A_8 = arith.index_cast %swap3A_7 : i32 to index
    %swap3A_9 = arith.constant 0 : index
    %swap3A_10 = tpu.vector_load %arg6[%swap3A_8, %swap3A_9] {strides = array<i32>} : memref<80x16xf32, #tpu.memory_space<vmem>>, vector<1x16xf32>,
    %swap3A_11 = vector.shape_cast %swap3A_10 : vector<1x16xf32> to vector<16xf32>
    %swap3A_12 = vector.shape_cast %broadcast_in_dim3A_1 : vector<16xf32> to vector<1x16xf32>
    tpu.vector_store %arg6[%swap3A_8, %swap3A_9], %swap3A_12 {strides = array<i32>} : memref<80x16xf32, #tpu.memory_space<vmem>>, vector<1x16xf32>,
    %swap3A_13 = arith.constant 2 : i32
    %swap3A_14 = arith.index_cast %swap3A_13 : i32 to index
    %swap3A_15 = arith.constant 0 : index
    %swap3A_16 = tpu.vector_load %arg6[%swap3A_14, %swap3A_15] {strides = array<i32>} : memref<80x16xf32, #tpu.memory_space<vmem>>, vector<1x16xf32>,
    %swap3A_17 = vector.shape_cast %swap3A_16 : vector<1x16xf32> to vector<16xf32>
    %swap3A_18 = vector.shape_cast %broadcast_in_dim3A_1 : vector<16xf32> to vector<1x16xf32>
    tpu.vector_store %arg6[%swap3A_14, %swap3A_15], %swap3A_18 {strides = array<i32>} : memref<80x16xf32, #tpu.memory_space<vmem>>, vector<1x16xf32>,
    %swap3A_19 = arith.constant 3 : i32
    %swap3A_20 = arith.index_cast %swap3A_19 : i32 to index
    %swap3A_21 = arith.constant 0 : index
    %swap3A_22 = tpu.vector_load %arg6[%swap3A_20, %swap3A_21] {strides = array<i32>} : memref<80x16xf32, #tpu.memory_space<vmem>>, vector<1x16xf32>,
    %swap3A_23 = vector.shape_cast %swap3A_22 : vector<1x16xf32> to vector<16xf32>
    %swap3A_24 = vector.shape_cast %broadcast_in_dim3A_1 : vector<16xf32> to vector<1x16xf32>
    tpu.vector_store %arg6[%swap3A_20, %swap3A_21], %swap3A_24 {strides = array<i32>} : memref<80x16xf32, #tpu.memory_space<vmem>>, vector<1x16xf32>,
    %swap3A_25 = arith.constant 4 : i32
    %swap3A_26 = arith.index_cast %swap3A_25 : i32 to index
    %swap3A_27 = arith.constant 0 : index
    %swap3A_28 = tpu.vector_load %arg6[%swap3A_26, %swap3A_27] {strides = array<i32>} : memref<80x16xf32, #tpu.memory_space<vmem>>, vector<1x16xf32>,
    %swap3A_29 = vector.shape_cast %swap3A_28 : vector<1x16xf32> to vector<16xf32>
    %swap3A_30 = vector.shape_cast %broadcast_in_dim3A_1 : vector<16xf32> to vector<1x16xf32>
    tpu.vector_store %arg6[%swap3A_26, %swap3A_27], %swap3A_30 {strides = array<i32>} : memref<80x16xf32, #tpu.memory_space<vmem>>, vector<1x16xf32>,
    %swap3A_31 = arith.constant 5 : i32
    %swap3A_32 = arith.index_cast %swap3A_31 : i32 to index
    %swap3A_33 = arith.constant 0 : index
    %swap3A_34 = tpu.vector_load %arg6[%swap3A_32, %swap3A_33] {strides = array<i32>} : memref<80x16xf32, #tpu.memory_space<vmem>>, vector<1x16xf32>,
    %swap3A_35 = vector.shape_cast %swap3A_34 : vector<1x16xf32> to vector<16xf32>
    %swap3A_36 = vector.shape_cast %broadcast_in_dim3A_1 : vector<16xf32> to vector<1x16xf32>
    tpu.vector_store %arg6[%swap3A_32, %swap3A_33], %swap3A_36 {strides = array<i32>} : memref<80x16xf32, #tpu.memory_space<vmem>>, vector<1x16xf32>,
    %swap3A_37 = arith.constant 6 : i32
    %swap3A_38 = arith.index_cast %swap3A_37 : i32 to index
    %swap3A_39 = arith.constant 0 : index
    %swap3A_40 = tpu.vector_load %arg6[%swap3A_38, %swap3A_39] {strides = array<i32>} : memref<80x16xf32, #tpu.memory_space<vmem>>, vector<1x16xf32>,
    %swap3A_41 = vector.shape_cast %swap3A_40 : vector<1x16xf32> to vector<16xf32>
    %swap3A_42 = vector.shape_cast %broadcast_in_dim3A_1 : vector<16xf32> to vector<1x16xf32>
    tpu.vector_store %arg6[%swap3A_38, %swap3A_39], %swap3A_42 {strides = array<i32>} : memref<80x16xf32, #tpu.memory_space<vmem>>, vector<1x16xf32>,
    %swap3A_43 = arith.constant 7 : i32
    %swap3A_44 = arith.index_cast %swap3A_43 : i32 to index
    %swap3A_45 = arith.constant 0 : index
    %swap3A_46 = tpu.vector_load %arg6[%swap3A_44, %swap3A_45] {strides = array<i32>} : memref<80x16xf32, #tpu.memory_space<vmem>>, vector<1x16xf32>,
    %swap3A_47 = vector.shape_cast %swap3A_46 : vector<1x16xf32> to vector<16xf32>
    %swap3A_48 = vector.shape_cast %broadcast_in_dim3A_1 : vector<16xf32> to vector<1x16xf32>
    tpu.vector_store %arg6[%swap3A_44, %swap3A_45], %swap3A_48 {strides = array<i32>} : memref<80x16xf32, #tpu.memory_space<vmem>>, vector<1x16xf32>,
    %swap3A_49 = arith.constant 8 : i32
    %swap3A_50 = arith.index_cast %swap3A_49 : i32 to index
    %swap3A_51 = arith.constant 0 : index
    %swap3A_52 = tpu.vector_load %arg6[%swap3A_50, %swap3A_51] {strides = array<i32>} : memref<80x16xf32, #tpu.memory_space<vmem>>, vector<1x16xf32>,
    %swap3A_53 = vector.shape_cast %swap3A_52 : vector<1x16xf32> to vector<16xf32>
    %swap3A_54 = vector.shape_cast %broadcast_in_dim3A_1 : vector<16xf32> to vector<1x16xf32>
    tpu.vector_store %arg6[%swap3A_50, %swap3A_51], %swap3A_54 {strides = array<i32>} : memref<80x16xf32, #tpu.memory_space<vmem>>, vector<1x16xf32>,
    %swap3A_55 = arith.constant 9 : i32
    %swap3A_56 = arith.index_cast %swap3A_55 : i32 to index
    %swap3A_57 = arith.constant 0 : index
    %swap3A_58 = tpu.vector_load %arg6[%swap3A_56, %swap3A_57] {strides = array<i32>} : memref<80x16xf32, #tpu.memory_space<vmem>>, vector<1x16xf32>,
    %swap3A_59 = vector.shape_cast %swap3A_58 : vector<1x16xf32> to vector<16xf32>
    %swap3A_60 = vector.shape_cast %broadcast_in_dim3A_1 : vector<16xf32> to vector<1x16xf32>
    tpu.vector_store %arg6[%swap3A_56, %swap3A_57], %swap3A_60 {strides = array<i32>} : memref<80x16xf32, #tpu.memory_space<vmem>>, vector<1x16xf32>,
    %swap3A_61 = arith.constant 10 : i32
    %swap3A_62 = arith.index_cast %swap3A_61 : i32 to index
    %swap3A_63 = arith.constant 0 : index
    %swap3A_64 = tpu.vector_load %arg6[%swap3A_62, %swap3A_63] {strides = array<i32>} : memref<80x16xf32, #tpu.memory_space<vmem>>, vector<1x16xf32>,
    %swap3A_65 = vector.shape_cast %swap3A_64 : vector<1x16xf32> to vector<16xf32>
    %swap3A_66 = vector.shape_cast %broadcast_in_dim3A_1 : vector<16xf32> to vector<1x16xf32>
    tpu.vector_store %arg6[%swap3A_62, %swap3A_63], %swap3A_66 {strides = array<i32>} : memref<80x16xf32, #tpu.memory_space<vmem>>, vector<1x16xf32>,
    %swap3A_67 = arith.constant 11 : i32
    %swap3A_68 = arith.index_cast %swap3A_67 : i32 to index
    %swap3A_69 = arith.constant 0 : index
    %swap3A_70 = tpu.vector_load %arg6[%swap3A_68, %swap3A_69] {strides = array<i32>} : memref<80x16xf32, #tpu.memory_space<vmem>>, vector<1x16xf32>,
    %swap3A_71 = vector.shape_cast %swap3A_70 : vector<1x16xf32> to vector<16xf32>
    %swap3A_72 = vector.shape_cast %broadcast_in_dim3A_1 : vector<16xf32> to vector<1x16xf32>
    tpu.vector_store %arg6[%swap3A_68, %swap3A_69], %swap3A_72 {strides = array<i32>} : memref<80x16xf32, #tpu.memory_space<vmem>>, vector<1x16xf32>,
    %swap3A_73 = arith.constant 12 : i32
    %swap3A_74 = arith.index_cast %swap3A_73 : i32 to index
    %swap3A_75 = arith.constant 0 : index
    %swap3A_76 = tpu.vector_load %arg6[%swap3A_74, %swap3A_75] {strides = array<i32>} : memref<80x16xf32, #tpu.memory_space<vmem>>, vector<1x16xf32>,
    %swap3A_77 = vector.shape_cast %swap3A_76 : vector<1x16xf32> to vector<16xf32>
    %swap3A_78 = vector.shape_cast %broadcast_in_dim3A_1 : vector<16xf32> to vector<1x16xf32>
    tpu.vector_store %arg6[%swap3A_74, %swap3A_75], %swap3A_78 {strides = array<i32>} : memref<80x16xf32, #tpu.memory_space<vmem>>, vector<1x16xf32>,
    %swap3A_79 = arith.constant 13 : i32
    %swap3A_80 = arith.index_cast %swap3A_79 : i32 to index
    %swap3A_81 = arith.constant 0 : index
    %swap3A_82 = tpu.vector_load %arg6[%swap3A_80, %swap3A_81] {strides = array<i32>} : memref<80x16xf32, #tpu.memory_space<vmem>>, vector<1x16xf32>,
    %swap3A_83 = vector.shape_cast %swap3A_82 : vector<1x16xf32> to vector<16xf32>
    %swap3A_84 = vector.shape_cast %broadcast_in_dim3A_1 : vector<16xf32> to vector<1x16xf32>
    tpu.vector_store %arg6[%swap3A_80, %swap3A_81], %swap3A_84 {strides = array<i32>} : memref<80x16xf32, #tpu.memory_space<vmem>>, vector<1x16xf32>,
    %swap3A_85 = arith.constant 14 : i32
    %swap3A_86 = arith.index_cast %swap3A_85 : i32 to index
    %swap3A_87 = arith.constant 0 : index
    %swap3A_88 = tpu.vector_load %arg6[%swap3A_86, %swap3A_87] {strides = array<i32>} : memref<80x16xf32, #tpu.memory_space<vmem>>, vector<1x16xf32>,
    %swap3A_89 = vector.shape_cast %swap3A_88 : vector<1x16xf32> to vector<16xf32>
    %swap3A_90 = vector.shape_cast %broadcast_in_dim3A_1 : vector<16xf32> to vector<1x16xf32>
    tpu.vector_store %arg6[%swap3A_86, %swap3A_87], %swap3A_90 {strides = array<i32>} : memref<80x16xf32, #tpu.memory_space<vmem>>, vector<1x16xf32>,
    %swap3A_91 = arith.constant 15 : i32
    %swap3A_92 = arith.index_cast %swap3A_91 : i32 to index
    %swap3A_93 = arith.constant 0 : index
    %swap3A_94 = tpu.vector_load %arg6[%swap3A_92, %swap3A_93] {strides = array<i32>} : memref<80x16xf32, #tpu.memory_space<vmem>>, vector<1x16xf32>,
    %swap3A_95 = vector.shape_cast %swap3A_94 : vector<1x16xf32> to vector<16xf32>
    %swap3A_96 = vector.shape_cast %broadcast_in_dim3A_1 : vector<16xf32> to vector<1x16xf32>
    tpu.vector_store %arg6[%swap3A_92, %swap3A_93], %swap3A_96 {strides = array<i32>} : memref<80x16xf32, #tpu.memory_space<vmem>>, vector<1x16xf32>,
    %swap3A_97 = arith.constant 16 : i32
    %swap3A_98 = arith.index_cast %swap3A_97 : i32 to index
    %swap3A_99 = arith.constant 0 : index
    %swap3A_100 = tpu.vector_load %arg6[%swap3A_98, %swap3A_99] {strides = array<i32>} : memref<80x16xf32, #tpu.memory_space<vmem>>, vector<1x16xf32>,
    %swap3A_101 = vector.shape_cast %swap3A_100 : vector<1x16xf32> to vector<16xf32>
    %swap3A_102 = vector.shape_cast %broadcast_in_dim3A_1 : vector<16xf32> to vector<1x16xf32>
    tpu.vector_store %arg6[%swap3A_98, %swap3A_99], %swap3A_102 {strides = array<i32>} : memref<80x16xf32, #tpu.memory_space<vmem>>, vector<1x16xf32>,
    %swap3A_103 = arith.constant 17 : i32
    %swap3A_104 = arith.index_cast %swap3A_103 : i32 to index
    %swap3A_105 = arith.constant 0 : index
    %swap3A_106 = tpu.vector_load %arg6[%swap3A_104, %swap3A_105] {strides = array<i32>} : memref<80x16xf32, #tpu.memory_space<vmem>>, vector<1x16xf32>,
    %swap3A_107 = vector.shape_cast %swap3A_106 : vector<1x16xf32> to vector<16xf32>
    %swap3A_108 = vector.shape_cast %broadcast_in_dim3A_1 : vector<16xf32> to vector<1x16xf32>
    tpu.vector_store %arg6[%swap3A_104, %swap3A_105], %swap3A_108 {strides = array<i32>} : memref<80x16xf32, #tpu.memory_space<vmem>>, vector<1x16xf32>,
    %swap3A_109 = arith.constant 18 : i32
    %swap3A_110 = arith.index_cast %swap3A_109 : i32 to index
    %swap3A_111 = arith.constant 0 : index
    %swap3A_112 = tpu.vector_load %arg6[%swap3A_110, %swap3A_111] {strides = array<i32>} : memref<80x16xf32, #tpu.memory_space<vmem>>, vector<1x16xf32>,
    %swap3A_113 = vector.shape_cast %swap3A_112 : vector<1x16xf32> to vector<16xf32>
    %swap3A_114 = vector.shape_cast %broadcast_in_dim3A_1 : vector<16xf32> to vector<1x16xf32>
    tpu.vector_store %arg6[%swap3A_110, %swap3A_111], %swap3A_114 {strides = array<i32>} : memref<80x16xf32, #tpu.memory_space<vmem>>, vector<1x16xf32>,
    %swap3A_115 = arith.constant 19 : i32
    %swap3A_116 = arith.index_cast %swap3A_115 : i32 to index
    %swap3A_117 = arith.constant 0 : index
    %swap3A_118 = tpu.vector_load %arg6[%swap3A_116, %swap3A_117] {strides = array<i32>} : memref<80x16xf32, #tpu.memory_space<vmem>>, vector<1x16xf32>,
    %swap3A_119 = vector.shape_cast %swap3A_118 : vector<1x16xf32> to vector<16xf32>
    %swap3A_120 = vector.shape_cast %broadcast_in_dim3A_1 : vector<16xf32> to vector<1x16xf32>
    tpu.vector_store %arg6[%swap3A_116, %swap3A_117], %swap3A_120 {strides = array<i32>} : memref<80x16xf32, #tpu.memory_space<vmem>>, vector<1x16xf32>,
    %swap3A_121 = arith.constant 20 : i32
    %swap3A_122 = arith.index_cast %swap3A_121 : i32 to index
    %swap3A_123 = arith.constant 0 : index
    %swap3A_124 = tpu.vector_load %arg6[%swap3A_122, %swap3A_123] {strides = array<i32>} : memref<80x16xf32, #tpu.memory_space<vmem>>, vector<1x16xf32>,
    %swap3A_125 = vector.shape_cast %swap3A_124 : vector<1x16xf32> to vector<16xf32>
    %swap3A_126 = vector.shape_cast %broadcast_in_dim3A_1 : vector<16xf32> to vector<1x16xf32>
    tpu.vector_store %arg6[%swap3A_122, %swap3A_123], %swap3A_126 {strides = array<i32>} : memref<80x16xf32, #tpu.memory_space<vmem>>, vector<1x16xf32>,
    %swap3A_127 = arith.constant 21 : i32
    %swap3A_128 = arith.index_cast %swap3A_127 : i32 to index
    %swap3A_129 = arith.constant 0 : index
    %swap3A_130 = tpu.vector_load %arg6[%swap3A_128, %swap3A_129] {strides = array<i32>} : memref<80x16xf32, #tpu.memory_space<vmem>>, vector<1x16xf32>,
    %swap3A_131 = vector.shape_cast %swap3A_130 : vector<1x16xf32> to vector<16xf32>
    %swap3A_132 = vector.shape_cast %broadcast_in_dim3A_1 : vector<16xf32> to vector<1x16xf32>
    tpu.vector_store %arg6[%swap3A_128, %swap3A_129], %swap3A_132 {strides = array<i32>} : memref<80x16xf32, #tpu.memory_space<vmem>>, vector<1x16xf32>,
    %swap3A_133 = arith.constant 22 : i32
    %swap3A_134 = arith.index_cast %swap3A_133 : i32 to index
    %swap3A_135 = arith.constant 0 : index
    %swap3A_136 = tpu.vector_load %arg6[%swap3A_134, %swap3A_135] {strides = array<i32>} : memref<80x16xf32, #tpu.memory_space<vmem>>, vector<1x16xf32>,
    %swap3A_137 = vector.shape_cast %swap3A_136 : vector<1x16xf32> to vector<16xf32>
    %swap3A_138 = vector.shape_cast %broadcast_in_dim3A_1 : vector<16xf32> to vector<1x16xf32>
    tpu.vector_store %arg6[%swap3A_134, %swap3A_135], %swap3A_138 {strides = array<i32>} : memref<80x16xf32, #tpu.memory_space<vmem>>, vector<1x16xf32>,
    %swap3A_139 = arith.constant 23 : i32
    %swap3A_140 = arith.index_cast %swap3A_139 : i32 to index
    %swap3A_141 = arith.constant 0 : index
    %swap3A_142 = tpu.vector_load %arg6[%swap3A_140, %swap3A_141] {strides = array<i32>} : memref<80x16xf32, #tpu.memory_space<vmem>>, vector<1x16xf32>,
    %swap3A_143 = vector.shape_cast %swap3A_142 : vector<1x16xf32> to vector<16xf32>
    %swap3A_144 = vector.shape_cast %broadcast_in_dim3A_1 : vector<16xf32> to vector<1x16xf32>
    tpu.vector_store %arg6[%swap3A_140, %swap3A_141], %swap3A_144 {strides = array<i32>} : memref<80x16xf32, #tpu.memory_space<vmem>>, vector<1x16xf32>,
    %swap3A_145 = arith.constant 24 : i32
    %swap3A_146 = arith.index_cast %swap3A_145 : i32 to index
    %swap3A_147 = arith.constant 0 : index
    %swap3A_148 = tpu.vector_load %arg6[%swap3A_146, %swap3A_147] {strides = array<i32>} : memref<80x16xf32, #tpu.memory_space<vmem>>, vector<1x16xf32>,
    %swap3A_149 = vector.shape_cast %swap3A_148 : vector<1x16xf32> to vector<16xf32>
    %swap3A_150 = vector.shape_cast %broadcast_in_dim3A_1 : vector<16xf32> to vector<1x16xf32>
    tpu.vector_store %arg6[%swap3A_146, %swap3A_147], %swap3A_150 {strides = array<i32>} : memref<80x16xf32, #tpu.memory_space<vmem>>, vector<1x16xf32>,
    %swap3A_151 = arith.constant 25 : i32
    %swap3A_152 = arith.index_cast %swap3A_151 : i32 to index
    %swap3A_153 = arith.constant 0 : index
    %swap3A_154 = tpu.vector_load %arg6[%swap3A_152, %swap3A_153] {strides = array<i32>} : memref<80x16xf32, #tpu.memory_space<vmem>>, vector<1x16xf32>,
    %swap3A_155 = vector.shape_cast %swap3A_154 : vector<1x16xf32> to vector<16xf32>
    %swap3A_156 = vector.shape_cast %broadcast_in_dim3A_1 : vector<16xf32> to vector<1x16xf32>
    tpu.vector_store %arg6[%swap3A_152, %swap3A_153], %swap3A_156 {strides = array<i32>} : memref<80x16xf32, #tpu.memory_space<vmem>>, vector<1x16xf32>,
    %swap3A_157 = arith.constant 26 : i32
    %swap3A_158 = arith.index_cast %swap3A_157 : i32 to index
    %swap3A_159 = arith.constant 0 : index
    %swap3A_160 = tpu.vector_load %arg6[%swap3A_158, %swap3A_159] {strides = array<i32>} : memref<80x16xf32, #tpu.memory_space<vmem>>, vector<1x16xf32>,
    %swap3A_161 = vector.shape_cast %swap3A_160 : vector<1x16xf32> to vector<16xf32>
    %swap3A_162 = vector.shape_cast %broadcast_in_dim3A_1 : vector<16xf32> to vector<1x16xf32>
    tpu.vector_store %arg6[%swap3A_158, %swap3A_159], %swap3A_162 {strides = array<i32>} : memref<80x16xf32, #tpu.memory_space<vmem>>, vector<1x16xf32>,
    %swap3A_163 = arith.constant 27 : i32
    %swap3A_164 = arith.index_cast %swap3A_163 : i32 to index
    %swap3A_165 = arith.constant 0 : index
    %swap3A_166 = tpu.vector_load %arg6[%swap3A_164, %swap3A_165] {strides = array<i32>} : memref<80x16xf32, #tpu.memory_space<vmem>>, vector<1x16xf32>,
    %swap3A_167 = vector.shape_cast %swap3A_166 : vector<1x16xf32> to vector<16xf32>
    %swap3A_168 = vector.shape_cast %broadcast_in_dim3A_1 : vector<16xf32> to vector<1x16xf32>
    tpu.vector_store %arg6[%swap3A_164, %swap3A_165], %swap3A_168 {strides = array<i32>} : memref<80x16xf32, #tpu.memory_space<vmem>>, vector<1x16xf32>,
    %swap3A_169 = arith.constant 28 : i32
    %swap3A_170 = arith.index_cast %swap3A_169 : i32 to index
    %swap3A_171 = arith.constant 0 : index
    %swap3A_172 = tpu.vector_load %arg6[%swap3A_170, %swap3A_171] {strides = array<i32>} : memref<80x16xf32, #tpu.memory_space<vmem>>, vector<1x16xf32>,
    %swap3A_173 = vector.shape_cast %swap3A_172 : vector<1x16xf32> to vector<16xf32>
    %swap3A_174 = vector.shape_cast %broadcast_in_dim3A_1 : vector<16xf32> to vector<1x16xf32>
    tpu.vector_store %arg6[%swap3A_170, %swap3A_171], %swap3A_174 {strides = array<i32>} : memref<80x16xf32, #tpu.memory_space<vmem>>, vector<1x16xf32>,
    %swap3A_175 = arith.constant 29 : i32
    %swap3A_176 = arith.index_cast %swap3A_175 : i32 to index
    %swap3A_177 = arith.constant 0 : index
    %swap3A_178 = tpu.vector_load %arg6[%swap3A_176, %swap3A_177] {strides = array<i32>} : memref<80x16xf32, #tpu.memory_space<vmem>>, vector<1x16xf32>,
    %swap3A_179 = vector.shape_cast %swap3A_178 : vector<1x16xf32> to vector<16xf32>
    %swap3A_180 = vector.shape_cast %broadcast_in_dim3A_1 : vector<16xf32> to vector<1x16xf32>
    tpu.vector_store %arg6[%swap3A_176, %swap3A_177], %swap3A_180 {strides = array<i32>} : memref<80x16xf32, #tpu.memory_space<vmem>>, vector<1x16xf32>,
    %swap3A_181 = arith.constant 30 : i32
    %swap3A_182 = arith.index_cast %swap3A_181 : i32 to index
    %swap3A_183 = arith.constant 0 : index
    %swap3A_184 = tpu.vector_load %arg6[%swap3A_182, %swap3A_183] {strides = array<i32>} : memref<80x16xf32, #tpu.memory_space<vmem>>, vector<1x16xf32>,
    %swap3A_185 = vector.shape_cast %swap3A_184 : vector<1x16xf32> to vector<16xf32>
    %swap3A_186 = vector.shape_cast %broadcast_in_dim3A_1 : vector<16xf32> to vector<1x16xf32>
    tpu.vector_store %arg6[%swap3A_182, %swap3A_183], %swap3A_186 {strides = array<i32>} : memref<80x16xf32, #tpu.memory_space<vmem>>, vector<1x16xf32>,
    %swap3A_187 = arith.constant 31 : i32
    %swap3A_188 = arith.index_cast %swap3A_187 : i32 to index
    %swap3A_189 = arith.constant 0 : index
    %swap3A_190 = tpu.vector_load %arg6[%swap3A_188, %swap3A_189] {strides = array<i32>} : memref<80x16xf32, #tpu.memory_space<vmem>>, vector<1x16xf32>,
    %swap3A_191 = vector.shape_cast %swap3A_190 : vector<1x16xf32> to vector<16xf32>
    %swap3A_192 = vector.shape_cast %broadcast_in_dim3A_1 : vector<16xf32> to vector<1x16xf32>
    tpu.vector_store %arg6[%swap3A_188, %swap3A_189], %swap3A_192 {strides = array<i32>} : memref<80x16xf32, #tpu.memory_space<vmem>>, vector<1x16xf32>,
    %swap3A_193 = arith.constant 32 : i32
    %swap3A_194 = arith.index_cast %swap3A_193 : i32 to index
    %swap3A_195 = arith.constant 0 : index
    %swap3A_196 = tpu.vector_load %arg6[%swap3A_194, %swap3A_195] {strides = array<i32>} : memref<80x16xf32, #tpu.memory_space<vmem>>, vector<1x16xf32>,
    %swap3A_197 = vector.shape_cast %swap3A_196 : vector<1x16xf32> to vector<16xf32>
    %swap3A_198 = vector.shape_cast %broadcast_in_dim3A_1 : vector<16xf32> to vector<1x16xf32>
    tpu.vector_store %arg6[%swap3A_194, %swap3A_195], %swap3A_198 {strides = array<i32>} : memref<80x16xf32, #tpu.memory_space<vmem>>, vector<1x16xf32>,
    %swap3A_199 = arith.constant 33 : i32
    %swap3A_200 = arith.index_cast %swap3A_199 : i32 to index
    %swap3A_201 = arith.constant 0 : index
    %swap3A_202 = tpu.vector_load %arg6[%swap3A_200, %swap3A_201] {strides = array<i32>} : memref<80x16xf32, #tpu.memory_space<vmem>>, vector<1x16xf32>,
    %swap3A_203 = vector.shape_cast %swap3A_202 : vector<1x16xf32> to vector<16xf32>
    %swap3A_204 = vector.shape_cast %broadcast_in_dim3A_1 : vector<16xf32> to vector<1x16xf32>
    tpu.vector_store %arg6[%swap3A_200, %swap3A_201], %swap3A_204 {strides = array<i32>} : memref<80x16xf32, #tpu.memory_space<vmem>>, vector<1x16xf32>,
    %swap3A_205 = arith.constant 34 : i32
    %swap3A_206 = arith.index_cast %swap3A_205 : i32 to index
    %swap3A_207 = arith.constant 0 : index
    %swap3A_208 = tpu.vector_load %arg6[%swap3A_206, %swap3A_207] {strides = array<i32>} : memref<80x16xf32, #tpu.memory_space<vmem>>, vector<1x16xf32>,
    %swap3A_209 = vector.shape_cast %swap3A_208 : vector<1x16xf32> to vector<16xf32>
    %swap3A_210 = vector.shape_cast %broadcast_in_dim3A_1 : vector<16xf32> to vector<1x16xf32>
    tpu.vector_store %arg6[%swap3A_206, %swap3A_207], %swap3A_210 {strides = array<i32>} : memref<80x16xf32, #tpu.memory_space<vmem>>, vector<1x16xf32>,
    %swap3A_211 = arith.constant 35 : i32
    %swap3A_212 = arith.index_cast %swap3A_211 : i32 to index
    %swap3A_213 = arith.constant 0 : index
    %swap3A_214 = tpu.vector_load %arg6[%swap3A_212, %swap3A_213] {strides = array<i32>} : memref<80x16xf32, #tpu.memory_space<vmem>>, vector<1x16xf32>,
    %swap3A_215 = vector.shape_cast %swap3A_214 : vector<1x16xf32> to vector<16xf32>
    %swap3A_216 = vector.shape_cast %broadcast_in_dim3A_1 : vector<16xf32> to vector<1x16xf32>
    tpu.vector_store %arg6[%swap3A_212, %swap3A_213], %swap3A_216 {strides = array<i32>} : memref<80x16xf32, #tpu.memory_space<vmem>>, vector<1x16xf32>,
    %swap3A_217 = arith.constant 36 : i32
    %swap3A_218 = arith.index_cast %swap3A_217 : i32 to index
    %swap3A_219 = arith.constant 0 : index
    %swap3A_220 = tpu.vector_load %arg6[%swap3A_218, %swap3A_219] {strides = array<i32>} : memref<80x16xf32, #tpu.memory_space<vmem>>, vector<1x16xf32>,
    %swap3A_221 = vector.shape_cast %swap3A_220 : vector<1x16xf32> to vector<16xf32>
    %swap3A_222 = vector.shape_cast %broadcast_in_dim3A_1 : vector<16xf32> to vector<1x16xf32>
    tpu.vector_store %arg6[%swap3A_218, %swap3A_219], %swap3A_222 {strides = array<i32>} : memref<80x16xf32, #tpu.memory_space<vmem>>, vector<1x16xf32>,
    %swap3A_223 = arith.constant 37 : i32
    %swap3A_224 = arith.index_cast %swap3A_223 : i32 to index
    %swap3A_225 = arith.constant 0 : index
    %swap3A_226 = tpu.vector_load %arg6[%swap3A_224, %swap3A_225] {strides = array<i32>} : memref<80x16xf32, #tpu.memory_space<vmem>>, vector<1x16xf32>,
    %swap3A_227 = vector.shape_cast %swap3A_226 : vector<1x16xf32> to vector<16xf32>
    %swap3A_228 = vector.shape_cast %broadcast_in_dim3A_1 : vector<16xf32> to vector<1x16xf32>
    tpu.vector_store %arg6[%swap3A_224, %swap3A_225], %swap3A_228 {strides = array<i32>} : memref<80x16xf32, #tpu.memory_space<vmem>>, vector<1x16xf32>,
    %swap3A_229 = arith.constant 38 : i32
    %swap3A_230 = arith.index_cast %swap3A_229 : i32 to index
    %swap3A_231 = arith.constant 0 : index
    %swap3A_232 = tpu.vector_load %arg6[%swap3A_230, %swap3A_231] {strides = array<i32>} : memref<80x16xf32, #tpu.memory_space<vmem>>, vector<1x16xf32>,
    %swap3A_233 = vector.shape_cast %swap3A_232 : vector<1x16xf32> to vector<16xf32>
    %swap3A_234 = vector.shape_cast %broadcast_in_dim3A_1 : vector<16xf32> to vector<1x16xf32>
    tpu.vector_store %arg6[%swap3A_230, %swap3A_231], %swap3A_234 {strides = array<i32>} : memref<80x16xf32, #tpu.memory_space<vmem>>, vector<1x16xf32>,
    %swap3A_235 = arith.constant 39 : i32
    %swap3A_236 = arith.index_cast %swap3A_235 : i32 to index
    %swap3A_237 = arith.constant 0 : index
    %swap3A_238 = tpu.vector_load %arg6[%swap3A_236, %swap3A_237] {strides = array<i32>} : memref<80x16xf32, #tpu.memory_space<vmem>>, vector<1x16xf32>,
    %swap3A_239 = vector.shape_cast %swap3A_238 : vector<1x16xf32> to vector<16xf32>
    %swap3A_240 = vector.shape_cast %broadcast_in_dim3A_1 : vector<16xf32> to vector<1x16xf32>
    tpu.vector_store %arg6[%swap3A_236, %swap3A_237], %swap3A_240 {strides = array<i32>} : memref<80x16xf32, #tpu.memory_space<vmem>>, vector<1x16xf32>,
    %swap3A_241 = arith.constant 40 : i32
    %swap3A_242 = arith.index_cast %swap3A_241 : i32 to index
    %swap3A_243 = arith.constant 0 : index
    %swap3A_244 = tpu.vector_load %arg6[%swap3A_242, %swap3A_243] {strides = array<i32>} : memref<80x16xf32, #tpu.memory_space<vmem>>, vector<1x16xf32>,
    %swap3A_245 = vector.shape_cast %swap3A_244 : vector<1x16xf32> to vector<16xf32>
    %swap3A_246 = vector.shape_cast %broadcast_in_dim3A_1 : vector<16xf32> to vector<1x16xf32>
    tpu.vector_store %arg6[%swap3A_242, %swap3A_243], %swap3A_246 {strides = array<i32>} : memref<80x16xf32, #tpu.memory_space<vmem>>, vector<1x16xf32>,
    %swap3A_247 = arith.constant 41 : i32
    %swap3A_248 = arith.index_cast %swap3A_247 : i32 to index
    %swap3A_249 = arith.constant 0 : index
    %swap3A_250 = tpu.vector_load %arg6[%swap3A_248, %swap3A_249] {strides = array<i32>} : memref<80x16xf32, #tpu.memory_space<vmem>>, vector<1x16xf32>,
    %swap3A_251 = vector.shape_cast %swap3A_250 : vector<1x16xf32> to vector<16xf32>
    %swap3A_252 = vector.shape_cast %broadcast_in_dim3A_1 : vector<16xf32> to vector<1x16xf32>
    tpu.vector_store %arg6[%swap3A_248, %swap3A_249], %swap3A_252 {strides = array<i32>} : memref<80x16xf32, #tpu.memory_space<vmem>>, vector<1x16xf32>,
    %swap3A_253 = arith.constant 42 : i32
    %swap3A_254 = arith.index_cast %swap3A_253 : i32 to index
    %swap3A_255 = arith.constant 0 : index
    %swap3A_256 = tpu.vector_load %arg6[%swap3A_254, %swap3A_255] {strides = array<i32>} : memref<80x16xf32, #tpu.memory_space<vmem>>, vector<1x16xf32>,
    %swap3A_257 = vector.shape_cast %swap3A_256 : vector<1x16xf32> to vector<16xf32>
    %swap3A_258 = vector.shape_cast %broadcast_in_dim3A_1 : vector<16xf32> to vector<1x16xf32>
    tpu.vector_store %arg6[%swap3A_254, %swap3A_255], %swap3A_258 {strides = array<i32>} : memref<80x16xf32, #tpu.memory_space<vmem>>, vector<1x16xf32>,
    %swap3A_259 = arith.constant 43 : i32
    %swap3A_260 = arith.index_cast %swap3A_259 : i32 to index
    %swap3A_261 = arith.constant 0 : index
    %swap3A_262 = tpu.vector_load %arg6[%swap3A_260, %swap3A_261] {strides = array<i32>} : memref<80x16xf32, #tpu.memory_space<vmem>>, vector<1x16xf32>,
    %swap3A_263 = vector.shape_cast %swap3A_262 : vector<1x16xf32> to vector<16xf32>
    %swap3A_264 = vector.shape_cast %broadcast_in_dim3A_1 : vector<16xf32> to vector<1x16xf32>
    tpu.vector_store %arg6[%swap3A_260, %swap3A_261], %swap3A_264 {strides = array<i32>} : memref<80x16xf32, #tpu.memory_space<vmem>>, vector<1x16xf32>,
    %swap3A_265 = arith.constant 44 : i32
    %swap3A_266 = arith.index_cast %swap3A_265 : i32 to index
    %swap3A_267 = arith.constant 0 : index
    %swap3A_268 = tpu.vector_load %arg6[%swap3A_266, %swap3A_267] {strides = array<i32>} : memref<80x16xf32, #tpu.memory_space<vmem>>, vector<1x16xf32>,
    %swap3A_269 = vector.shape_cast %swap3A_268 : vector<1x16xf32> to vector<16xf32>
    %swap3A_270 = vector.shape_cast %broadcast_in_dim3A_1 : vector<16xf32> to vector<1x16xf32>
    tpu.vector_store %arg6[%swap3A_266, %swap3A_267], %swap3A_270 {strides = array<i32>} : memref<80x16xf32, #tpu.memory_space<vmem>>, vector<1x16xf32>,
    %swap3A_271 = arith.constant 45 : i32
    %swap3A_272 = arith.index_cast %swap3A_271 : i32 to index
    %swap3A_273 = arith.constant 0 : index
    %swap3A_274 = tpu.vector_load %arg6[%swap3A_272, %swap3A_273] {strides = array<i32>} : memref<80x16xf32, #tpu.memory_space<vmem>>, vector<1x16xf32>,
    %swap3A_275 = vector.shape_cast %swap3A_274 : vector<1x16xf32> to vector<16xf32>
    %swap3A_276 = vector.shape_cast %broadcast_in_dim3A_1 : vector<16xf32> to vector<1x16xf32>
    tpu.vector_store %arg6[%swap3A_272, %swap3A_273], %swap3A_276 {strides = array<i32>} : memref<80x16xf32, #tpu.memory_space<vmem>>, vector<1x16xf32>,
    %swap3A_277 = arith.constant 46 : i32
    %swap3A_278 = arith.index_cast %swap3A_277 : i32 to index
    %swap3A_279 = arith.constant 0 : index
    %swap3A_280 = tpu.vector_load %arg6[%swap3A_278, %swap3A_279] {strides = array<i32>} : memref<80x16xf32, #tpu.memory_space<vmem>>, vector<1x16xf32>,
    %swap3A_281 = vector.shape_cast %swap3A_280 : vector<1x16xf32> to vector<16xf32>
    %swap3A_282 = vector.shape_cast %broadcast_in_dim3A_1 : vector<16xf32> to vector<1x16xf32>
    tpu.vector_store %arg6[%swap3A_278, %swap3A_279], %swap3A_282 {strides = array<i32>} : memref<80x16xf32, #tpu.memory_space<vmem>>, vector<1x16xf32>,
    %swap3A_283 = arith.constant 47 : i32
    %swap3A_284 = arith.index_cast %swap3A_283 : i32 to index
    %swap3A_285 = arith.constant 0 : index
    %swap3A_286 = tpu.vector_load %arg6[%swap3A_284, %swap3A_285] {strides = array<i32>} : memref<80x16xf32, #tpu.memory_space<vmem>>, vector<1x16xf32>,
    %swap3A_287 = vector.shape_cast %swap3A_286 : vector<1x16xf32> to vector<16xf32>
    %swap3A_288 = vector.shape_cast %broadcast_in_dim3A_1 : vector<16xf32> to vector<1x16xf32>
    tpu.vector_store %arg6[%swap3A_284, %swap3A_285], %swap3A_288 {strides = array<i32>} : memref<80x16xf32, #tpu.memory_space<vmem>>, vector<1x16xf32>,
    %swap3A_289 = arith.constant 48 : i32
    %swap3A_290 = arith.index_cast %swap3A_289 : i32 to index
    %swap3A_291 = arith.constant 0 : index
    %swap3A_292 = tpu.vector_load %arg6[%swap3A_290, %swap3A_291] {strides = array<i32>} : memref<80x16xf32, #tpu.memory_space<vmem>>, vector<1x16xf32>,
    %swap3A_293 = vector.shape_cast %swap3A_292 : vector<1x16xf32> to vector<16xf32>
    %swap3A_294 = vector.shape_cast %broadcast_in_dim3A_1 : vector<16xf32> to vector<1x16xf32>
    tpu.vector_store %arg6[%swap3A_290, %swap3A_291], %swap3A_294 {strides = array<i32>} : memref<80x16xf32, #tpu.memory_space<vmem>>, vector<1x16xf32>,
    %swap3A_295 = arith.constant 49 : i32
    %swap3A_296 = arith.index_cast %swap3A_295 : i32 to index
    %swap3A_297 = arith.constant 0 : index
    %swap3A_298 = tpu.vector_load %arg6[%swap3A_296, %swap3A_297] {strides = array<i32>} : memref<80x16xf32, #tpu.memory_space<vmem>>, vector<1x16xf32>,
    %swap3A_299 = vector.shape_cast %swap3A_298 : vector<1x16xf32> to vector<16xf32>
    %swap3A_300 = vector.shape_cast %broadcast_in_dim3A_1 : vector<16xf32> to vector<1x16xf32>
    tpu.vector_store %arg6[%swap3A_296, %swap3A_297], %swap3A_300 {strides = array<i32>} : memref<80x16xf32, #tpu.memory_space<vmem>>, vector<1x16xf32>,
    %swap3A_301 = arith.constant 50 : i32
    %swap3A_302 = arith.index_cast %swap3A_301 : i32 to index
    %swap3A_303 = arith.constant 0 : index
    %swap3A_304 = tpu.vector_load %arg6[%swap3A_302, %swap3A_303] {strides = array<i32>} : memref<80x16xf32, #tpu.memory_space<vmem>>, vector<1x16xf32>,
    %swap3A_305 = vector.shape_cast %swap3A_304 : vector<1x16xf32> to vector<16xf32>
    %swap3A_306 = vector.shape_cast %broadcast_in_dim3A_1 : vector<16xf32> to vector<1x16xf32>
    tpu.vector_store %arg6[%swap3A_302, %swap3A_303], %swap3A_306 {strides = array<i32>} : memref<80x16xf32, #tpu.memory_space<vmem>>, vector<1x16xf32>,
    %swap3A_307 = arith.constant 51 : i32
    %swap3A_308 = arith.index_cast %swap3A_307 : i32 to index
    %swap3A_309 = arith.constant 0 : index
    %swap3A_310 = tpu.vector_load %arg6[%swap3A_308, %swap3A_309] {strides = array<i32>} : memref<80x16xf32, #tpu.memory_space<vmem>>, vector<1x16xf32>,
    %swap3A_311 = vector.shape_cast %swap3A_310 : vector<1x16xf32> to vector<16xf32>
    %swap3A_312 = vector.shape_cast %broadcast_in_dim3A_1 : vector<16xf32> to vector<1x16xf32>
    tpu.vector_store %arg6[%swap3A_308, %swap3A_309], %swap3A_312 {strides = array<i32>} : memref<80x16xf32, #tpu.memory_space<vmem>>, vector<1x16xf32>,
    %swap3A_313 = arith.constant 52 : i32
    %swap3A_314 = arith.index_cast %swap3A_313 : i32 to index
    %swap3A_315 = arith.constant 0 : index
    %swap3A_316 = tpu.vector_load %arg6[%swap3A_314, %swap3A_315] {strides = array<i32>} : memref<80x16xf32, #tpu.memory_space<vmem>>, vector<1x16xf32>,
    %swap3A_317 = vector.shape_cast %swap3A_316 : vector<1x16xf32> to vector<16xf32>
    %swap3A_318 = vector.shape_cast %broadcast_in_dim3A_1 : vector<16xf32> to vector<1x16xf32>
    tpu.vector_store %arg6[%swap3A_314, %swap3A_315], %swap3A_318 {strides = array<i32>} : memref<80x16xf32, #tpu.memory_space<vmem>>, vector<1x16xf32>,
    %swap3A_319 = arith.constant 53 : i32
    %swap3A_320 = arith.index_cast %swap3A_319 : i32 to index
    %swap3A_321 = arith.constant 0 : index
    %swap3A_322 = tpu.vector_load %arg6[%swap3A_320, %swap3A_321] {strides = array<i32>} : memref<80x16xf32, #tpu.memory_space<vmem>>, vector<1x16xf32>,
    %swap3A_323 = vector.shape_cast %swap3A_322 : vector<1x16xf32> to vector<16xf32>
    %swap3A_324 = vector.shape_cast %broadcast_in_dim3A_1 : vector<16xf32> to vector<1x16xf32>
    tpu.vector_store %arg6[%swap3A_320, %swap3A_321], %swap3A_324 {strides = array<i32>} : memref<80x16xf32, #tpu.memory_space<vmem>>, vector<1x16xf32>,
    %swap3A_325 = arith.constant 54 : i32
    %swap3A_326 = arith.index_cast %swap3A_325 : i32 to index
    %swap3A_327 = arith.constant 0 : index
    %swap3A_328 = tpu.vector_load %arg6[%swap3A_326, %swap3A_327] {strides = array<i32>} : memref<80x16xf32, #tpu.memory_space<vmem>>, vector<1x16xf32>,
    %swap3A_329 = vector.shape_cast %swap3A_328 : vector<1x16xf32> to vector<16xf32>
    %swap3A_330 = vector.shape_cast %broadcast_in_dim3A_1 : vector<16xf32> to vector<1x16xf32>
    tpu.vector_store %arg6[%swap3A_326, %swap3A_327], %swap3A_330 {strides = array<i32>} : memref<80x16xf32, #tpu.memory_space<vmem>>, vector<1x16xf32>,
    %swap3A_331 = arith.constant 55 : i32
    %swap3A_332 = arith.index_cast %swap3A_331 : i32 to index
    %swap3A_333 = arith.constant 0 : index
    %swap3A_334 = tpu.vector_load %arg6[%swap3A_332, %swap3A_333] {strides = array<i32>} : memref<80x16xf32, #tpu.memory_space<vmem>>, vector<1x16xf32>,
    %swap3A_335 = vector.shape_cast %swap3A_334 : vector<1x16xf32> to vector<16xf32>
    %swap3A_336 = vector.shape_cast %broadcast_in_dim3A_1 : vector<16xf32> to vector<1x16xf32>
    tpu.vector_store %arg6[%swap3A_332, %swap3A_333], %swap3A_336 {strides = array<i32>} : memref<80x16xf32, #tpu.memory_space<vmem>>, vector<1x16xf32>,
    %swap3A_337 = arith.constant 56 : i32
    %swap3A_338 = arith.index_cast %swap3A_337 : i32 to index
    %swap3A_339 = arith.constant 0 : index
    %swap3A_340 = tpu.vector_load %arg6[%swap3A_338, %swap3A_339] {strides = array<i32>} : memref<80x16xf32, #tpu.memory_space<vmem>>, vector<1x16xf32>,
    %swap3A_341 = vector.shape_cast %swap3A_340 : vector<1x16xf32> to vector<16xf32>
    %swap3A_342 = vector.shape_cast %broadcast_in_dim3A_1 : vector<16xf32> to vector<1x16xf32>
    tpu.vector_store %arg6[%swap3A_338, %swap3A_339], %swap3A_342 {strides = array<i32>} : memref<80x16xf32, #tpu.memory_space<vmem>>, vector<1x16xf32>,
    %swap3A_343 = arith.constant 57 : i32
    %swap3A_344 = arith.index_cast %swap3A_343 : i32 to index
    %swap3A_345 = arith.constant 0 : index
    %swap3A_346 = tpu.vector_load %arg6[%swap3A_344, %swap3A_345] {strides = array<i32>} : memref<80x16xf32, #tpu.memory_space<vmem>>, vector<1x16xf32>,
    %swap3A_347 = vector.shape_cast %swap3A_346 : vector<1x16xf32> to vector<16xf32>
    %swap3A_348 = vector.shape_cast %broadcast_in_dim3A_1 : vector<16xf32> to vector<1x16xf32>
    tpu.vector_store %arg6[%swap3A_344, %swap3A_345], %swap3A_348 {strides = array<i32>} : memref<80x16xf32, #tpu.memory_space<vmem>>, vector<1x16xf32>,
    %swap3A_349 = arith.constant 58 : i32
    %swap3A_350 = arith.index_cast %swap3A_349 : i32 to index
    %swap3A_351 = arith.constant 0 : index
    %swap3A_352 = tpu.vector_load %arg6[%swap3A_350, %swap3A_351] {strides = array<i32>} : memref<80x16xf32, #tpu.memory_space<vmem>>, vector<1x16xf32>,
    %swap3A_353 = vector.shape_cast %swap3A_352 : vector<1x16xf32> to vector<16xf32>
    %swap3A_354 = vector.shape_cast %broadcast_in_dim3A_1 : vector<16xf32> to vector<1x16xf32>
    tpu.vector_store %arg6[%swap3A_350, %swap3A_351], %swap3A_354 {strides = array<i32>} : memref<80x16xf32, #tpu.memory_space<vmem>>, vector<1x16xf32>,
    %swap3A_355 = arith.constant 59 : i32
    %swap3A_356 = arith.index_cast %swap3A_355 : i32 to index
    %swap3A_357 = arith.constant 0 : index
    %swap3A_358 = tpu.vector_load %arg6[%swap3A_356, %swap3A_357] {strides = array<i32>} : memref<80x16xf32, #tpu.memory_space<vmem>>, vector<1x16xf32>,
    %swap3A_359 = vector.shape_cast %swap3A_358 : vector<1x16xf32> to vector<16xf32>
    %swap3A_360 = vector.shape_cast %broadcast_in_dim3A_1 : vector<16xf32> to vector<1x16xf32>
    tpu.vector_store %arg6[%swap3A_356, %swap3A_357], %swap3A_360 {strides = array<i32>} : memref<80x16xf32, #tpu.memory_space<vmem>>, vector<1x16xf32>,
    %swap3A_361 = arith.constant 60 : i32
    %swap3A_362 = arith.index_cast %swap3A_361 : i32 to index
    %swap3A_363 = arith.constant 0 : index
    %swap3A_364 = tpu.vector_load %arg6[%swap3A_362, %swap3A_363] {strides = array<i32>} : memref<80x16xf32, #tpu.memory_space<vmem>>, vector<1x16xf32>,
    %swap3A_365 = vector.shape_cast %swap3A_364 : vector<1x16xf32> to vector<16xf32>
    %swap3A_366 = vector.shape_cast %broadcast_in_dim3A_1 : vector<16xf32> to vector<1x16xf32>
    tpu.vector_store %arg6[%swap3A_362, %swap3A_363], %swap3A_366 {strides = array<i32>} : memref<80x16xf32, #tpu.memory_space<vmem>>, vector<1x16xf32>,
    %swap3A_367 = arith.constant 61 : i32
    %swap3A_368 = arith.index_cast %swap3A_367 : i32 to index
    %swap3A_369 = arith.constant 0 : index
    %swap3A_370 = tpu.vector_load %arg6[%swap3A_368, %swap3A_369] {strides = array<i32>} : memref<80x16xf32, #tpu.memory_space<vmem>>, vector<1x16xf32>,
    %swap3A_371 = vector.shape_cast %swap3A_370 : vector<1x16xf32> to vector<16xf32>
    %swap3A_372 = vector.shape_cast %broadcast_in_dim3A_1 : vector<16xf32> to vector<1x16xf32>
    tpu.vector_store %arg6[%swap3A_368, %swap3A_369], %swap3A_372 {strides = array<i32>} : memref<80x16xf32, #tpu.memory_space<vmem>>, vector<1x16xf32>,
    %swap3A_373 = arith.constant 62 : i32
    %swap3A_374 = arith.index_cast %swap3A_373 : i32 to index
    %swap3A_375 = arith.constant 0 : index
    %swap3A_376 = tpu.vector_load %arg6[%swap3A_374, %swap3A_375] {strides = array<i32>} : memref<80x16xf32, #tpu.memory_space<vmem>>, vector<1x16xf32>,
    %swap3A_377 = vector.shape_cast %swap3A_376 : vector<1x16xf32> to vector<16xf32>
    %swap3A_378 = vector.shape_cast %broadcast_in_dim3A_1 : vector<16xf32> to vector<1x16xf32>
    tpu.vector_store %arg6[%swap3A_374, %swap3A_375], %swap3A_378 {strides = array<i32>} : memref<80x16xf32, #tpu.memory_space<vmem>>, vector<1x16xf32>,
    %swap3A_379 = arith.constant 63 : i32
    %swap3A_380 = arith.index_cast %swap3A_379 : i32 to index
    %swap3A_381 = arith.constant 0 : index
    %swap3A_382 = tpu.vector_load %arg6[%swap3A_380, %swap3A_381] {strides = array<i32>} : memref<80x16xf32, #tpu.memory_space<vmem>>, vector<1x16xf32>,
    %swap3A_383 = vector.shape_cast %swap3A_382 : vector<1x16xf32> to vector<16xf32>
    %swap3A_384 = vector.shape_cast %broadcast_in_dim3A_1 : vector<16xf32> to vector<1x16xf32>
    tpu.vector_store %arg6[%swap3A_380, %swap3A_381], %swap3A_384 {strides = array<i32>} : memref<80x16xf32, #tpu.memory_space<vmem>>, vector<1x16xf32>,
    %swap3A_385 = arith.constant 64 : i32
    %swap3A_386 = arith.index_cast %swap3A_385 : i32 to index
    %swap3A_387 = arith.constant 0 : index
    %swap3A_388 = tpu.vector_load %arg6[%swap3A_386, %swap3A_387] {strides = array<i32>} : memref<80x16xf32, #tpu.memory_space<vmem>>, vector<1x16xf32>,
    %swap3A_389 = vector.shape_cast %swap3A_388 : vector<1x16xf32> to vector<16xf32>
    %swap3A_390 = vector.shape_cast %broadcast_in_dim3A_1 : vector<16xf32> to vector<1x16xf32>
    tpu.vector_store %arg6[%swap3A_386, %swap3A_387], %swap3A_390 {strides = array<i32>} : memref<80x16xf32, #tpu.memory_space<vmem>>, vector<1x16xf32>,
    %swap3A_391 = arith.constant 65 : i32
    %swap3A_392 = arith.index_cast %swap3A_391 : i32 to index
    %swap3A_393 = arith.constant 0 : index
    %swap3A_394 = tpu.vector_load %arg6[%swap3A_392, %swap3A_393] {strides = array<i32>} : memref<80x16xf32, #tpu.memory_space<vmem>>, vector<1x16xf32>,
    %swap3A_395 = vector.shape_cast %swap3A_394 : vector<1x16xf32> to vector<16xf32>
    %swap3A_396 = vector.shape_cast %broadcast_in_dim3A_1 : vector<16xf32> to vector<1x16xf32>
    tpu.vector_store %arg6[%swap3A_392, %swap3A_393], %swap3A_396 {strides = array<i32>} : memref<80x16xf32, #tpu.memory_space<vmem>>, vector<1x16xf32>,
    %swap3A_397 = arith.constant 66 : i32
    %swap3A_398 = arith.index_cast %swap3A_397 : i32 to index
    %swap3A_399 = arith.constant 0 : index
    %swap3A_400 = tpu.vector_load %arg6[%swap3A_398, %swap3A_399] {strides = array<i32>} : memref<80x16xf32, #tpu.memory_space<vmem>>, vector<1x16xf32>,
    %swap3A_401 = vector.shape_cast %swap3A_400 : vector<1x16xf32> to vector<16xf32>
    %swap3A_402 = vector.shape_cast %broadcast_in_dim3A_1 : vector<16xf32> to vector<1x16xf32>
    tpu.vector_store %arg6[%swap3A_398, %swap3A_399], %swap3A_402 {strides = array<i32>} : memref<80x16xf32, #tpu.memory_space<vmem>>, vector<1x16xf32>,
    %swap3A_403 = arith.constant 67 : i32
    %swap3A_404 = arith.index_cast %swap3A_403 : i32 to index
    %swap3A_405 = arith.constant 0 : index
    %swap3A_406 = tpu.vector_load %arg6[%swap3A_404, %swap3A_405] {strides = array<i32>} : memref<80x16xf32, #tpu.memory_space<vmem>>, vector<1x16xf32>,
    %swap3A_407 = vector.shape_cast %swap3A_406 : vector<1x16xf32> to vector<16xf32>
    %swap3A_408 = vector.shape_cast %broadcast_in_dim3A_1 : vector<16xf32> to vector<1x16xf32>
    tpu.vector_store %arg6[%swap3A_404, %swap3A_405], %swap3A_408 {strides = array<i32>} : memref<80x16xf32, #tpu.memory_space<vmem>>, vector<1x16xf32>,
    %swap3A_409 = arith.constant 68 : i32
    %swap3A_410 = arith.index_cast %swap3A_409 : i32 to index
    %swap3A_411 = arith.constant 0 : index
    %swap3A_412 = tpu.vector_load %arg6[%swap3A_410, %swap3A_411] {strides = array<i32>} : memref<80x16xf32, #tpu.memory_space<vmem>>, vector<1x16xf32>,
    %swap3A_413 = vector.shape_cast %swap3A_412 : vector<1x16xf32> to vector<16xf32>
    %swap3A_414 = vector.shape_cast %broadcast_in_dim3A_1 : vector<16xf32> to vector<1x16xf32>
    tpu.vector_store %arg6[%swap3A_410, %swap3A_411], %swap3A_414 {strides = array<i32>} : memref<80x16xf32, #tpu.memory_space<vmem>>, vector<1x16xf32>,
    %swap3A_415 = arith.constant 69 : i32
    %swap3A_416 = arith.index_cast %swap3A_415 : i32 to index
    %swap3A_417 = arith.constant 0 : index
    %swap3A_418 = tpu.vector_load %arg6[%swap3A_416, %swap3A_417] {strides = array<i32>} : memref<80x16xf32, #tpu.memory_space<vmem>>, vector<1x16xf32>,
    %swap3A_419 = vector.shape_cast %swap3A_418 : vector<1x16xf32> to vector<16xf32>
    %swap3A_420 = vector.shape_cast %broadcast_in_dim3A_1 : vector<16xf32> to vector<1x16xf32>
    tpu.vector_store %arg6[%swap3A_416, %swap3A_417], %swap3A_420 {strides = array<i32>} : memref<80x16xf32, #tpu.memory_space<vmem>>, vector<1x16xf32>,
    %swap3A_421 = arith.constant 70 : i32
    %swap3A_422 = arith.index_cast %swap3A_421 : i32 to index
    %swap3A_423 = arith.constant 0 : index
    %swap3A_424 = tpu.vector_load %arg6[%swap3A_422, %swap3A_423] {strides = array<i32>} : memref<80x16xf32, #tpu.memory_space<vmem>>, vector<1x16xf32>,
    %swap3A_425 = vector.shape_cast %swap3A_424 : vector<1x16xf32> to vector<16xf32>
    %swap3A_426 = vector.shape_cast %broadcast_in_dim3A_1 : vector<16xf32> to vector<1x16xf32>
    tpu.vector_store %arg6[%swap3A_422, %swap3A_423], %swap3A_426 {strides = array<i32>} : memref<80x16xf32, #tpu.memory_space<vmem>>, vector<1x16xf32>,
    %swap3A_427 = arith.constant 71 : i32
    %swap3A_428 = arith.index_cast %swap3A_427 : i32 to index
    %swap3A_429 = arith.constant 0 : index
    %swap3A_430 = tpu.vector_load %arg6[%swap3A_428, %swap3A_429] {strides = array<i32>} : memref<80x16xf32, #tpu.memory_space<vmem>>, vector<1x16xf32>,
    %swap3A_431 = vector.shape_cast %swap3A_430 : vector<1x16xf32> to vector<16xf32>
    %swap3A_432 = vector.shape_cast %broadcast_in_dim3A_1 : vector<16xf32> to vector<1x16xf32>
    tpu.vector_store %arg6[%swap3A_428, %swap3A_429], %swap3A_432 {strides = array<i32>} : memref<80x16xf32, #tpu.memory_space<vmem>>, vector<1x16xf32>,
    %swap3A_433 = arith.constant 72 : i32
    %swap3A_434 = arith.index_cast %swap3A_433 : i32 to index
    %swap3A_435 = arith.constant 0 : index
    %swap3A_436 = tpu.vector_load %arg6[%swap3A_434, %swap3A_435] {strides = array<i32>} : memref<80x16xf32, #tpu.memory_space<vmem>>, vector<1x16xf32>,
    %swap3A_437 = vector.shape_cast %swap3A_436 : vector<1x16xf32> to vector<16xf32>
    %swap3A_438 = vector.shape_cast %broadcast_in_dim3A_1 : vector<16xf32> to vector<1x16xf32>
    tpu.vector_store %arg6[%swap3A_434, %swap3A_435], %swap3A_438 {strides = array<i32>} : memref<80x16xf32, #tpu.memory_space<vmem>>, vector<1x16xf32>,
    %swap3A_439 = arith.constant 73 : i32
    %swap3A_440 = arith.index_cast %swap3A_439 : i32 to index
    %swap3A_441 = arith.constant 0 : index
    %swap3A_442 = tpu.vector_load %arg6[%swap3A_440, %swap3A_441] {strides = array<i32>} : memref<80x16xf32, #tpu.memory_space<vmem>>, vector<1x16xf32>,
    %swap3A_443 = vector.shape_cast %swap3A_442 : vector<1x16xf32> to vector<16xf32>
    %swap3A_444 = vector.shape_cast %broadcast_in_dim3A_1 : vector<16xf32> to vector<1x16xf32>
    tpu.vector_store %arg6[%swap3A_440, %swap3A_441], %swap3A_444 {strides = array<i32>} : memref<80x16xf32, #tpu.memory_space<vmem>>, vector<1x16xf32>,
    %swap3A_445 = arith.constant 74 : i32
    %swap3A_446 = arith.index_cast %swap3A_445 : i32 to index
    %swap3A_447 = arith.constant 0 : index
    %swap3A_448 = tpu.vector_load %arg6[%swap3A_446, %swap3A_447] {strides = array<i32>} : memref<80x16xf32, #tpu.memory_space<vmem>>, vector<1x16xf32>,
    %swap3A_449 = vector.shape_cast %swap3A_448 : vector<1x16xf32> to vector<16xf32>
    %swap3A_450 = vector.shape_cast %broadcast_in_dim3A_1 : vector<16xf32> to vector<1x16xf32>
    tpu.vector_store %arg6[%swap3A_446, %swap3A_447], %swap3A_450 {strides = array<i32>} : memref<80x16xf32, #tpu.memory_space<vmem>>, vector<1x16xf32>,
    %swap3A_451 = arith.constant 75 : i32
    %swap3A_452 = arith.index_cast %swap3A_451 : i32 to index
    %swap3A_453 = arith.constant 0 : index
    %swap3A_454 = tpu.vector_load %arg6[%swap3A_452, %swap3A_453] {strides = array<i32>} : memref<80x16xf32, #tpu.memory_space<vmem>>, vector<1x16xf32>,
    %swap3A_455 = vector.shape_cast %swap3A_454 : vector<1x16xf32> to vector<16xf32>
    %swap3A_456 = vector.shape_cast %broadcast_in_dim3A_1 : vector<16xf32> to vector<1x16xf32>
    tpu.vector_store %arg6[%swap3A_452, %swap3A_453], %swap3A_456 {strides = array<i32>} : memref<80x16xf32, #tpu.memory_space<vmem>>, vector<1x16xf32>,
    %swap3A_457 = arith.constant 76 : i32
    %swap3A_458 = arith.index_cast %swap3A_457 : i32 to index
    %swap3A_459 = arith.constant 0 : index
    %swap3A_460 = tpu.vector_load %arg6[%swap3A_458, %swap3A_459] {strides = array<i32>} : memref<80x16xf32, #tpu.memory_space<vmem>>, vector<1x16xf32>,
    %swap3A_461 = vector.shape_cast %swap3A_460 : vector<1x16xf32> to vector<16xf32>
    %swap3A_462 = vector.shape_cast %broadcast_in_dim3A_1 : vector<16xf32> to vector<1x16xf32>
    tpu.vector_store %arg6[%swap3A_458, %swap3A_459], %swap3A_462 {strides = array<i32>} : memref<80x16xf32, #tpu.memory_space<vmem>>, vector<1x16xf32>,
    %swap3A_463 = arith.constant 77 : i32
    %swap3A_464 = arith.index_cast %swap3A_463 : i32 to index
    %swap3A_465 = arith.constant 0 : index
    %swap3A_466 = tpu.vector_load %arg6[%swap3A_464, %swap3A_465] {strides = array<i32>} : memref<80x16xf32, #tpu.memory_space<vmem>>, vector<1x16xf32>,
    %swap3A_467 = vector.shape_cast %swap3A_466 : vector<1x16xf32> to vector<16xf32>
    %swap3A_468 = vector.shape_cast %broadcast_in_dim3A_1 : vector<16xf32> to vector<1x16xf32>
    tpu.vector_store %arg6[%swap3A_464, %swap3A_465], %swap3A_468 {strides = array<i32>} : memref<80x16xf32, #tpu.memory_space<vmem>>, vector<1x16xf32>,
    %swap3A_469 = arith.constant 78 : i32
    %swap3A_470 = arith.index_cast %swap3A_469 : i32 to index
    %swap3A_471 = arith.constant 0 : index
    %swap3A_472 = tpu.vector_load %arg6[%swap3A_470, %swap3A_471] {strides = array<i32>} : memref<80x16xf32, #tpu.memory_space<vmem>>, vector<1x16xf32>,
    %swap3A_473 = vector.shape_cast %swap3A_472 : vector<1x16xf32> to vector<16xf32>
    %swap3A_474 = vector.shape_cast %broadcast_in_dim3A_1 : vector<16xf32> to vector<1x16xf32>
    tpu.vector_store %arg6[%swap3A_470, %swap3A_471], %swap3A_474 {strides = array<i32>} : memref<80x16xf32, #tpu.memory_space<vmem>>, vector<1x16xf32>,
    %swap3A_475 = arith.constant 79 : i32
    %swap3A_476 = arith.index_cast %swap3A_475 : i32 to index
    %swap3A_477 = arith.constant 0 : index
    %swap3A_478 = tpu.vector_load %arg6[%swap3A_476, %swap3A_477] {strides = array<i32>} : memref<80x16xf32, #tpu.memory_space<vmem>>, vector<1x16xf32>,
    %swap3A_479 = vector.shape_cast %swap3A_478 : vector<1x16xf32> to vector<16xf32>
    %swap3A_480 = vector.shape_cast %broadcast_in_dim3A_1 : vector<16xf32> to vector<1x16xf32>
    tpu.vector_store %arg6[%swap3A_476, %swap3A_477], %swap3A_480 {strides = array<i32>} : memref<80x16xf32, #tpu.memory_space<vmem>>, vector<1x16xf32>,
    %mul3A_481 = arith.constant 640 : i32
    %mul3A_482 = arith.muli %arg1, %mul3A_481 : i32
    "tpu.region"() ({
      %run_scoped3A = tpu.sem_alloc : memref<!tpu.dma_semaphore, #tpu.memory_space<semaphore_mem>>
      %dma_start3A = arith.constant 0 : i32
      %dma_start3A_491 = tpu.memref_slice %arg7[%mul3A_482, %dma_start3A] : memref<10240x16xf32, #tpu.memory_space<vmem_shared>> -> memref<640x16xf32, #tpu.memory_space<vmem_shared>>
      %dma_start3A_492 = arith.constant 0 : i32
      %dma_start3A_493 = tpu.memref_slice %arg3[%mul3A_482, %dma_start3A_492] : memref<10240x16xf32, #tpu.memory_space<hbm>> -> memref<640x16xf32, #tpu.memory_space<hbm>>
      tpu.enqueue_dma source(%dma_start3A_493 : memref<640x16xf32, #tpu.memory_space<hbm>>) target(%dma_start3A_491 : memref<640x16xf32, #tpu.memory_space<vmem_shared>>) target_semaphore(%run_scoped3A : memref<!tpu.dma_semaphore, #tpu.memory_space<semaphore_mem>>)
      %dma_wait3A = arith.constant 0 : i32
      %dma_wait3A_494 = tpu.memref_slice %arg7[%mul3A_482, %dma_wait3A] : memref<10240x16xf32, #tpu.memory_space<vmem_shared>> -> memref<640x16xf32, #tpu.memory_space<vmem_shared>>
      %dma_wait3A_495 = arith.constant 0 : i32
      %dma_wait3A_496 = tpu.memref_slice %arg3[%mul3A_482, %dma_wait3A_495] : memref<10240x16xf32, #tpu.memory_space<hbm>> -> memref<640x16xf32, #tpu.memory_space<hbm>>
      tpu.wait_dma2 semaphore(%run_scoped3A : memref<!tpu.dma_semaphore, #tpu.memory_space<semaphore_mem>>) src(%dma_wait3A_496 : memref<640x16xf32, #tpu.memory_space<hbm>>) dst(%dma_wait3A_494 : memref<640x16xf32, #tpu.memory_space<vmem_shared>>)
      tpu.yield
    }) : () -> ()
    %barrier3A = arith.constant 0 : index
    tpu.barrier barrier_id(%barrier3A)
    %mul3A_483 = arith.constant 10000 : i32
    %mul3A_484 = arith.muli %add3A, %mul3A_483 : i32
    %scan3A = arith.constant 0 : i32
    %scan3A_485 = arith.constant 0 : i32
    %scan3A_486 = arith.constant 125 : i32
    %scan3A_487 = arith.addi %scan3A_485, %scan3A_486 : i32
    %scan3A_488 = arith.constant 1 : i32
    scf.for %scan3A_491 = %scan3A_485 to %scan3A_487 step %scan3A_488  : i32 {
      %mul3A_492 = arith.constant 80 : i32
      %mul3A_493 = arith.muli %scan3A_491, %mul3A_492 : i32
      %add3A_494 = arith.addi %mul3A_484, %mul3A_493 : i32
      "tpu.region"() ({
        %run_scoped3A = tpu.sem_alloc : memref<!tpu.dma_semaphore, #tpu.memory_space<semaphore_mem>>
        %dma_start3A = tpu.memref_slice %arg2[%add3A_494] : memref<320000xi32, #tpu.memory_space<hbm>> -> memref<80xi32, #tpu.memory_space<hbm>>
        %dma_start3A_495 = tpu.memref_slice %arg2[%add3A_494] : memref<320000xi32, #tpu.memory_space<hbm>> -> memref<80xi32, #tpu.memory_space<hbm>>
        tpu.enqueue_dma source(%dma_start3A_495 : memref<80xi32, #tpu.memory_space<hbm>>) target(%arg5 : memref<80xi32, #tpu.memory_space<vmem>>) target_semaphore(%run_scoped3A : memref<!tpu.dma_semaphore, #tpu.memory_space<semaphore_mem>>)
        %dma_wait3A = tpu.memref_slice %arg2[%add3A_494] : memref<320000xi32, #tpu.memory_space<hbm>> -> memref<80xi32, #tpu.memory_space<hbm>>
        %dma_wait3A_496 = tpu.memref_slice %arg2[%add3A_494] : memref<320000xi32, #tpu.memory_space<hbm>> -> memref<80xi32, #tpu.memory_space<hbm>>
        tpu.wait_dma2 semaphore(%run_scoped3A : memref<!tpu.dma_semaphore, #tpu.memory_space<semaphore_mem>>) src(%dma_wait3A_496 : memref<80xi32, #tpu.memory_space<hbm>>) dst(%arg5 : memref<80xi32, #tpu.memory_space<vmem>>)
        tpu.yield
      }) : () -> ()
      "tpu.region"() ({
        %run_scoped3A = tpu.sem_alloc : memref<!tpu.dma_semaphore, #tpu.memory_space<semaphore_mem>>
        %dma_start3A = arith.constant 0 : i32
        %dma_start3A_495 = arith.constant 0 : i32
        %dma_start3A_496 = tpu.memref_slice %arg7[%dma_start3A, %dma_start3A_495] : memref<10240x16xf32, #tpu.memory_space<vmem_shared>> -> memref<10240x16xf32, #tpu.memory_space<vmem_shared>>
        tpu.enqueue_indirect_dma source(%arg6 : memref<80x16xf32, #tpu.memory_space<vmem>>) target(%dma_start3A_496 : memref<10240x16xf32, #tpu.memory_space<vmem_shared>>) offsets(%arg5 : memref<80xi32, #tpu.memory_space<vmem>>) semaphore(%run_scoped3A : memref<!tpu.dma_semaphore, #tpu.memory_space<semaphore_mem>>) {add = true}
        %dma_wait3A = arith.constant 0 : i32
        %dma_wait3A_497 = arith.constant 0 : i32
        %dma_wait3A_498 = tpu.memref_slice %arg7[%dma_wait3A, %dma_wait3A_497] : memref<10240x16xf32, #tpu.memory_space<vmem_shared>> -> memref<10240x16xf32, #tpu.memory_space<vmem_shared>>
        tpu.wait_indirect_dma semaphore(%run_scoped3A : memref<!tpu.dma_semaphore, #tpu.memory_space<semaphore_mem>>) src(%arg6 : memref<80x16xf32, #tpu.memory_space<vmem>>) dst(%dma_wait3A_498 : memref<10240x16xf32, #tpu.memory_space<vmem_shared>>)
        tpu.yield
      }) : () -> ()
    }
    %scan3A_489 = arith.constant 125 : i32
    %barrier3A_490 = arith.constant 0 : index
    tpu.barrier barrier_id(%barrier3A_490)
    "tpu.region"() ({
      %run_scoped3A = tpu.sem_alloc : memref<!tpu.dma_semaphore, #tpu.memory_space<semaphore_mem>>
      %dma_start3A = arith.constant 0 : i32
      %dma_start3A_491 = tpu.memref_slice %arg4[%arg0, %mul3A_482, %dma_start3A] : memref<2x10240x16xf32, #tpu.memory_space<hbm>> -> memref<1x640x16xf32, #tpu.memory_space<hbm>>
      %dma_start3A_492 = tpu.memref_squeeze %dma_start3A_491 : memref<1x640x16xf32, #tpu.memory_space<hbm>> -> memref<640x16xf32, #tpu.memory_space<hbm>>
      %dma_start3A_493 = arith.constant 0 : i32
      %dma_start3A_494 = tpu.memref_slice %arg7[%mul3A_482, %dma_start3A_493] : memref<10240x16xf32, #tpu.memory_space<vmem_shared>> -> memref<640x16xf32, #tpu.memory_space<vmem_shared>>
      tpu.enqueue_dma source(%dma_start3A_494 : memref<640x16xf32, #tpu.memory_space<vmem_shared>>) target(%dma_start3A_492 : memref<640x16xf32, #tpu.memory_space<hbm>>) target_semaphore(%run_scoped3A : memref<!tpu.dma_semaphore, #tpu.memory_space<semaphore_mem>>)
      %dma_wait3A = arith.constant 0 : i32
      %dma_wait3A_495 = tpu.memref_slice %arg4[%arg0, %mul3A_482, %dma_wait3A] : memref<2x10240x16xf32, #tpu.memory_space<hbm>> -> memref<1x640x16xf32, #tpu.memory_space<hbm>>
      %dma_wait3A_496 = tpu.memref_squeeze %dma_wait3A_495 : memref<1x640x16xf32, #tpu.memory_space<hbm>> -> memref<640x16xf32, #tpu.memory_space<hbm>>
      %dma_wait3A_497 = arith.constant 0 : i32
      %dma_wait3A_498 = tpu.memref_slice %arg7[%mul3A_482, %dma_wait3A_497] : memref<10240x16xf32, #tpu.memory_space<vmem_shared>> -> memref<640x16xf32, #tpu.memory_space<vmem_shared>>
      tpu.wait_dma2 semaphore(%run_scoped3A : memref<!tpu.dma_semaphore, #tpu.memory_space<semaphore_mem>>) src(%dma_wait3A_498 : memref<640x16xf32, #tpu.memory_space<vmem_shared>>) dst(%dma_wait3A_496 : memref<640x16xf32, #tpu.memory_space<hbm>>)
      tpu.yield
    }) : () -> ()
    return
  }
}

#map = affine_map<(d0, d1) -> (0, 0)>
#map1 = affine_map<(d0, d1) -> (0)>
#map2 = affine_map<(d0, d1) -> (0, 0, 0)>
module attributes {stable_mosaic.version = 14 : i64} {
  func.func @_sc_agg_body(%arg0: i32, %arg1: i32, %arg2: memref<10000x128xf32, #tpu.memory_space<hbm>>, %arg3: memref<327680xi32, #tpu.memory_space<hbm>>, %arg4: memref<327680xi32, #tpu.memory_space<hbm>>, %arg5: memref<10240x128xf32, #tpu.memory_space<hbm>>, %arg6: memref<2x10240x128xf32, #tpu.memory_space<hbm>>, %arg7: memref<128xi32, #tpu.memory_space<vmem>>, %arg8: memref<128xi32, #tpu.memory_space<vmem>>, %arg9: memref<128xi32, #tpu.memory_space<vmem>>, %arg10: memref<128xi32, #tpu.memory_space<vmem>>, %arg11: memref<128x128xf32, #tpu.memory_space<vmem>>, %arg12: memref<128x128xf32, #tpu.memory_space<vmem>>, %arg13: memref<10240x128xf32, #tpu.memory_space<vmem_shared>>, %arg14: memref<!tpu.dma_semaphore, #tpu.memory_space<semaphore_mem>>, %arg15: memref<!tpu.dma_semaphore, #tpu.memory_space<semaphore_mem>>, %arg16: memref<!tpu.dma_semaphore, #tpu.memory_space<semaphore_mem>>, %arg17: memref<!tpu.dma_semaphore, #tpu.memory_space<semaphore_mem>>) attributes {dimension_semantics = [#tpu.dimension_semantics<core_parallel>, #tpu.dimension_semantics<subcore_parallel>], iteration_bounds = array<i64: 2, 16>, scalar_prefetch = 0 : i64, scratch_operands = 11 : i64, tpu.core_type = #tpu.core_type<sc_vector_subcore>, window_params = [{transform_indices = #map}, {transform_indices = #map1}, {transform_indices = #map1}, {transform_indices = #map}, {transform_indices = #map2}]} {
    %mul3A = arith.constant 2 : i32
    %mul3A_0 = arith.muli %arg1, %mul3A : i32
    %add3A = arith.addi %mul3A_0, %arg0 : i32
    %mul3A_1 = arith.constant 640 : i32
    %mul3A_2 = arith.muli %arg1, %mul3A_1 : i32
    %mul3A_3 = arith.constant 10240 : i32
    %mul3A_4 = arith.muli %add3A, %mul3A_3 : i32
    "tpu.region"() ({
      %run_scoped3A = tpu.sem_alloc : memref<!tpu.dma_semaphore, #tpu.memory_space<semaphore_mem>>
      %dma_start3A_32 = arith.constant 0 : i32
      %dma_start3A_33 = tpu.memref_slice %arg13[%mul3A_2, %dma_start3A_32] : memref<10240x128xf32, #tpu.memory_space<vmem_shared>> -> memref<640x128xf32, #tpu.memory_space<vmem_shared>>
      %dma_start3A_34 = arith.constant 0 : i32
      %dma_start3A_35 = tpu.memref_slice %arg5[%mul3A_2, %dma_start3A_34] : memref<10240x128xf32, #tpu.memory_space<hbm>> -> memref<640x128xf32, #tpu.memory_space<hbm>>
      tpu.enqueue_dma source(%dma_start3A_35 : memref<640x128xf32, #tpu.memory_space<hbm>>) target(%dma_start3A_33 : memref<640x128xf32, #tpu.memory_space<vmem_shared>>) target_semaphore(%run_scoped3A : memref<!tpu.dma_semaphore, #tpu.memory_space<semaphore_mem>>)
      %dma_wait3A_36 = arith.constant 0 : i32
      %dma_wait3A_37 = tpu.memref_slice %arg13[%mul3A_2, %dma_wait3A_36] : memref<10240x128xf32, #tpu.memory_space<vmem_shared>> -> memref<640x128xf32, #tpu.memory_space<vmem_shared>>
      %dma_wait3A_38 = arith.constant 0 : i32
      %dma_wait3A_39 = tpu.memref_slice %arg5[%mul3A_2, %dma_wait3A_38] : memref<10240x128xf32, #tpu.memory_space<hbm>> -> memref<640x128xf32, #tpu.memory_space<hbm>>
      tpu.wait_dma2 semaphore(%run_scoped3A : memref<!tpu.dma_semaphore, #tpu.memory_space<semaphore_mem>>) src(%dma_wait3A_39 : memref<640x128xf32, #tpu.memory_space<hbm>>) dst(%dma_wait3A_37 : memref<640x128xf32, #tpu.memory_space<vmem_shared>>)
      tpu.yield
    }) : () -> ()
    %barrier3A = arith.constant 0 : index
    tpu.barrier barrier_id(%barrier3A)
    %add3A_5 = arith.constant 0 : i32
    %add3A_6 = arith.addi %mul3A_4, %add3A_5 : i32
    %dma_start3A = tpu.memref_slice %arg3[%add3A_6] : memref<327680xi32, #tpu.memory_space<hbm>> -> memref<128xi32, #tpu.memory_space<hbm>>
    %dma_start3A_7 = tpu.memref_slice %arg3[%add3A_6] : memref<327680xi32, #tpu.memory_space<hbm>> -> memref<128xi32, #tpu.memory_space<hbm>>
    tpu.enqueue_dma source(%dma_start3A_7 : memref<128xi32, #tpu.memory_space<hbm>>) target(%arg7 : memref<128xi32, #tpu.memory_space<vmem>>) target_semaphore(%arg16 : memref<!tpu.dma_semaphore, #tpu.memory_space<semaphore_mem>>)
    %dma_start3A_8 = tpu.memref_slice %arg4[%add3A_6] : memref<327680xi32, #tpu.memory_space<hbm>> -> memref<128xi32, #tpu.memory_space<hbm>>
    %dma_start3A_9 = tpu.memref_slice %arg4[%add3A_6] : memref<327680xi32, #tpu.memory_space<hbm>> -> memref<128xi32, #tpu.memory_space<hbm>>
    tpu.enqueue_dma source(%dma_start3A_9 : memref<128xi32, #tpu.memory_space<hbm>>) target(%arg8 : memref<128xi32, #tpu.memory_space<vmem>>) target_semaphore(%arg16 : memref<!tpu.dma_semaphore, #tpu.memory_space<semaphore_mem>>)
    %dma_wait3A = arith.constant 0 : i32
    %dma_wait3A_10 = tpu.memref_slice %arg3[%dma_wait3A] : memref<327680xi32, #tpu.memory_space<hbm>> -> memref<128xi32, #tpu.memory_space<hbm>>
    %dma_wait3A_11 = arith.constant 0 : i32
    %dma_wait3A_12 = tpu.memref_slice %arg3[%dma_wait3A_11] : memref<327680xi32, #tpu.memory_space<hbm>> -> memref<128xi32, #tpu.memory_space<hbm>>
    tpu.wait_dma2 semaphore(%arg16 : memref<!tpu.dma_semaphore, #tpu.memory_space<semaphore_mem>>) src(%dma_wait3A_12 : memref<128xi32, #tpu.memory_space<hbm>>) dst(%arg7 : memref<128xi32, #tpu.memory_space<vmem>>)
    %dma_wait3A_13 = arith.constant 0 : i32
    %dma_wait3A_14 = tpu.memref_slice %arg4[%dma_wait3A_13] : memref<327680xi32, #tpu.memory_space<hbm>> -> memref<128xi32, #tpu.memory_space<hbm>>
    %dma_wait3A_15 = arith.constant 0 : i32
    %dma_wait3A_16 = tpu.memref_slice %arg4[%dma_wait3A_15] : memref<327680xi32, #tpu.memory_space<hbm>> -> memref<128xi32, #tpu.memory_space<hbm>>
    tpu.wait_dma2 semaphore(%arg16 : memref<!tpu.dma_semaphore, #tpu.memory_space<semaphore_mem>>) src(%dma_wait3A_16 : memref<128xi32, #tpu.memory_space<hbm>>) dst(%arg8 : memref<128xi32, #tpu.memory_space<vmem>>)
    %dma_start3A_17 = arith.constant 0 : i32
    %dma_start3A_18 = arith.constant 0 : i32
    %dma_start3A_19 = tpu.memref_slice %arg2[%dma_start3A_17, %dma_start3A_18] : memref<10000x128xf32, #tpu.memory_space<hbm>> -> memref<10000x128xf32, #tpu.memory_space<hbm>>
    tpu.enqueue_indirect_dma source(%dma_start3A_19 : memref<10000x128xf32, #tpu.memory_space<hbm>>) target(%arg11 : memref<128x128xf32, #tpu.memory_space<vmem>>) offsets(%arg7 : memref<128xi32, #tpu.memory_space<vmem>>) semaphore(%arg14 : memref<!tpu.dma_semaphore, #tpu.memory_space<semaphore_mem>>)
    %add3A_20 = arith.constant 128 : i32
    %add3A_21 = arith.addi %mul3A_4, %add3A_20 : i32
    %dma_start3A_22 = tpu.memref_slice %arg3[%add3A_21] : memref<327680xi32, #tpu.memory_space<hbm>> -> memref<128xi32, #tpu.memory_space<hbm>>
    %dma_start3A_23 = tpu.memref_slice %arg3[%add3A_21] : memref<327680xi32, #tpu.memory_space<hbm>> -> memref<128xi32, #tpu.memory_space<hbm>>
    tpu.enqueue_dma source(%dma_start3A_23 : memref<128xi32, #tpu.memory_space<hbm>>) target(%arg9 : memref<128xi32, #tpu.memory_space<vmem>>) target_semaphore(%arg17 : memref<!tpu.dma_semaphore, #tpu.memory_space<semaphore_mem>>)
    %dma_start3A_24 = tpu.memref_slice %arg4[%add3A_21] : memref<327680xi32, #tpu.memory_space<hbm>> -> memref<128xi32, #tpu.memory_space<hbm>>
    %dma_start3A_25 = tpu.memref_slice %arg4[%add3A_21] : memref<327680xi32, #tpu.memory_space<hbm>> -> memref<128xi32, #tpu.memory_space<hbm>>
    tpu.enqueue_dma source(%dma_start3A_25 : memref<128xi32, #tpu.memory_space<hbm>>) target(%arg10 : memref<128xi32, #tpu.memory_space<vmem>>) target_semaphore(%arg17 : memref<!tpu.dma_semaphore, #tpu.memory_space<semaphore_mem>>)
    %scan3A = arith.constant 0 : i32
    %scan3A_26 = arith.constant 0 : i32
    %scan3A_27 = arith.constant 40 : i32
    %scan3A_28 = arith.addi %scan3A_26, %scan3A_27 : i32
    %scan3A_29 = arith.constant 1 : i32
    scf.for %scan3A_32 = %scan3A_26 to %scan3A_28 step %scan3A_29  : i32 {
      %mul3A_33 = arith.constant 2 : i32
      %mul3A_34 = arith.muli %mul3A_33, %scan3A_32 : i32
      %dma_wait3A_35 = arith.constant 0 : i32
      %dma_wait3A_36 = tpu.memref_slice %arg3[%dma_wait3A_35] : memref<327680xi32, #tpu.memory_space<hbm>> -> memref<128xi32, #tpu.memory_space<hbm>>
      %dma_wait3A_37 = arith.constant 0 : i32
      %dma_wait3A_38 = tpu.memref_slice %arg3[%dma_wait3A_37] : memref<327680xi32, #tpu.memory_space<hbm>> -> memref<128xi32, #tpu.memory_space<hbm>>
      tpu.wait_dma2 semaphore(%arg17 : memref<!tpu.dma_semaphore, #tpu.memory_space<semaphore_mem>>) src(%dma_wait3A_38 : memref<128xi32, #tpu.memory_space<hbm>>) dst(%arg9 : memref<128xi32, #tpu.memory_space<vmem>>)
      %dma_wait3A_39 = arith.constant 0 : i32
      %dma_wait3A_40 = tpu.memref_slice %arg4[%dma_wait3A_39] : memref<327680xi32, #tpu.memory_space<hbm>> -> memref<128xi32, #tpu.memory_space<hbm>>
      %dma_wait3A_41 = arith.constant 0 : i32
      %dma_wait3A_42 = tpu.memref_slice %arg4[%dma_wait3A_41] : memref<327680xi32, #tpu.memory_space<hbm>> -> memref<128xi32, #tpu.memory_space<hbm>>
      tpu.wait_dma2 semaphore(%arg17 : memref<!tpu.dma_semaphore, #tpu.memory_space<semaphore_mem>>) src(%dma_wait3A_42 : memref<128xi32, #tpu.memory_space<hbm>>) dst(%arg10 : memref<128xi32, #tpu.memory_space<vmem>>)
      %dma_start3A_43 = arith.constant 0 : i32
      %dma_start3A_44 = arith.constant 0 : i32
      %dma_start3A_45 = tpu.memref_slice %arg2[%dma_start3A_43, %dma_start3A_44] : memref<10000x128xf32, #tpu.memory_space<hbm>> -> memref<10000x128xf32, #tpu.memory_space<hbm>>
      tpu.enqueue_indirect_dma source(%dma_start3A_45 : memref<10000x128xf32, #tpu.memory_space<hbm>>) target(%arg12 : memref<128x128xf32, #tpu.memory_space<vmem>>) offsets(%arg9 : memref<128xi32, #tpu.memory_space<vmem>>) semaphore(%arg15 : memref<!tpu.dma_semaphore, #tpu.memory_space<semaphore_mem>>)
      %dma_wait3A_46 = arith.constant 0 : i32
      %dma_wait3A_47 = arith.constant 0 : i32
      %dma_wait3A_48 = tpu.memref_slice %arg2[%dma_wait3A_46, %dma_wait3A_47] : memref<10000x128xf32, #tpu.memory_space<hbm>> -> memref<10000x128xf32, #tpu.memory_space<hbm>>
      tpu.wait_indirect_dma semaphore(%arg14 : memref<!tpu.dma_semaphore, #tpu.memory_space<semaphore_mem>>) src(%dma_wait3A_48 : memref<10000x128xf32, #tpu.memory_space<hbm>>) dst(%arg11 : memref<128x128xf32, #tpu.memory_space<vmem>>)
      "tpu.region"() ({
        %run_scoped3A = tpu.sem_alloc : memref<!tpu.dma_semaphore, #tpu.memory_space<semaphore_mem>>
        %dma_start3A_63 = arith.constant 0 : i32
        %dma_start3A_64 = arith.constant 0 : i32
        %dma_start3A_65 = tpu.memref_slice %arg13[%dma_start3A_63, %dma_start3A_64] : memref<10240x128xf32, #tpu.memory_space<vmem_shared>> -> memref<10240x128xf32, #tpu.memory_space<vmem_shared>>
        tpu.enqueue_indirect_dma source(%arg11 : memref<128x128xf32, #tpu.memory_space<vmem>>) target(%dma_start3A_65 : memref<10240x128xf32, #tpu.memory_space<vmem_shared>>) offsets(%arg8 : memref<128xi32, #tpu.memory_space<vmem>>) semaphore(%run_scoped3A : memref<!tpu.dma_semaphore, #tpu.memory_space<semaphore_mem>>) {add = true}
        %dma_wait3A_66 = arith.constant 0 : i32
        %dma_wait3A_67 = arith.constant 0 : i32
        %dma_wait3A_68 = tpu.memref_slice %arg13[%dma_wait3A_66, %dma_wait3A_67] : memref<10240x128xf32, #tpu.memory_space<vmem_shared>> -> memref<10240x128xf32, #tpu.memory_space<vmem_shared>>
        tpu.wait_indirect_dma semaphore(%run_scoped3A : memref<!tpu.dma_semaphore, #tpu.memory_space<semaphore_mem>>) src(%arg11 : memref<128x128xf32, #tpu.memory_space<vmem>>) dst(%dma_wait3A_68 : memref<10240x128xf32, #tpu.memory_space<vmem_shared>>)
        tpu.yield
      }) : () -> ()
      %add3A_49 = arith.constant 2 : i32
      %add3A_50 = arith.addi %mul3A_34, %add3A_49 : i32
      %lt3A = arith.constant 80 : i32
      %lt3A_51 = arith.cmpi slt, %add3A_50, %lt3A : i32
      %convert_element_type3A = arith.extui %lt3A_51 : i1 to i32
      %cond3A = arith.constant 0 : i32
      %cond3A_52 = arith.cmpi ne, %convert_element_type3A, %cond3A : i32
      scf.if %cond3A_52 {
        %add3A_63 = arith.constant 2 : i32
        %add3A_64 = arith.addi %mul3A_34, %add3A_63 : i32
        %mul3A_65 = arith.constant 128 : i32
        %mul3A_66 = arith.muli %add3A_64, %mul3A_65 : i32
        %add3A_67 = arith.addi %mul3A_4, %mul3A_66 : i32
        %dma_start3A_68 = tpu.memref_slice %arg3[%add3A_67] : memref<327680xi32, #tpu.memory_space<hbm>> -> memref<128xi32, #tpu.memory_space<hbm>>
        %dma_start3A_69 = tpu.memref_slice %arg3[%add3A_67] : memref<327680xi32, #tpu.memory_space<hbm>> -> memref<128xi32, #tpu.memory_space<hbm>>
        tpu.enqueue_dma source(%dma_start3A_69 : memref<128xi32, #tpu.memory_space<hbm>>) target(%arg7 : memref<128xi32, #tpu.memory_space<vmem>>) target_semaphore(%arg16 : memref<!tpu.dma_semaphore, #tpu.memory_space<semaphore_mem>>)
        %dma_start3A_70 = tpu.memref_slice %arg4[%add3A_67] : memref<327680xi32, #tpu.memory_space<hbm>> -> memref<128xi32, #tpu.memory_space<hbm>>
        %dma_start3A_71 = tpu.memref_slice %arg4[%add3A_67] : memref<327680xi32, #tpu.memory_space<hbm>> -> memref<128xi32, #tpu.memory_space<hbm>>
        tpu.enqueue_dma source(%dma_start3A_71 : memref<128xi32, #tpu.memory_space<hbm>>) target(%arg8 : memref<128xi32, #tpu.memory_space<vmem>>) target_semaphore(%arg16 : memref<!tpu.dma_semaphore, #tpu.memory_space<semaphore_mem>>)
        %dma_wait3A_72 = arith.constant 0 : i32
        %dma_wait3A_73 = tpu.memref_slice %arg3[%dma_wait3A_72] : memref<327680xi32, #tpu.memory_space<hbm>> -> memref<128xi32, #tpu.memory_space<hbm>>
        %dma_wait3A_74 = arith.constant 0 : i32
        %dma_wait3A_75 = tpu.memref_slice %arg3[%dma_wait3A_74] : memref<327680xi32, #tpu.memory_space<hbm>> -> memref<128xi32, #tpu.memory_space<hbm>>
        tpu.wait_dma2 semaphore(%arg16 : memref<!tpu.dma_semaphore, #tpu.memory_space<semaphore_mem>>) src(%dma_wait3A_75 : memref<128xi32, #tpu.memory_space<hbm>>) dst(%arg7 : memref<128xi32, #tpu.memory_space<vmem>>)
        %dma_wait3A_76 = arith.constant 0 : i32
        %dma_wait3A_77 = tpu.memref_slice %arg4[%dma_wait3A_76] : memref<327680xi32, #tpu.memory_space<hbm>> -> memref<128xi32, #tpu.memory_space<hbm>>
        %dma_wait3A_78 = arith.constant 0 : i32
        %dma_wait3A_79 = tpu.memref_slice %arg4[%dma_wait3A_78] : memref<327680xi32, #tpu.memory_space<hbm>> -> memref<128xi32, #tpu.memory_space<hbm>>
        tpu.wait_dma2 semaphore(%arg16 : memref<!tpu.dma_semaphore, #tpu.memory_space<semaphore_mem>>) src(%dma_wait3A_79 : memref<128xi32, #tpu.memory_space<hbm>>) dst(%arg8 : memref<128xi32, #tpu.memory_space<vmem>>)
        %dma_start3A_80 = arith.constant 0 : i32
        %dma_start3A_81 = arith.constant 0 : i32
        %dma_start3A_82 = tpu.memref_slice %arg2[%dma_start3A_80, %dma_start3A_81] : memref<10000x128xf32, #tpu.memory_space<hbm>> -> memref<10000x128xf32, #tpu.memory_space<hbm>>
        tpu.enqueue_indirect_dma source(%dma_start3A_82 : memref<10000x128xf32, #tpu.memory_space<hbm>>) target(%arg11 : memref<128x128xf32, #tpu.memory_space<vmem>>) offsets(%arg7 : memref<128xi32, #tpu.memory_space<vmem>>) semaphore(%arg14 : memref<!tpu.dma_semaphore, #tpu.memory_space<semaphore_mem>>)
      } else {
      }
      %dma_wait3A_53 = arith.constant 0 : i32
      %dma_wait3A_54 = arith.constant 0 : i32
      %dma_wait3A_55 = tpu.memref_slice %arg2[%dma_wait3A_53, %dma_wait3A_54] : memref<10000x128xf32, #tpu.memory_space<hbm>> -> memref<10000x128xf32, #tpu.memory_space<hbm>>
      tpu.wait_indirect_dma semaphore(%arg15 : memref<!tpu.dma_semaphore, #tpu.memory_space<semaphore_mem>>) src(%dma_wait3A_55 : memref<10000x128xf32, #tpu.memory_space<hbm>>) dst(%arg12 : memref<128x128xf32, #tpu.memory_space<vmem>>)
      "tpu.region"() ({
        %run_scoped3A = tpu.sem_alloc : memref<!tpu.dma_semaphore, #tpu.memory_space<semaphore_mem>>
        %dma_start3A_63 = arith.constant 0 : i32
        %dma_start3A_64 = arith.constant 0 : i32
        %dma_start3A_65 = tpu.memref_slice %arg13[%dma_start3A_63, %dma_start3A_64] : memref<10240x128xf32, #tpu.memory_space<vmem_shared>> -> memref<10240x128xf32, #tpu.memory_space<vmem_shared>>
        tpu.enqueue_indirect_dma source(%arg12 : memref<128x128xf32, #tpu.memory_space<vmem>>) target(%dma_start3A_65 : memref<10240x128xf32, #tpu.memory_space<vmem_shared>>) offsets(%arg10 : memref<128xi32, #tpu.memory_space<vmem>>) semaphore(%run_scoped3A : memref<!tpu.dma_semaphore, #tpu.memory_space<semaphore_mem>>) {add = true}
        %dma_wait3A_66 = arith.constant 0 : i32
        %dma_wait3A_67 = arith.constant 0 : i32
        %dma_wait3A_68 = tpu.memref_slice %arg13[%dma_wait3A_66, %dma_wait3A_67] : memref<10240x128xf32, #tpu.memory_space<vmem_shared>> -> memref<10240x128xf32, #tpu.memory_space<vmem_shared>>
        tpu.wait_indirect_dma semaphore(%run_scoped3A : memref<!tpu.dma_semaphore, #tpu.memory_space<semaphore_mem>>) src(%arg12 : memref<128x128xf32, #tpu.memory_space<vmem>>) dst(%dma_wait3A_68 : memref<10240x128xf32, #tpu.memory_space<vmem_shared>>)
        tpu.yield
      }) : () -> ()
      %add3A_56 = arith.constant 3 : i32
      %add3A_57 = arith.addi %mul3A_34, %add3A_56 : i32
      %lt3A_58 = arith.constant 80 : i32
      %lt3A_59 = arith.cmpi slt, %add3A_57, %lt3A_58 : i32
      %convert_element_type3A_60 = arith.extui %lt3A_59 : i1 to i32
      %cond3A_61 = arith.constant 0 : i32
      %cond3A_62 = arith.cmpi ne, %convert_element_type3A_60, %cond3A_61 : i32
      scf.if %cond3A_62 {
        %add3A_63 = arith.constant 3 : i32
        %add3A_64 = arith.addi %mul3A_34, %add3A_63 : i32
        %mul3A_65 = arith.constant 128 : i32
        %mul3A_66 = arith.muli %add3A_64, %mul3A_65 : i32
        %add3A_67 = arith.addi %mul3A_4, %mul3A_66 : i32
        %dma_start3A_68 = tpu.memref_slice %arg3[%add3A_67] : memref<327680xi32, #tpu.memory_space<hbm>> -> memref<128xi32, #tpu.memory_space<hbm>>
        %dma_start3A_69 = tpu.memref_slice %arg3[%add3A_67] : memref<327680xi32, #tpu.memory_space<hbm>> -> memref<128xi32, #tpu.memory_space<hbm>>
        tpu.enqueue_dma source(%dma_start3A_69 : memref<128xi32, #tpu.memory_space<hbm>>) target(%arg9 : memref<128xi32, #tpu.memory_space<vmem>>) target_semaphore(%arg17 : memref<!tpu.dma_semaphore, #tpu.memory_space<semaphore_mem>>)
        %dma_start3A_70 = tpu.memref_slice %arg4[%add3A_67] : memref<327680xi32, #tpu.memory_space<hbm>> -> memref<128xi32, #tpu.memory_space<hbm>>
        %dma_start3A_71 = tpu.memref_slice %arg4[%add3A_67] : memref<327680xi32, #tpu.memory_space<hbm>> -> memref<128xi32, #tpu.memory_space<hbm>>
        tpu.enqueue_dma source(%dma_start3A_71 : memref<128xi32, #tpu.memory_space<hbm>>) target(%arg10 : memref<128xi32, #tpu.memory_space<vmem>>) target_semaphore(%arg17 : memref<!tpu.dma_semaphore, #tpu.memory_space<semaphore_mem>>)
      } else {
      }
    }
    %scan3A_30 = arith.constant 40 : i32
    %barrier3A_31 = arith.constant 0 : index
    tpu.barrier barrier_id(%barrier3A_31)
    "tpu.region"() ({
      %run_scoped3A = tpu.sem_alloc : memref<!tpu.dma_semaphore, #tpu.memory_space<semaphore_mem>>
      %dma_start3A_32 = arith.constant 0 : i32
      %dma_start3A_33 = tpu.memref_slice %arg6[%arg0, %mul3A_2, %dma_start3A_32] : memref<2x10240x128xf32, #tpu.memory_space<hbm>> -> memref<1x640x128xf32, #tpu.memory_space<hbm>>
      %dma_start3A_34 = tpu.memref_squeeze %dma_start3A_33 : memref<1x640x128xf32, #tpu.memory_space<hbm>> -> memref<640x128xf32, #tpu.memory_space<hbm>>
      %dma_start3A_35 = arith.constant 0 : i32
      %dma_start3A_36 = tpu.memref_slice %arg13[%mul3A_2, %dma_start3A_35] : memref<10240x128xf32, #tpu.memory_space<vmem_shared>> -> memref<640x128xf32, #tpu.memory_space<vmem_shared>>
      tpu.enqueue_dma source(%dma_start3A_36 : memref<640x128xf32, #tpu.memory_space<vmem_shared>>) target(%dma_start3A_34 : memref<640x128xf32, #tpu.memory_space<hbm>>) target_semaphore(%run_scoped3A : memref<!tpu.dma_semaphore, #tpu.memory_space<semaphore_mem>>)
      %dma_wait3A_37 = arith.constant 0 : i32
      %dma_wait3A_38 = tpu.memref_slice %arg6[%arg0, %mul3A_2, %dma_wait3A_37] : memref<2x10240x128xf32, #tpu.memory_space<hbm>> -> memref<1x640x128xf32, #tpu.memory_space<hbm>>
      %dma_wait3A_39 = tpu.memref_squeeze %dma_wait3A_38 : memref<1x640x128xf32, #tpu.memory_space<hbm>> -> memref<640x128xf32, #tpu.memory_space<hbm>>
      %dma_wait3A_40 = arith.constant 0 : i32
      %dma_wait3A_41 = tpu.memref_slice %arg13[%mul3A_2, %dma_wait3A_40] : memref<10240x128xf32, #tpu.memory_space<vmem_shared>> -> memref<640x128xf32, #tpu.memory_space<vmem_shared>>
      tpu.wait_dma2 semaphore(%run_scoped3A : memref<!tpu.dma_semaphore, #tpu.memory_space<semaphore_mem>>) src(%dma_wait3A_41 : memref<640x128xf32, #tpu.memory_space<vmem_shared>>) dst(%dma_wait3A_39 : memref<640x128xf32, #tpu.memory_space<hbm>>)
      tpu.yield
    }) : () -> ()
    return
  }
}

#map = affine_map<(d0, d1) -> (0, 0)>
#map1 = affine_map<(d0, d1) -> (0)>
#map2 = affine_map<(d0, d1) -> (0, 0, 0)>
module attributes {stable_mosaic.version = 14 : i64} {
  func.func @_sc_agg_body(%arg0: i32, %arg1: i32, %arg2: memref<10000x128xf32, #tpu.memory_space<hbm>>, %arg3: memref<327680xi32, #tpu.memory_space<hbm>>, %arg4: memref<327680xi32, #tpu.memory_space<hbm>>, %arg5: memref<10240x128xf32, #tpu.memory_space<hbm>>, %arg6: memref<2x10240x128xf32, #tpu.memory_space<hbm>>, %arg7: memref<128xi32, #tpu.memory_space<vmem>>, %arg8: memref<128xi32, #tpu.memory_space<vmem>>, %arg9: memref<128xi32, #tpu.memory_space<vmem>>, %arg10: memref<128xi32, #tpu.memory_space<vmem>>, %arg11: memref<128x128xf32, #tpu.memory_space<vmem>>, %arg12: memref<128x128xf32, #tpu.memory_space<vmem>>, %arg13: memref<10240x128xf32, #tpu.memory_space<vmem_shared>>, %arg14: memref<!tpu.dma_semaphore, #tpu.memory_space<semaphore_mem>>, %arg15: memref<!tpu.dma_semaphore, #tpu.memory_space<semaphore_mem>>, %arg16: memref<!tpu.dma_semaphore, #tpu.memory_space<semaphore_mem>>, %arg17: memref<!tpu.dma_semaphore, #tpu.memory_space<semaphore_mem>>) attributes {dimension_semantics = [#tpu.dimension_semantics<core_parallel>, #tpu.dimension_semantics<subcore_parallel>], iteration_bounds = array<i64: 2, 16>, scalar_prefetch = 0 : i64, scratch_operands = 11 : i64, tpu.core_type = #tpu.core_type<sc_vector_subcore>, window_params = [{transform_indices = #map}, {transform_indices = #map1}, {transform_indices = #map1}, {transform_indices = #map}, {transform_indices = #map2}]} {
    %mul3A = arith.constant 2 : i32
    %mul3A_0 = arith.muli %arg1, %mul3A : i32
    %add3A = arith.addi %mul3A_0, %arg0 : i32
    %mul3A_1 = arith.constant 640 : i32
    %mul3A_2 = arith.muli %arg1, %mul3A_1 : i32
    %mul3A_3 = arith.constant 10240 : i32
    %mul3A_4 = arith.muli %add3A, %mul3A_3 : i32
    "tpu.region"() ({
      %run_scoped3A = tpu.sem_alloc : memref<!tpu.dma_semaphore, #tpu.memory_space<semaphore_mem>>
      %dma_start3A_32 = arith.constant 0 : i32
      %dma_start3A_33 = tpu.memref_slice %arg13[%mul3A_2, %dma_start3A_32] : memref<10240x128xf32, #tpu.memory_space<vmem_shared>> -> memref<640x128xf32, #tpu.memory_space<vmem_shared>>
      %dma_start3A_34 = arith.constant 0 : i32
      %dma_start3A_35 = tpu.memref_slice %arg5[%mul3A_2, %dma_start3A_34] : memref<10240x128xf32, #tpu.memory_space<hbm>> -> memref<640x128xf32, #tpu.memory_space<hbm>>
      tpu.enqueue_dma source(%dma_start3A_35 : memref<640x128xf32, #tpu.memory_space<hbm>>) target(%dma_start3A_33 : memref<640x128xf32, #tpu.memory_space<vmem_shared>>) target_semaphore(%run_scoped3A : memref<!tpu.dma_semaphore, #tpu.memory_space<semaphore_mem>>)
      %dma_wait3A_36 = arith.constant 0 : i32
      %dma_wait3A_37 = tpu.memref_slice %arg13[%mul3A_2, %dma_wait3A_36] : memref<10240x128xf32, #tpu.memory_space<vmem_shared>> -> memref<640x128xf32, #tpu.memory_space<vmem_shared>>
      %dma_wait3A_38 = arith.constant 0 : i32
      %dma_wait3A_39 = tpu.memref_slice %arg5[%mul3A_2, %dma_wait3A_38] : memref<10240x128xf32, #tpu.memory_space<hbm>> -> memref<640x128xf32, #tpu.memory_space<hbm>>
      tpu.wait_dma2 semaphore(%run_scoped3A : memref<!tpu.dma_semaphore, #tpu.memory_space<semaphore_mem>>) src(%dma_wait3A_39 : memref<640x128xf32, #tpu.memory_space<hbm>>) dst(%dma_wait3A_37 : memref<640x128xf32, #tpu.memory_space<vmem_shared>>)
      tpu.yield
    }) : () -> ()
    %barrier3A = arith.constant 0 : index
    tpu.barrier barrier_id(%barrier3A)
    %add3A_5 = arith.constant 0 : i32
    %add3A_6 = arith.addi %mul3A_4, %add3A_5 : i32
    %dma_start3A = tpu.memref_slice %arg3[%add3A_6] : memref<327680xi32, #tpu.memory_space<hbm>> -> memref<128xi32, #tpu.memory_space<hbm>>
    %dma_start3A_7 = tpu.memref_slice %arg3[%add3A_6] : memref<327680xi32, #tpu.memory_space<hbm>> -> memref<128xi32, #tpu.memory_space<hbm>>
    tpu.enqueue_dma source(%dma_start3A_7 : memref<128xi32, #tpu.memory_space<hbm>>) target(%arg7 : memref<128xi32, #tpu.memory_space<vmem>>) target_semaphore(%arg16 : memref<!tpu.dma_semaphore, #tpu.memory_space<semaphore_mem>>)
    %dma_start3A_8 = tpu.memref_slice %arg4[%add3A_6] : memref<327680xi32, #tpu.memory_space<hbm>> -> memref<128xi32, #tpu.memory_space<hbm>>
    %dma_start3A_9 = tpu.memref_slice %arg4[%add3A_6] : memref<327680xi32, #tpu.memory_space<hbm>> -> memref<128xi32, #tpu.memory_space<hbm>>
    tpu.enqueue_dma source(%dma_start3A_9 : memref<128xi32, #tpu.memory_space<hbm>>) target(%arg8 : memref<128xi32, #tpu.memory_space<vmem>>) target_semaphore(%arg16 : memref<!tpu.dma_semaphore, #tpu.memory_space<semaphore_mem>>)
    %dma_wait3A = arith.constant 0 : i32
    %dma_wait3A_10 = tpu.memref_slice %arg3[%dma_wait3A] : memref<327680xi32, #tpu.memory_space<hbm>> -> memref<128xi32, #tpu.memory_space<hbm>>
    %dma_wait3A_11 = arith.constant 0 : i32
    %dma_wait3A_12 = tpu.memref_slice %arg3[%dma_wait3A_11] : memref<327680xi32, #tpu.memory_space<hbm>> -> memref<128xi32, #tpu.memory_space<hbm>>
    tpu.wait_dma2 semaphore(%arg16 : memref<!tpu.dma_semaphore, #tpu.memory_space<semaphore_mem>>) src(%dma_wait3A_12 : memref<128xi32, #tpu.memory_space<hbm>>) dst(%arg7 : memref<128xi32, #tpu.memory_space<vmem>>)
    %dma_wait3A_13 = arith.constant 0 : i32
    %dma_wait3A_14 = tpu.memref_slice %arg4[%dma_wait3A_13] : memref<327680xi32, #tpu.memory_space<hbm>> -> memref<128xi32, #tpu.memory_space<hbm>>
    %dma_wait3A_15 = arith.constant 0 : i32
    %dma_wait3A_16 = tpu.memref_slice %arg4[%dma_wait3A_15] : memref<327680xi32, #tpu.memory_space<hbm>> -> memref<128xi32, #tpu.memory_space<hbm>>
    tpu.wait_dma2 semaphore(%arg16 : memref<!tpu.dma_semaphore, #tpu.memory_space<semaphore_mem>>) src(%dma_wait3A_16 : memref<128xi32, #tpu.memory_space<hbm>>) dst(%arg8 : memref<128xi32, #tpu.memory_space<vmem>>)
    %dma_start3A_17 = arith.constant 0 : i32
    %dma_start3A_18 = arith.constant 0 : i32
    %dma_start3A_19 = tpu.memref_slice %arg2[%dma_start3A_17, %dma_start3A_18] : memref<10000x128xf32, #tpu.memory_space<hbm>> -> memref<10000x128xf32, #tpu.memory_space<hbm>>
    tpu.enqueue_indirect_dma source(%dma_start3A_19 : memref<10000x128xf32, #tpu.memory_space<hbm>>) target(%arg11 : memref<128x128xf32, #tpu.memory_space<vmem>>) offsets(%arg7 : memref<128xi32, #tpu.memory_space<vmem>>) semaphore(%arg14 : memref<!tpu.dma_semaphore, #tpu.memory_space<semaphore_mem>>)
    %add3A_20 = arith.constant 128 : i32
    %add3A_21 = arith.addi %mul3A_4, %add3A_20 : i32
    %dma_start3A_22 = tpu.memref_slice %arg3[%add3A_21] : memref<327680xi32, #tpu.memory_space<hbm>> -> memref<128xi32, #tpu.memory_space<hbm>>
    %dma_start3A_23 = tpu.memref_slice %arg3[%add3A_21] : memref<327680xi32, #tpu.memory_space<hbm>> -> memref<128xi32, #tpu.memory_space<hbm>>
    tpu.enqueue_dma source(%dma_start3A_23 : memref<128xi32, #tpu.memory_space<hbm>>) target(%arg9 : memref<128xi32, #tpu.memory_space<vmem>>) target_semaphore(%arg17 : memref<!tpu.dma_semaphore, #tpu.memory_space<semaphore_mem>>)
    %dma_start3A_24 = tpu.memref_slice %arg4[%add3A_21] : memref<327680xi32, #tpu.memory_space<hbm>> -> memref<128xi32, #tpu.memory_space<hbm>>
    %dma_start3A_25 = tpu.memref_slice %arg4[%add3A_21] : memref<327680xi32, #tpu.memory_space<hbm>> -> memref<128xi32, #tpu.memory_space<hbm>>
    tpu.enqueue_dma source(%dma_start3A_25 : memref<128xi32, #tpu.memory_space<hbm>>) target(%arg10 : memref<128xi32, #tpu.memory_space<vmem>>) target_semaphore(%arg17 : memref<!tpu.dma_semaphore, #tpu.memory_space<semaphore_mem>>)
    %scan3A = arith.constant 0 : i32
    %scan3A_26 = arith.constant 0 : i32
    %scan3A_27 = arith.constant 40 : i32
    %scan3A_28 = arith.addi %scan3A_26, %scan3A_27 : i32
    %scan3A_29 = arith.constant 1 : i32
    scf.for %scan3A_32 = %scan3A_26 to %scan3A_28 step %scan3A_29  : i32 {
      %mul3A_33 = arith.constant 2 : i32
      %mul3A_34 = arith.muli %mul3A_33, %scan3A_32 : i32
      %dma_wait3A_35 = arith.constant 0 : i32
      %dma_wait3A_36 = tpu.memref_slice %arg3[%dma_wait3A_35] : memref<327680xi32, #tpu.memory_space<hbm>> -> memref<128xi32, #tpu.memory_space<hbm>>
      %dma_wait3A_37 = arith.constant 0 : i32
      %dma_wait3A_38 = tpu.memref_slice %arg3[%dma_wait3A_37] : memref<327680xi32, #tpu.memory_space<hbm>> -> memref<128xi32, #tpu.memory_space<hbm>>
      tpu.wait_dma2 semaphore(%arg17 : memref<!tpu.dma_semaphore, #tpu.memory_space<semaphore_mem>>) src(%dma_wait3A_38 : memref<128xi32, #tpu.memory_space<hbm>>) dst(%arg9 : memref<128xi32, #tpu.memory_space<vmem>>)
      %dma_wait3A_39 = arith.constant 0 : i32
      %dma_wait3A_40 = tpu.memref_slice %arg4[%dma_wait3A_39] : memref<327680xi32, #tpu.memory_space<hbm>> -> memref<128xi32, #tpu.memory_space<hbm>>
      %dma_wait3A_41 = arith.constant 0 : i32
      %dma_wait3A_42 = tpu.memref_slice %arg4[%dma_wait3A_41] : memref<327680xi32, #tpu.memory_space<hbm>> -> memref<128xi32, #tpu.memory_space<hbm>>
      tpu.wait_dma2 semaphore(%arg17 : memref<!tpu.dma_semaphore, #tpu.memory_space<semaphore_mem>>) src(%dma_wait3A_42 : memref<128xi32, #tpu.memory_space<hbm>>) dst(%arg10 : memref<128xi32, #tpu.memory_space<vmem>>)
      %dma_start3A_43 = arith.constant 0 : i32
      %dma_start3A_44 = arith.constant 0 : i32
      %dma_start3A_45 = tpu.memref_slice %arg2[%dma_start3A_43, %dma_start3A_44] : memref<10000x128xf32, #tpu.memory_space<hbm>> -> memref<10000x128xf32, #tpu.memory_space<hbm>>
      tpu.enqueue_indirect_dma source(%dma_start3A_45 : memref<10000x128xf32, #tpu.memory_space<hbm>>) target(%arg12 : memref<128x128xf32, #tpu.memory_space<vmem>>) offsets(%arg9 : memref<128xi32, #tpu.memory_space<vmem>>) semaphore(%arg15 : memref<!tpu.dma_semaphore, #tpu.memory_space<semaphore_mem>>)
      %dma_wait3A_46 = arith.constant 0 : i32
      %dma_wait3A_47 = arith.constant 0 : i32
      %dma_wait3A_48 = tpu.memref_slice %arg2[%dma_wait3A_46, %dma_wait3A_47] : memref<10000x128xf32, #tpu.memory_space<hbm>> -> memref<10000x128xf32, #tpu.memory_space<hbm>>
      tpu.wait_indirect_dma semaphore(%arg14 : memref<!tpu.dma_semaphore, #tpu.memory_space<semaphore_mem>>) src(%dma_wait3A_48 : memref<10000x128xf32, #tpu.memory_space<hbm>>) dst(%arg11 : memref<128x128xf32, #tpu.memory_space<vmem>>)
      "tpu.region"() ({
        %run_scoped3A = tpu.sem_alloc : memref<!tpu.dma_semaphore, #tpu.memory_space<semaphore_mem>>
        %dma_start3A_63 = arith.constant 0 : i32
        %dma_start3A_64 = arith.constant 0 : i32
        %dma_start3A_65 = tpu.memref_slice %arg13[%dma_start3A_63, %dma_start3A_64] : memref<10240x128xf32, #tpu.memory_space<vmem_shared>> -> memref<10240x128xf32, #tpu.memory_space<vmem_shared>>
        tpu.enqueue_indirect_dma source(%arg11 : memref<128x128xf32, #tpu.memory_space<vmem>>) target(%dma_start3A_65 : memref<10240x128xf32, #tpu.memory_space<vmem_shared>>) offsets(%arg8 : memref<128xi32, #tpu.memory_space<vmem>>) semaphore(%run_scoped3A : memref<!tpu.dma_semaphore, #tpu.memory_space<semaphore_mem>>) {add = true}
        %dma_wait3A_66 = arith.constant 0 : i32
        %dma_wait3A_67 = arith.constant 0 : i32
        %dma_wait3A_68 = tpu.memref_slice %arg13[%dma_wait3A_66, %dma_wait3A_67] : memref<10240x128xf32, #tpu.memory_space<vmem_shared>> -> memref<10240x128xf32, #tpu.memory_space<vmem_shared>>
        tpu.wait_indirect_dma semaphore(%run_scoped3A : memref<!tpu.dma_semaphore, #tpu.memory_space<semaphore_mem>>) src(%arg11 : memref<128x128xf32, #tpu.memory_space<vmem>>) dst(%dma_wait3A_68 : memref<10240x128xf32, #tpu.memory_space<vmem_shared>>)
        tpu.yield
      }) : () -> ()
      %add3A_49 = arith.constant 2 : i32
      %add3A_50 = arith.addi %mul3A_34, %add3A_49 : i32
      %lt3A = arith.constant 80 : i32
      %lt3A_51 = arith.cmpi slt, %add3A_50, %lt3A : i32
      %convert_element_type3A = arith.extui %lt3A_51 : i1 to i32
      %cond3A = arith.constant 0 : i32
      %cond3A_52 = arith.cmpi ne, %convert_element_type3A, %cond3A : i32
      scf.if %cond3A_52 {
        %add3A_63 = arith.constant 2 : i32
        %add3A_64 = arith.addi %mul3A_34, %add3A_63 : i32
        %mul3A_65 = arith.constant 128 : i32
        %mul3A_66 = arith.muli %add3A_64, %mul3A_65 : i32
        %add3A_67 = arith.addi %mul3A_4, %mul3A_66 : i32
        %dma_start3A_68 = tpu.memref_slice %arg3[%add3A_67] : memref<327680xi32, #tpu.memory_space<hbm>> -> memref<128xi32, #tpu.memory_space<hbm>>
        %dma_start3A_69 = tpu.memref_slice %arg3[%add3A_67] : memref<327680xi32, #tpu.memory_space<hbm>> -> memref<128xi32, #tpu.memory_space<hbm>>
        tpu.enqueue_dma source(%dma_start3A_69 : memref<128xi32, #tpu.memory_space<hbm>>) target(%arg7 : memref<128xi32, #tpu.memory_space<vmem>>) target_semaphore(%arg16 : memref<!tpu.dma_semaphore, #tpu.memory_space<semaphore_mem>>)
        %dma_start3A_70 = tpu.memref_slice %arg4[%add3A_67] : memref<327680xi32, #tpu.memory_space<hbm>> -> memref<128xi32, #tpu.memory_space<hbm>>
        %dma_start3A_71 = tpu.memref_slice %arg4[%add3A_67] : memref<327680xi32, #tpu.memory_space<hbm>> -> memref<128xi32, #tpu.memory_space<hbm>>
        tpu.enqueue_dma source(%dma_start3A_71 : memref<128xi32, #tpu.memory_space<hbm>>) target(%arg8 : memref<128xi32, #tpu.memory_space<vmem>>) target_semaphore(%arg16 : memref<!tpu.dma_semaphore, #tpu.memory_space<semaphore_mem>>)
        %dma_wait3A_72 = arith.constant 0 : i32
        %dma_wait3A_73 = tpu.memref_slice %arg3[%dma_wait3A_72] : memref<327680xi32, #tpu.memory_space<hbm>> -> memref<128xi32, #tpu.memory_space<hbm>>
        %dma_wait3A_74 = arith.constant 0 : i32
        %dma_wait3A_75 = tpu.memref_slice %arg3[%dma_wait3A_74] : memref<327680xi32, #tpu.memory_space<hbm>> -> memref<128xi32, #tpu.memory_space<hbm>>
        tpu.wait_dma2 semaphore(%arg16 : memref<!tpu.dma_semaphore, #tpu.memory_space<semaphore_mem>>) src(%dma_wait3A_75 : memref<128xi32, #tpu.memory_space<hbm>>) dst(%arg7 : memref<128xi32, #tpu.memory_space<vmem>>)
        %dma_wait3A_76 = arith.constant 0 : i32
        %dma_wait3A_77 = tpu.memref_slice %arg4[%dma_wait3A_76] : memref<327680xi32, #tpu.memory_space<hbm>> -> memref<128xi32, #tpu.memory_space<hbm>>
        %dma_wait3A_78 = arith.constant 0 : i32
        %dma_wait3A_79 = tpu.memref_slice %arg4[%dma_wait3A_78] : memref<327680xi32, #tpu.memory_space<hbm>> -> memref<128xi32, #tpu.memory_space<hbm>>
        tpu.wait_dma2 semaphore(%arg16 : memref<!tpu.dma_semaphore, #tpu.memory_space<semaphore_mem>>) src(%dma_wait3A_79 : memref<128xi32, #tpu.memory_space<hbm>>) dst(%arg8 : memref<128xi32, #tpu.memory_space<vmem>>)
        %dma_start3A_80 = arith.constant 0 : i32
        %dma_start3A_81 = arith.constant 0 : i32
        %dma_start3A_82 = tpu.memref_slice %arg2[%dma_start3A_80, %dma_start3A_81] : memref<10000x128xf32, #tpu.memory_space<hbm>> -> memref<10000x128xf32, #tpu.memory_space<hbm>>
        tpu.enqueue_indirect_dma source(%dma_start3A_82 : memref<10000x128xf32, #tpu.memory_space<hbm>>) target(%arg11 : memref<128x128xf32, #tpu.memory_space<vmem>>) offsets(%arg7 : memref<128xi32, #tpu.memory_space<vmem>>) semaphore(%arg14 : memref<!tpu.dma_semaphore, #tpu.memory_space<semaphore_mem>>)
      } else {
      }
      %dma_wait3A_53 = arith.constant 0 : i32
      %dma_wait3A_54 = arith.constant 0 : i32
      %dma_wait3A_55 = tpu.memref_slice %arg2[%dma_wait3A_53, %dma_wait3A_54] : memref<10000x128xf32, #tpu.memory_space<hbm>> -> memref<10000x128xf32, #tpu.memory_space<hbm>>
      tpu.wait_indirect_dma semaphore(%arg15 : memref<!tpu.dma_semaphore, #tpu.memory_space<semaphore_mem>>) src(%dma_wait3A_55 : memref<10000x128xf32, #tpu.memory_space<hbm>>) dst(%arg12 : memref<128x128xf32, #tpu.memory_space<vmem>>)
      "tpu.region"() ({
        %run_scoped3A = tpu.sem_alloc : memref<!tpu.dma_semaphore, #tpu.memory_space<semaphore_mem>>
        %dma_start3A_63 = arith.constant 0 : i32
        %dma_start3A_64 = arith.constant 0 : i32
        %dma_start3A_65 = tpu.memref_slice %arg13[%dma_start3A_63, %dma_start3A_64] : memref<10240x128xf32, #tpu.memory_space<vmem_shared>> -> memref<10240x128xf32, #tpu.memory_space<vmem_shared>>
        tpu.enqueue_indirect_dma source(%arg12 : memref<128x128xf32, #tpu.memory_space<vmem>>) target(%dma_start3A_65 : memref<10240x128xf32, #tpu.memory_space<vmem_shared>>) offsets(%arg10 : memref<128xi32, #tpu.memory_space<vmem>>) semaphore(%run_scoped3A : memref<!tpu.dma_semaphore, #tpu.memory_space<semaphore_mem>>) {add = true}
        %dma_wait3A_66 = arith.constant 0 : i32
        %dma_wait3A_67 = arith.constant 0 : i32
        %dma_wait3A_68 = tpu.memref_slice %arg13[%dma_wait3A_66, %dma_wait3A_67] : memref<10240x128xf32, #tpu.memory_space<vmem_shared>> -> memref<10240x128xf32, #tpu.memory_space<vmem_shared>>
        tpu.wait_indirect_dma semaphore(%run_scoped3A : memref<!tpu.dma_semaphore, #tpu.memory_space<semaphore_mem>>) src(%arg12 : memref<128x128xf32, #tpu.memory_space<vmem>>) dst(%dma_wait3A_68 : memref<10240x128xf32, #tpu.memory_space<vmem_shared>>)
        tpu.yield
      }) : () -> ()
      %add3A_56 = arith.constant 3 : i32
      %add3A_57 = arith.addi %mul3A_34, %add3A_56 : i32
      %lt3A_58 = arith.constant 80 : i32
      %lt3A_59 = arith.cmpi slt, %add3A_57, %lt3A_58 : i32
      %convert_element_type3A_60 = arith.extui %lt3A_59 : i1 to i32
      %cond3A_61 = arith.constant 0 : i32
      %cond3A_62 = arith.cmpi ne, %convert_element_type3A_60, %cond3A_61 : i32
      scf.if %cond3A_62 {
        %add3A_63 = arith.constant 3 : i32
        %add3A_64 = arith.addi %mul3A_34, %add3A_63 : i32
        %mul3A_65 = arith.constant 128 : i32
        %mul3A_66 = arith.muli %add3A_64, %mul3A_65 : i32
        %add3A_67 = arith.addi %mul3A_4, %mul3A_66 : i32
        %dma_start3A_68 = tpu.memref_slice %arg3[%add3A_67] : memref<327680xi32, #tpu.memory_space<hbm>> -> memref<128xi32, #tpu.memory_space<hbm>>
        %dma_start3A_69 = tpu.memref_slice %arg3[%add3A_67] : memref<327680xi32, #tpu.memory_space<hbm>> -> memref<128xi32, #tpu.memory_space<hbm>>
        tpu.enqueue_dma source(%dma_start3A_69 : memref<128xi32, #tpu.memory_space<hbm>>) target(%arg9 : memref<128xi32, #tpu.memory_space<vmem>>) target_semaphore(%arg17 : memref<!tpu.dma_semaphore, #tpu.memory_space<semaphore_mem>>)
        %dma_start3A_70 = tpu.memref_slice %arg4[%add3A_67] : memref<327680xi32, #tpu.memory_space<hbm>> -> memref<128xi32, #tpu.memory_space<hbm>>
        %dma_start3A_71 = tpu.memref_slice %arg4[%add3A_67] : memref<327680xi32, #tpu.memory_space<hbm>> -> memref<128xi32, #tpu.memory_space<hbm>>
        tpu.enqueue_dma source(%dma_start3A_71 : memref<128xi32, #tpu.memory_space<hbm>>) target(%arg10 : memref<128xi32, #tpu.memory_space<vmem>>) target_semaphore(%arg17 : memref<!tpu.dma_semaphore, #tpu.memory_space<semaphore_mem>>)
      } else {
      }
    }
    %scan3A_30 = arith.constant 40 : i32
    %barrier3A_31 = arith.constant 0 : index
    tpu.barrier barrier_id(%barrier3A_31)
    "tpu.region"() ({
      %run_scoped3A = tpu.sem_alloc : memref<!tpu.dma_semaphore, #tpu.memory_space<semaphore_mem>>
      %dma_start3A_32 = arith.constant 0 : i32
      %dma_start3A_33 = tpu.memref_slice %arg6[%arg0, %mul3A_2, %dma_start3A_32] : memref<2x10240x128xf32, #tpu.memory_space<hbm>> -> memref<1x640x128xf32, #tpu.memory_space<hbm>>
      %dma_start3A_34 = tpu.memref_squeeze %dma_start3A_33 : memref<1x640x128xf32, #tpu.memory_space<hbm>> -> memref<640x128xf32, #tpu.memory_space<hbm>>
      %dma_start3A_35 = arith.constant 0 : i32
      %dma_start3A_36 = tpu.memref_slice %arg13[%mul3A_2, %dma_start3A_35] : memref<10240x128xf32, #tpu.memory_space<vmem_shared>> -> memref<640x128xf32, #tpu.memory_space<vmem_shared>>
      tpu.enqueue_dma source(%dma_start3A_36 : memref<640x128xf32, #tpu.memory_space<vmem_shared>>) target(%dma_start3A_34 : memref<640x128xf32, #tpu.memory_space<hbm>>) target_semaphore(%run_scoped3A : memref<!tpu.dma_semaphore, #tpu.memory_space<semaphore_mem>>)
      %dma_wait3A_37 = arith.constant 0 : i32
      %dma_wait3A_38 = tpu.memref_slice %arg6[%arg0, %mul3A_2, %dma_wait3A_37] : memref<2x10240x128xf32, #tpu.memory_space<hbm>> -> memref<1x640x128xf32, #tpu.memory_space<hbm>>
      %dma_wait3A_39 = tpu.memref_squeeze %dma_wait3A_38 : memref<1x640x128xf32, #tpu.memory_space<hbm>> -> memref<640x128xf32, #tpu.memory_space<hbm>>
      %dma_wait3A_40 = arith.constant 0 : i32
      %dma_wait3A_41 = tpu.memref_slice %arg13[%mul3A_2, %dma_wait3A_40] : memref<10240x128xf32, #tpu.memory_space<vmem_shared>> -> memref<640x128xf32, #tpu.memory_space<vmem_shared>>
      tpu.wait_dma2 semaphore(%run_scoped3A : memref<!tpu.dma_semaphore, #tpu.memory_space<semaphore_mem>>) src(%dma_wait3A_41 : memref<640x128xf32, #tpu.memory_space<vmem_shared>>) dst(%dma_wait3A_39 : memref<640x128xf32, #tpu.memory_space<hbm>>)
      tpu.yield
    }) : () -> ()
    return
  }
}

module attributes {stable_mosaic.version = 14 : i64} {
  func.func @_table_body(%arg0: i32, %arg1: memref<16x26x128xf32, #tpu.memory_space<vmem>>, %arg2: memref<128x384xf32, #tpu.memory_space<vmem>>, %arg3: memref<128x128xf32, #tpu.memory_space<vmem>>, %arg4: memref<1x128xf32, #tpu.memory_space<vmem>>, %arg5: memref<1x128xf32, #tpu.memory_space<vmem>>, %arg6: memref<128x256xf32, #tpu.memory_space<vmem>>, %arg7: memref<1x256xf32, #tpu.memory_space<vmem>>, %arg8: memref<256x128xf32, #tpu.memory_space<vmem>>, %arg9: memref<1x128xf32, #tpu.memory_space<vmem>>, %arg10: memref<1x128xf32, #tpu.memory_space<vmem>>, %arg11: memref<1x128xf32, #tpu.memory_space<vmem>>, %arg12: memref<16x128xf32, #tpu.memory_space<vmem>>) attributes {dimension_semantics = [#tpu.dimension_semantics<arbitrary>], iteration_bounds = array<i64: 250>, scalar_prefetch = 0 : i64, scratch_operands = 0 : i64, tpu.core_type = #tpu.core_type<tc>, window_params = [{transform_indices = @transform_0, window_bounds = array<i64: 16, 26, 128>}, {pipeline_mode = #tpu.pipeline_mode<synchronous>, transform_indices = @transform_1, window_bounds = array<i64: 128, 384>}, {pipeline_mode = #tpu.pipeline_mode<synchronous>, transform_indices = @transform_2, window_bounds = array<i64: 128, 128>}, {pipeline_mode = #tpu.pipeline_mode<synchronous>, transform_indices = @transform_3, window_bounds = array<i64: 1, 128>}, {pipeline_mode = #tpu.pipeline_mode<synchronous>, transform_indices = @transform_4, window_bounds = array<i64: 1, 128>}, {pipeline_mode = #tpu.pipeline_mode<synchronous>, transform_indices = @transform_5, window_bounds = array<i64: 128, 256>}, {pipeline_mode = #tpu.pipeline_mode<synchronous>, transform_indices = @transform_6, window_bounds = array<i64: 1, 256>}, {pipeline_mode = #tpu.pipeline_mode<synchronous>, transform_indices = @transform_7, window_bounds = array<i64: 256, 128>}, {pipeline_mode = #tpu.pipeline_mode<synchronous>, transform_indices = @transform_8, window_bounds = array<i64: 1, 128>}, {pipeline_mode = #tpu.pipeline_mode<synchronous>, transform_indices = @transform_9, window_bounds = array<i64: 1, 128>}, {pipeline_mode = #tpu.pipeline_mode<synchronous>, transform_indices = @transform_10, window_bounds = array<i64: 1, 128>}, {transform_indices = @transform_11, window_bounds = array<i64: 16, 128>}]} {
    %get3A = arith.constant 0 : index
    %get3A_0 = arith.constant 0 : index
    %get3A_1 = arith.constant 0 : index
    %get3A_2 = vector.load %arg1[%get3A, %get3A_0, %get3A_1] : memref<16x26x128xf32, #tpu.memory_space<vmem>>, vector<16x26x128xf32>
    %reshape3A = vector.shape_cast %get3A_2 : vector<16x26x128xf32> to vector<416x128xf32>
    %get3A_3 = arith.constant 0 : index
    %get3A_4 = arith.constant 0 : index
    %get3A_5 = vector.load %arg2[%get3A_3, %get3A_4] : memref<128x384xf32, #tpu.memory_space<vmem>>, vector<128x384xf32>
    %dot_general3A = arith.constant dense<0.000000e+00> : vector<416x384xf32>
    %dot_general3A_6 = tpu.matmul %reshape3A, %get3A_5, %dot_general3A {dimension_numbers = #tpu.dot_dimension_numbers<[1], [0], [0], [1], [0, 0, 1, 1], [], []>, transpose_lhs_hint = false} : vector<416x128xf32>, vector<128x384xf32>, vector<416x384xf32> -> vector<416x384xf32>
    %slice3A = vector.extract_strided_slice %dot_general3A_6 {offsets = [0, 0], sizes = [416, 128], strides = [1, 1]} : vector<416x384xf32> to vector<416x128xf32>
    %reshape3A_7 = vector.shape_cast %slice3A : vector<416x128xf32> to vector<16x26x128xf32>
    %slice3A_8 = vector.extract_strided_slice %dot_general3A_6 {offsets = [0, 128], sizes = [416, 128], strides = [1, 1]} : vector<416x384xf32> to vector<416x128xf32>
    %reshape3A_9 = vector.shape_cast %slice3A_8 : vector<416x128xf32> to vector<16x26x128xf32>
    %slice3A_10 = vector.extract_strided_slice %dot_general3A_6 {offsets = [0, 256], sizes = [416, 128], strides = [1, 1]} : vector<416x384xf32> to vector<416x128xf32>
    %reshape3A_11 = vector.shape_cast %slice3A_10 : vector<416x128xf32> to vector<16x26x128xf32>
    %slice3A_12 = vector.extract_strided_slice %reshape3A_7 {offsets = [0, 0, 0], sizes = [16, 26, 16], strides = [1, 1, 1]} : vector<16x26x128xf32> to vector<16x26x16xf32>
    %slice3A_13 = vector.extract_strided_slice %reshape3A_9 {offsets = [0, 0, 0], sizes = [16, 26, 16], strides = [1, 1, 1]} : vector<16x26x128xf32> to vector<16x26x16xf32>
    %slice3A_14 = vector.extract_strided_slice %reshape3A_11 {offsets = [0, 0, 0], sizes = [16, 26, 16], strides = [1, 1, 1]} : vector<16x26x128xf32> to vector<16x26x16xf32>
    %dot_general3A_15 = arith.constant dense<0.000000e+00> : vector<16x26x26xf32>
    %dot_general3A_16 = tpu.matmul %slice3A_12, %slice3A_13, %dot_general3A_15 {dimension_numbers = #tpu.dot_dimension_numbers<[2], [2], [1], [1], [0, 0, 0, 1, 1, 1], [0], [0]>, transpose_lhs_hint = false} : vector<16x26x16xf32>, vector<16x26x16xf32>, vector<16x26x26xf32> -> vector<16x26x26xf32>
    %exp3A = math.exp %dot_general3A_16 : vector<16x26x26xf32>
    %broadcast_in_dim3A = arith.constant 1.000000e+00 : f32
    %broadcast_in_dim3A_17 = vector.broadcast %broadcast_in_dim3A : f32 to vector<16x26x16xf32>
    %concatenate3A = tpu.concatenate %slice3A_14, %broadcast_in_dim3A_17 in 2 : vector<16x26x16xf32>, vector<16x26x16xf32> -> vector<16x26x32xf32>
    %dot_general3A_18 = arith.constant dense<0.000000e+00> : vector<16x26x32xf32>
    %dot_general3A_19 = tpu.matmul %exp3A, %concatenate3A, %dot_general3A_18 {dimension_numbers = #tpu.dot_dimension_numbers<[2], [1], [1], [2], [0, 0, 0, 1, 1, 2], [0], [0]>, transpose_lhs_hint = false} : vector<16x26x26xf32>, vector<16x26x32xf32>, vector<16x26x32xf32> -> vector<16x26x32xf32>
    %slice3A_20 = vector.extract_strided_slice %dot_general3A_19 {offsets = [0, 0, 0], sizes = [16, 26, 16], strides = [1, 1, 1]} : vector<16x26x32xf32> to vector<16x26x16xf32>
    %slice3A_21 = vector.extract_strided_slice %dot_general3A_19 {offsets = [0, 0, 16], sizes = [16, 26, 1], strides = [1, 1, 1]} : vector<16x26x32xf32> to vector<16x26x1xf32>
    %div3A = vector.broadcast %slice3A_21 : vector<16x26x1xf32> to vector<16x26x16xf32>
    %div3A_22 = arith.divf %slice3A_20, %div3A : vector<16x26x16xf32>
    %slice3A_23 = vector.extract_strided_slice %reshape3A_7 {offsets = [0, 0, 16], sizes = [16, 26, 16], strides = [1, 1, 1]} : vector<16x26x128xf32> to vector<16x26x16xf32>
    %slice3A_24 = vector.extract_strided_slice %reshape3A_9 {offsets = [0, 0, 16], sizes = [16, 26, 16], strides = [1, 1, 1]} : vector<16x26x128xf32> to vector<16x26x16xf32>
    %slice3A_25 = vector.extract_strided_slice %reshape3A_11 {offsets = [0, 0, 16], sizes = [16, 26, 16], strides = [1, 1, 1]} : vector<16x26x128xf32> to vector<16x26x16xf32>
    %dot_general3A_26 = arith.constant dense<0.000000e+00> : vector<16x26x26xf32>
    %dot_general3A_27 = tpu.matmul %slice3A_23, %slice3A_24, %dot_general3A_26 {dimension_numbers = #tpu.dot_dimension_numbers<[2], [2], [1], [1], [0, 0, 0, 1, 1, 1], [0], [0]>, transpose_lhs_hint = false} : vector<16x26x16xf32>, vector<16x26x16xf32>, vector<16x26x26xf32> -> vector<16x26x26xf32>
    %exp3A_28 = math.exp %dot_general3A_27 : vector<16x26x26xf32>
    %broadcast_in_dim3A_29 = arith.constant 1.000000e+00 : f32
    %broadcast_in_dim3A_30 = vector.broadcast %broadcast_in_dim3A_29 : f32 to vector<16x26x16xf32>
    %concatenate3A_31 = tpu.concatenate %slice3A_25, %broadcast_in_dim3A_30 in 2 : vector<16x26x16xf32>, vector<16x26x16xf32> -> vector<16x26x32xf32>
    %dot_general3A_32 = arith.constant dense<0.000000e+00> : vector<16x26x32xf32>
    %dot_general3A_33 = tpu.matmul %exp3A_28, %concatenate3A_31, %dot_general3A_32 {dimension_numbers = #tpu.dot_dimension_numbers<[2], [1], [1], [2], [0, 0, 0, 1, 1, 2], [0], [0]>, transpose_lhs_hint = false} : vector<16x26x26xf32>, vector<16x26x32xf32>, vector<16x26x32xf32> -> vector<16x26x32xf32>
    %slice3A_34 = vector.extract_strided_slice %dot_general3A_33 {offsets = [0, 0, 0], sizes = [16, 26, 16], strides = [1, 1, 1]} : vector<16x26x32xf32> to vector<16x26x16xf32>
    %slice3A_35 = vector.extract_strided_slice %dot_general3A_33 {offsets = [0, 0, 16], sizes = [16, 26, 1], strides = [1, 1, 1]} : vector<16x26x32xf32> to vector<16x26x1xf32>
    %div3A_36 = vector.broadcast %slice3A_35 : vector<16x26x1xf32> to vector<16x26x16xf32>
    %div3A_37 = arith.divf %slice3A_34, %div3A_36 : vector<16x26x16xf32>
    %slice3A_38 = vector.extract_strided_slice %reshape3A_7 {offsets = [0, 0, 32], sizes = [16, 26, 16], strides = [1, 1, 1]} : vector<16x26x128xf32> to vector<16x26x16xf32>
    %slice3A_39 = vector.extract_strided_slice %reshape3A_9 {offsets = [0, 0, 32], sizes = [16, 26, 16], strides = [1, 1, 1]} : vector<16x26x128xf32> to vector<16x26x16xf32>
    %slice3A_40 = vector.extract_strided_slice %reshape3A_11 {offsets = [0, 0, 32], sizes = [16, 26, 16], strides = [1, 1, 1]} : vector<16x26x128xf32> to vector<16x26x16xf32>
    %dot_general3A_41 = arith.constant dense<0.000000e+00> : vector<16x26x26xf32>
    %dot_general3A_42 = tpu.matmul %slice3A_38, %slice3A_39, %dot_general3A_41 {dimension_numbers = #tpu.dot_dimension_numbers<[2], [2], [1], [1], [0, 0, 0, 1, 1, 1], [0], [0]>, transpose_lhs_hint = false} : vector<16x26x16xf32>, vector<16x26x16xf32>, vector<16x26x26xf32> -> vector<16x26x26xf32>
    %exp3A_43 = math.exp %dot_general3A_42 : vector<16x26x26xf32>
    %broadcast_in_dim3A_44 = arith.constant 1.000000e+00 : f32
    %broadcast_in_dim3A_45 = vector.broadcast %broadcast_in_dim3A_44 : f32 to vector<16x26x16xf32>
    %concatenate3A_46 = tpu.concatenate %slice3A_40, %broadcast_in_dim3A_45 in 2 : vector<16x26x16xf32>, vector<16x26x16xf32> -> vector<16x26x32xf32>
    %dot_general3A_47 = arith.constant dense<0.000000e+00> : vector<16x26x32xf32>
    %dot_general3A_48 = tpu.matmul %exp3A_43, %concatenate3A_46, %dot_general3A_47 {dimension_numbers = #tpu.dot_dimension_numbers<[2], [1], [1], [2], [0, 0, 0, 1, 1, 2], [0], [0]>, transpose_lhs_hint = false} : vector<16x26x26xf32>, vector<16x26x32xf32>, vector<16x26x32xf32> -> vector<16x26x32xf32>
    %slice3A_49 = vector.extract_strided_slice %dot_general3A_48 {offsets = [0, 0, 0], sizes = [16, 26, 16], strides = [1, 1, 1]} : vector<16x26x32xf32> to vector<16x26x16xf32>
    %slice3A_50 = vector.extract_strided_slice %dot_general3A_48 {offsets = [0, 0, 16], sizes = [16, 26, 1], strides = [1, 1, 1]} : vector<16x26x32xf32> to vector<16x26x1xf32>
    %div3A_51 = vector.broadcast %slice3A_50 : vector<16x26x1xf32> to vector<16x26x16xf32>
    %div3A_52 = arith.divf %slice3A_49, %div3A_51 : vector<16x26x16xf32>
    %slice3A_53 = vector.extract_strided_slice %reshape3A_7 {offsets = [0, 0, 48], sizes = [16, 26, 16], strides = [1, 1, 1]} : vector<16x26x128xf32> to vector<16x26x16xf32>
    %slice3A_54 = vector.extract_strided_slice %reshape3A_9 {offsets = [0, 0, 48], sizes = [16, 26, 16], strides = [1, 1, 1]} : vector<16x26x128xf32> to vector<16x26x16xf32>
    %slice3A_55 = vector.extract_strided_slice %reshape3A_11 {offsets = [0, 0, 48], sizes = [16, 26, 16], strides = [1, 1, 1]} : vector<16x26x128xf32> to vector<16x26x16xf32>
    %dot_general3A_56 = arith.constant dense<0.000000e+00> : vector<16x26x26xf32>
    %dot_general3A_57 = tpu.matmul %slice3A_53, %slice3A_54, %dot_general3A_56 {dimension_numbers = #tpu.dot_dimension_numbers<[2], [2], [1], [1], [0, 0, 0, 1, 1, 1], [0], [0]>, transpose_lhs_hint = false} : vector<16x26x16xf32>, vector<16x26x16xf32>, vector<16x26x26xf32> -> vector<16x26x26xf32>
    %exp3A_58 = math.exp %dot_general3A_57 : vector<16x26x26xf32>
    %broadcast_in_dim3A_59 = arith.constant 1.000000e+00 : f32
    %broadcast_in_dim3A_60 = vector.broadcast %broadcast_in_dim3A_59 : f32 to vector<16x26x16xf32>
    %concatenate3A_61 = tpu.concatenate %slice3A_55, %broadcast_in_dim3A_60 in 2 : vector<16x26x16xf32>, vector<16x26x16xf32> -> vector<16x26x32xf32>
    %dot_general3A_62 = arith.constant dense<0.000000e+00> : vector<16x26x32xf32>
    %dot_general3A_63 = tpu.matmul %exp3A_58, %concatenate3A_61, %dot_general3A_62 {dimension_numbers = #tpu.dot_dimension_numbers<[2], [1], [1], [2], [0, 0, 0, 1, 1, 2], [0], [0]>, transpose_lhs_hint = false} : vector<16x26x26xf32>, vector<16x26x32xf32>, vector<16x26x32xf32> -> vector<16x26x32xf32>
    %slice3A_64 = vector.extract_strided_slice %dot_general3A_63 {offsets = [0, 0, 0], sizes = [16, 26, 16], strides = [1, 1, 1]} : vector<16x26x32xf32> to vector<16x26x16xf32>
    %slice3A_65 = vector.extract_strided_slice %dot_general3A_63 {offsets = [0, 0, 16], sizes = [16, 26, 1], strides = [1, 1, 1]} : vector<16x26x32xf32> to vector<16x26x1xf32>
    %div3A_66 = vector.broadcast %slice3A_65 : vector<16x26x1xf32> to vector<16x26x16xf32>
    %div3A_67 = arith.divf %slice3A_64, %div3A_66 : vector<16x26x16xf32>
    %slice3A_68 = vector.extract_strided_slice %reshape3A_7 {offsets = [0, 0, 64], sizes = [16, 26, 16], strides = [1, 1, 1]} : vector<16x26x128xf32> to vector<16x26x16xf32>
    %slice3A_69 = vector.extract_strided_slice %reshape3A_9 {offsets = [0, 0, 64], sizes = [16, 26, 16], strides = [1, 1, 1]} : vector<16x26x128xf32> to vector<16x26x16xf32>
    %slice3A_70 = vector.extract_strided_slice %reshape3A_11 {offsets = [0, 0, 64], sizes = [16, 26, 16], strides = [1, 1, 1]} : vector<16x26x128xf32> to vector<16x26x16xf32>
    %dot_general3A_71 = arith.constant dense<0.000000e+00> : vector<16x26x26xf32>
    %dot_general3A_72 = tpu.matmul %slice3A_68, %slice3A_69, %dot_general3A_71 {dimension_numbers = #tpu.dot_dimension_numbers<[2], [2], [1], [1], [0, 0, 0, 1, 1, 1], [0], [0]>, transpose_lhs_hint = false} : vector<16x26x16xf32>, vector<16x26x16xf32>, vector<16x26x26xf32> -> vector<16x26x26xf32>
    %exp3A_73 = math.exp %dot_general3A_72 : vector<16x26x26xf32>
    %broadcast_in_dim3A_74 = arith.constant 1.000000e+00 : f32
    %broadcast_in_dim3A_75 = vector.broadcast %broadcast_in_dim3A_74 : f32 to vector<16x26x16xf32>
    %concatenate3A_76 = tpu.concatenate %slice3A_70, %broadcast_in_dim3A_75 in 2 : vector<16x26x16xf32>, vector<16x26x16xf32> -> vector<16x26x32xf32>
    %dot_general3A_77 = arith.constant dense<0.000000e+00> : vector<16x26x32xf32>
    %dot_general3A_78 = tpu.matmul %exp3A_73, %concatenate3A_76, %dot_general3A_77 {dimension_numbers = #tpu.dot_dimension_numbers<[2], [1], [1], [2], [0, 0, 0, 1, 1, 2], [0], [0]>, transpose_lhs_hint = false} : vector<16x26x26xf32>, vector<16x26x32xf32>, vector<16x26x32xf32> -> vector<16x26x32xf32>
    %slice3A_79 = vector.extract_strided_slice %dot_general3A_78 {offsets = [0, 0, 0], sizes = [16, 26, 16], strides = [1, 1, 1]} : vector<16x26x32xf32> to vector<16x26x16xf32>
    %slice3A_80 = vector.extract_strided_slice %dot_general3A_78 {offsets = [0, 0, 16], sizes = [16, 26, 1], strides = [1, 1, 1]} : vector<16x26x32xf32> to vector<16x26x1xf32>
    %div3A_81 = vector.broadcast %slice3A_80 : vector<16x26x1xf32> to vector<16x26x16xf32>
    %div3A_82 = arith.divf %slice3A_79, %div3A_81 : vector<16x26x16xf32>
    %slice3A_83 = vector.extract_strided_slice %reshape3A_7 {offsets = [0, 0, 80], sizes = [16, 26, 16], strides = [1, 1, 1]} : vector<16x26x128xf32> to vector<16x26x16xf32>
    %slice3A_84 = vector.extract_strided_slice %reshape3A_9 {offsets = [0, 0, 80], sizes = [16, 26, 16], strides = [1, 1, 1]} : vector<16x26x128xf32> to vector<16x26x16xf32>
    %slice3A_85 = vector.extract_strided_slice %reshape3A_11 {offsets = [0, 0, 80], sizes = [16, 26, 16], strides = [1, 1, 1]} : vector<16x26x128xf32> to vector<16x26x16xf32>
    %dot_general3A_86 = arith.constant dense<0.000000e+00> : vector<16x26x26xf32>
    %dot_general3A_87 = tpu.matmul %slice3A_83, %slice3A_84, %dot_general3A_86 {dimension_numbers = #tpu.dot_dimension_numbers<[2], [2], [1], [1], [0, 0, 0, 1, 1, 1], [0], [0]>, transpose_lhs_hint = false} : vector<16x26x16xf32>, vector<16x26x16xf32>, vector<16x26x26xf32> -> vector<16x26x26xf32>
    %exp3A_88 = math.exp %dot_general3A_87 : vector<16x26x26xf32>
    %broadcast_in_dim3A_89 = arith.constant 1.000000e+00 : f32
    %broadcast_in_dim3A_90 = vector.broadcast %broadcast_in_dim3A_89 : f32 to vector<16x26x16xf32>
    %concatenate3A_91 = tpu.concatenate %slice3A_85, %broadcast_in_dim3A_90 in 2 : vector<16x26x16xf32>, vector<16x26x16xf32> -> vector<16x26x32xf32>
    %dot_general3A_92 = arith.constant dense<0.000000e+00> : vector<16x26x32xf32>
    %dot_general3A_93 = tpu.matmul %exp3A_88, %concatenate3A_91, %dot_general3A_92 {dimension_numbers = #tpu.dot_dimension_numbers<[2], [1], [1], [2], [0, 0, 0, 1, 1, 2], [0], [0]>, transpose_lhs_hint = false} : vector<16x26x26xf32>, vector<16x26x32xf32>, vector<16x26x32xf32> -> vector<16x26x32xf32>
    %slice3A_94 = vector.extract_strided_slice %dot_general3A_93 {offsets = [0, 0, 0], sizes = [16, 26, 16], strides = [1, 1, 1]} : vector<16x26x32xf32> to vector<16x26x16xf32>
    %slice3A_95 = vector.extract_strided_slice %dot_general3A_93 {offsets = [0, 0, 16], sizes = [16, 26, 1], strides = [1, 1, 1]} : vector<16x26x32xf32> to vector<16x26x1xf32>
    %div3A_96 = vector.broadcast %slice3A_95 : vector<16x26x1xf32> to vector<16x26x16xf32>
    %div3A_97 = arith.divf %slice3A_94, %div3A_96 : vector<16x26x16xf32>
    %slice3A_98 = vector.extract_strided_slice %reshape3A_7 {offsets = [0, 0, 96], sizes = [16, 26, 16], strides = [1, 1, 1]} : vector<16x26x128xf32> to vector<16x26x16xf32>
    %slice3A_99 = vector.extract_strided_slice %reshape3A_9 {offsets = [0, 0, 96], sizes = [16, 26, 16], strides = [1, 1, 1]} : vector<16x26x128xf32> to vector<16x26x16xf32>
    %slice3A_100 = vector.extract_strided_slice %reshape3A_11 {offsets = [0, 0, 96], sizes = [16, 26, 16], strides = [1, 1, 1]} : vector<16x26x128xf32> to vector<16x26x16xf32>
    %dot_general3A_101 = arith.constant dense<0.000000e+00> : vector<16x26x26xf32>
    %dot_general3A_102 = tpu.matmul %slice3A_98, %slice3A_99, %dot_general3A_101 {dimension_numbers = #tpu.dot_dimension_numbers<[2], [2], [1], [1], [0, 0, 0, 1, 1, 1], [0], [0]>, transpose_lhs_hint = false} : vector<16x26x16xf32>, vector<16x26x16xf32>, vector<16x26x26xf32> -> vector<16x26x26xf32>
    %exp3A_103 = math.exp %dot_general3A_102 : vector<16x26x26xf32>
    %broadcast_in_dim3A_104 = arith.constant 1.000000e+00 : f32
    %broadcast_in_dim3A_105 = vector.broadcast %broadcast_in_dim3A_104 : f32 to vector<16x26x16xf32>
    %concatenate3A_106 = tpu.concatenate %slice3A_100, %broadcast_in_dim3A_105 in 2 : vector<16x26x16xf32>, vector<16x26x16xf32> -> vector<16x26x32xf32>
    %dot_general3A_107 = arith.constant dense<0.000000e+00> : vector<16x26x32xf32>
    %dot_general3A_108 = tpu.matmul %exp3A_103, %concatenate3A_106, %dot_general3A_107 {dimension_numbers = #tpu.dot_dimension_numbers<[2], [1], [1], [2], [0, 0, 0, 1, 1, 2], [0], [0]>, transpose_lhs_hint = false} : vector<16x26x26xf32>, vector<16x26x32xf32>, vector<16x26x32xf32> -> vector<16x26x32xf32>
    %slice3A_109 = vector.extract_strided_slice %dot_general3A_108 {offsets = [0, 0, 0], sizes = [16, 26, 16], strides = [1, 1, 1]} : vector<16x26x32xf32> to vector<16x26x16xf32>
    %slice3A_110 = vector.extract_strided_slice %dot_general3A_108 {offsets = [0, 0, 16], sizes = [16, 26, 1], strides = [1, 1, 1]} : vector<16x26x32xf32> to vector<16x26x1xf32>
    %div3A_111 = vector.broadcast %slice3A_110 : vector<16x26x1xf32> to vector<16x26x16xf32>
    %div3A_112 = arith.divf %slice3A_109, %div3A_111 : vector<16x26x16xf32>
    %slice3A_113 = vector.extract_strided_slice %reshape3A_7 {offsets = [0, 0, 112], sizes = [16, 26, 16], strides = [1, 1, 1]} : vector<16x26x128xf32> to vector<16x26x16xf32>
    %slice3A_114 = vector.extract_strided_slice %reshape3A_9 {offsets = [0, 0, 112], sizes = [16, 26, 16], strides = [1, 1, 1]} : vector<16x26x128xf32> to vector<16x26x16xf32>
    %slice3A_115 = vector.extract_strided_slice %reshape3A_11 {offsets = [0, 0, 112], sizes = [16, 26, 16], strides = [1, 1, 1]} : vector<16x26x128xf32> to vector<16x26x16xf32>
    %dot_general3A_116 = arith.constant dense<0.000000e+00> : vector<16x26x26xf32>
    %dot_general3A_117 = tpu.matmul %slice3A_113, %slice3A_114, %dot_general3A_116 {dimension_numbers = #tpu.dot_dimension_numbers<[2], [2], [1], [1], [0, 0, 0, 1, 1, 1], [0], [0]>, transpose_lhs_hint = false} : vector<16x26x16xf32>, vector<16x26x16xf32>, vector<16x26x26xf32> -> vector<16x26x26xf32>
    %exp3A_118 = math.exp %dot_general3A_117 : vector<16x26x26xf32>
    %broadcast_in_dim3A_119 = arith.constant 1.000000e+00 : f32
    %broadcast_in_dim3A_120 = vector.broadcast %broadcast_in_dim3A_119 : f32 to vector<16x26x16xf32>
    %concatenate3A_121 = tpu.concatenate %slice3A_115, %broadcast_in_dim3A_120 in 2 : vector<16x26x16xf32>, vector<16x26x16xf32> -> vector<16x26x32xf32>
    %dot_general3A_122 = arith.constant dense<0.000000e+00> : vector<16x26x32xf32>
    %dot_general3A_123 = tpu.matmul %exp3A_118, %concatenate3A_121, %dot_general3A_122 {dimension_numbers = #tpu.dot_dimension_numbers<[2], [1], [1], [2], [0, 0, 0, 1, 1, 2], [0], [0]>, transpose_lhs_hint = false} : vector<16x26x26xf32>, vector<16x26x32xf32>, vector<16x26x32xf32> -> vector<16x26x32xf32>
    %slice3A_124 = vector.extract_strided_slice %dot_general3A_123 {offsets = [0, 0, 0], sizes = [16, 26, 16], strides = [1, 1, 1]} : vector<16x26x32xf32> to vector<16x26x16xf32>
    %slice3A_125 = vector.extract_strided_slice %dot_general3A_123 {offsets = [0, 0, 16], sizes = [16, 26, 1], strides = [1, 1, 1]} : vector<16x26x32xf32> to vector<16x26x1xf32>
    %div3A_126 = vector.broadcast %slice3A_125 : vector<16x26x1xf32> to vector<16x26x16xf32>
    %div3A_127 = arith.divf %slice3A_124, %div3A_126 : vector<16x26x16xf32>
    %concatenate3A_128 = tpu.concatenate %div3A_22, %div3A_37, %div3A_52, %div3A_67, %div3A_82, %div3A_97, %div3A_112, %div3A_127 in 2 : vector<16x26x16xf32>, vector<16x26x16xf32>, vector<16x26x16xf32>, vector<16x26x16xf32>, vector<16x26x16xf32>, vector<16x26x16xf32>, vector<16x26x16xf32>, vector<16x26x16xf32> -> vector<16x26x128xf32>
    %reshape3A_129 = vector.shape_cast %concatenate3A_128 : vector<16x26x128xf32> to vector<416x128xf32>
    %get3A_130 = arith.constant 0 : index
    %get3A_131 = arith.constant 0 : index
    %get3A_132 = vector.load %arg3[%get3A_130, %get3A_131] : memref<128x128xf32, #tpu.memory_space<vmem>>, vector<128x128xf32>
    %dot_general3A_133 = arith.constant dense<0.000000e+00> : vector<416x128xf32>
    %dot_general3A_134 = tpu.matmul %reshape3A_129, %get3A_132, %dot_general3A_133 {dimension_numbers = #tpu.dot_dimension_numbers<[1], [0], [0], [1], [0, 0, 1, 1], [], []>, transpose_lhs_hint = false} : vector<416x128xf32>, vector<128x128xf32>, vector<416x128xf32> -> vector<416x128xf32>
    %add3A = arith.addf %reshape3A, %dot_general3A_134 : vector<416x128xf32>
    %get3A_135 = arith.constant 0 : index
    %get3A_136 = arith.constant 0 : index
    %get3A_137 = vector.load %arg4[%get3A_135, %get3A_136] : memref<1x128xf32, #tpu.memory_space<vmem>>, vector<1x128xf32>
    %get3A_138 = arith.constant 0 : index
    %get3A_139 = arith.constant 0 : index
    %get3A_140 = vector.load %arg5[%get3A_138, %get3A_139] : memref<1x128xf32, #tpu.memory_space<vmem>>, vector<1x128xf32>
    %reduce_sum3A = arith.constant dense<0.000000e+00> : vector<416xf32>
    %reduce_sum3A_141 = vector.multi_reduction <add>, %add3A, %reduce_sum3A [1] : vector<416x128xf32> to vector<416xf32>
    %broadcast_in_dim3A_142 = vector.shape_cast %reduce_sum3A_141 : vector<416xf32> to vector<416x1xf32>
    %div3A_143 = arith.constant 1.280000e+02 : f32
    %div3A_144 = vector.broadcast %div3A_143 : f32 to vector<416x1xf32>
    %div3A_145 = arith.divf %broadcast_in_dim3A_142, %div3A_144 : vector<416x1xf32>
    %sub3A = vector.broadcast %div3A_145 : vector<416x1xf32> to vector<416x128xf32>
    %sub3A_146 = arith.subf %add3A, %sub3A : vector<416x128xf32>
    %mul3A = arith.mulf %sub3A_146, %sub3A_146 : vector<416x128xf32>
    %reduce_sum3A_147 = arith.constant dense<0.000000e+00> : vector<416xf32>
    %reduce_sum3A_148 = vector.multi_reduction <add>, %mul3A, %reduce_sum3A_147 [1] : vector<416x128xf32> to vector<416xf32>
    %broadcast_in_dim3A_149 = vector.shape_cast %reduce_sum3A_148 : vector<416xf32> to vector<416x1xf32>
    %div3A_150 = arith.constant 1.280000e+02 : f32
    %div3A_151 = vector.broadcast %div3A_150 : f32 to vector<416x1xf32>
    %div3A_152 = arith.divf %broadcast_in_dim3A_149, %div3A_151 : vector<416x1xf32>
    %add3A_153 = arith.constant 9.99999974E-6 : f32
    %add3A_154 = vector.broadcast %add3A_153 : f32 to vector<416x1xf32>
    %add3A_155 = arith.addf %div3A_152, %add3A_154 : vector<416x1xf32>
    %rsqrt3A = math.rsqrt %add3A_155 : vector<416x1xf32>
    %mul3A_156 = vector.broadcast %rsqrt3A : vector<416x1xf32> to vector<416x128xf32>
    %mul3A_157 = arith.mulf %sub3A_146, %mul3A_156 : vector<416x128xf32>
    %mul3A_158 = vector.broadcast %get3A_137 : vector<1x128xf32> to vector<416x128xf32>
    %mul3A_159 = arith.mulf %mul3A_157, %mul3A_158 : vector<416x128xf32>
    %add3A_160 = vector.broadcast %get3A_140 : vector<1x128xf32> to vector<416x128xf32>
    %add3A_161 = arith.addf %mul3A_159, %add3A_160 : vector<416x128xf32>
    %get3A_162 = arith.constant 0 : index
    %get3A_163 = arith.constant 0 : index
    %get3A_164 = vector.load %arg6[%get3A_162, %get3A_163] : memref<128x256xf32, #tpu.memory_space<vmem>>, vector<128x256xf32>
    %dot_general3A_165 = arith.constant dense<0.000000e+00> : vector<416x256xf32>
    %dot_general3A_166 = tpu.matmul %add3A_161, %get3A_164, %dot_general3A_165 {dimension_numbers = #tpu.dot_dimension_numbers<[1], [0], [0], [1], [0, 0, 1, 1], [], []>, transpose_lhs_hint = false} : vector<416x128xf32>, vector<128x256xf32>, vector<416x256xf32> -> vector<416x256xf32>
    %get3A_167 = arith.constant 0 : index
    %get3A_168 = arith.constant 0 : index
    %get3A_169 = vector.load %arg7[%get3A_167, %get3A_168] : memref<1x256xf32, #tpu.memory_space<vmem>>, vector<1x256xf32>
    %add3A_170 = vector.broadcast %get3A_169 : vector<1x256xf32> to vector<416x256xf32>
    %add3A_171 = arith.addf %dot_general3A_166, %add3A_170 : vector<416x256xf32>
    %integer_pow3A = arith.mulf %add3A_171, %add3A_171 : vector<416x256xf32>
    %integer_pow3A_172 = arith.mulf %add3A_171, %integer_pow3A : vector<416x256xf32>
    %mul3A_173 = arith.constant 4.471500e-02 : f32
    %mul3A_174 = vector.broadcast %mul3A_173 : f32 to vector<416x256xf32>
    %mul3A_175 = arith.mulf %mul3A_174, %integer_pow3A_172 : vector<416x256xf32>
    %add3A_176 = arith.addf %add3A_171, %mul3A_175 : vector<416x256xf32>
    %mul3A_177 = arith.constant 0.797884583 : f32
    %mul3A_178 = vector.broadcast %mul3A_177 : f32 to vector<416x256xf32>
    %mul3A_179 = arith.mulf %mul3A_178, %add3A_176 : vector<416x256xf32>
    %tanh3A = math.tanh %mul3A_179 : vector<416x256xf32>
    %add3A_180 = arith.constant 1.000000e+00 : f32
    %add3A_181 = vector.broadcast %add3A_180 : f32 to vector<416x256xf32>
    %add3A_182 = arith.addf %add3A_181, %tanh3A : vector<416x256xf32>
    %mul3A_183 = arith.constant 5.000000e-01 : f32
    %mul3A_184 = vector.broadcast %mul3A_183 : f32 to vector<416x256xf32>
    %mul3A_185 = arith.mulf %mul3A_184, %add3A_182 : vector<416x256xf32>
    %mul3A_186 = arith.mulf %add3A_171, %mul3A_185 : vector<416x256xf32>
    %get3A_187 = arith.constant 0 : index
    %get3A_188 = arith.constant 0 : index
    %get3A_189 = vector.load %arg8[%get3A_187, %get3A_188] : memref<256x128xf32, #tpu.memory_space<vmem>>, vector<256x128xf32>
    %dot_general3A_190 = arith.constant dense<0.000000e+00> : vector<416x128xf32>
    %dot_general3A_191 = tpu.matmul %mul3A_186, %get3A_189, %dot_general3A_190 {dimension_numbers = #tpu.dot_dimension_numbers<[1], [0], [0], [1], [0, 0, 1, 1], [], []>, transpose_lhs_hint = false} : vector<416x256xf32>, vector<256x128xf32>, vector<416x128xf32> -> vector<416x128xf32>
    %get3A_192 = arith.constant 0 : index
    %get3A_193 = arith.constant 0 : index
    %get3A_194 = vector.load %arg9[%get3A_192, %get3A_193] : memref<1x128xf32, #tpu.memory_space<vmem>>, vector<1x128xf32>
    %add3A_195 = vector.broadcast %get3A_194 : vector<1x128xf32> to vector<416x128xf32>
    %add3A_196 = arith.addf %dot_general3A_191, %add3A_195 : vector<416x128xf32>
    %add3A_197 = arith.addf %add3A_161, %add3A_196 : vector<416x128xf32>
    %get3A_198 = arith.constant 0 : index
    %get3A_199 = arith.constant 0 : index
    %get3A_200 = vector.load %arg10[%get3A_198, %get3A_199] : memref<1x128xf32, #tpu.memory_space<vmem>>, vector<1x128xf32>
    %get3A_201 = arith.constant 0 : index
    %get3A_202 = arith.constant 0 : index
    %get3A_203 = vector.load %arg11[%get3A_201, %get3A_202] : memref<1x128xf32, #tpu.memory_space<vmem>>, vector<1x128xf32>
    %reduce_sum3A_204 = arith.constant dense<0.000000e+00> : vector<416xf32>
    %reduce_sum3A_205 = vector.multi_reduction <add>, %add3A_197, %reduce_sum3A_204 [1] : vector<416x128xf32> to vector<416xf32>
    %broadcast_in_dim3A_206 = vector.shape_cast %reduce_sum3A_205 : vector<416xf32> to vector<416x1xf32>
    %div3A_207 = arith.constant 1.280000e+02 : f32
    %div3A_208 = vector.broadcast %div3A_207 : f32 to vector<416x1xf32>
    %div3A_209 = arith.divf %broadcast_in_dim3A_206, %div3A_208 : vector<416x1xf32>
    %sub3A_210 = vector.broadcast %div3A_209 : vector<416x1xf32> to vector<416x128xf32>
    %sub3A_211 = arith.subf %add3A_197, %sub3A_210 : vector<416x128xf32>
    %mul3A_212 = arith.mulf %sub3A_211, %sub3A_211 : vector<416x128xf32>
    %reduce_sum3A_213 = arith.constant dense<0.000000e+00> : vector<416xf32>
    %reduce_sum3A_214 = vector.multi_reduction <add>, %mul3A_212, %reduce_sum3A_213 [1] : vector<416x128xf32> to vector<416xf32>
    %broadcast_in_dim3A_215 = vector.shape_cast %reduce_sum3A_214 : vector<416xf32> to vector<416x1xf32>
    %div3A_216 = arith.constant 1.280000e+02 : f32
    %div3A_217 = vector.broadcast %div3A_216 : f32 to vector<416x1xf32>
    %div3A_218 = arith.divf %broadcast_in_dim3A_215, %div3A_217 : vector<416x1xf32>
    %add3A_219 = arith.constant 9.99999974E-6 : f32
    %add3A_220 = vector.broadcast %add3A_219 : f32 to vector<416x1xf32>
    %add3A_221 = arith.addf %div3A_218, %add3A_220 : vector<416x1xf32>
    %rsqrt3A_222 = math.rsqrt %add3A_221 : vector<416x1xf32>
    %mul3A_223 = vector.broadcast %rsqrt3A_222 : vector<416x1xf32> to vector<416x128xf32>
    %mul3A_224 = arith.mulf %sub3A_211, %mul3A_223 : vector<416x128xf32>
    %mul3A_225 = vector.broadcast %get3A_200 : vector<1x128xf32> to vector<416x128xf32>
    %mul3A_226 = arith.mulf %mul3A_224, %mul3A_225 : vector<416x128xf32>
    %add3A_227 = vector.broadcast %get3A_203 : vector<1x128xf32> to vector<416x128xf32>
    %add3A_228 = arith.addf %mul3A_226, %add3A_227 : vector<416x128xf32>
    %reshape3A_229 = vector.shape_cast %add3A_228 : vector<416x128xf32> to vector<16x26x128xf32>
    %reduce_sum3A_230 = arith.constant dense<0.000000e+00> : vector<16x128xf32>
    %reduce_sum3A_231 = vector.multi_reduction <add>, %reshape3A_229, %reduce_sum3A_230 [1] : vector<16x26x128xf32> to vector<16x128xf32>
    %div3A_232 = arith.constant 2.600000e+01 : f32
    %div3A_233 = vector.broadcast %div3A_232 : f32 to vector<16x128xf32>
    %div3A_234 = arith.divf %reduce_sum3A_231, %div3A_233 : vector<16x128xf32>
    %swap3A = arith.constant 0 : index
    %swap3A_235 = arith.constant 0 : index
    %swap3A_236 = vector.load %arg12[%swap3A, %swap3A_235] : memref<16x128xf32, #tpu.memory_space<vmem>>, vector<16x128xf32>
    tpu.vector_store %arg12[%swap3A, %swap3A_235], %div3A_234 {strides = array<i32>} : memref<16x128xf32, #tpu.memory_space<vmem>>, vector<16x128xf32>,
    return
  }
  func.func @transform_0(%arg0: i32) -> (i32, i32, i32) {
    %c0_i32 = arith.constant 0 : i32
    %c0_i32_0 = arith.constant 0 : i32
    %c0_i32_1 = arith.constant 0 : i32
    return %arg0, %c0_i32, %c0_i32_0 : i32, i32, i32
  }
  func.func @transform_1(%arg0: i32) -> (i32, i32) {
    %c0_i32 = arith.constant 0 : i32
    %c0_i32_0 = arith.constant 0 : i32
    %c0_i32_1 = arith.constant 0 : i32
    return %c0_i32, %c0_i32_0 : i32, i32
  }
  func.func @transform_2(%arg0: i32) -> (i32, i32) {
    %c0_i32 = arith.constant 0 : i32
    %c0_i32_0 = arith.constant 0 : i32
    %c0_i32_1 = arith.constant 0 : i32
    return %c0_i32, %c0_i32_0 : i32, i32
  }
  func.func @transform_3(%arg0: i32) -> (i32, i32) {
    %c0_i32 = arith.constant 0 : i32
    %c0_i32_0 = arith.constant 0 : i32
    %c0_i32_1 = arith.constant 0 : i32
    return %c0_i32, %c0_i32_0 : i32, i32
  }
  func.func @transform_4(%arg0: i32) -> (i32, i32) {
    %c0_i32 = arith.constant 0 : i32
    %c0_i32_0 = arith.constant 0 : i32
    %c0_i32_1 = arith.constant 0 : i32
    return %c0_i32, %c0_i32_0 : i32, i32
  }
  func.func @transform_5(%arg0: i32) -> (i32, i32) {
    %c0_i32 = arith.constant 0 : i32
    %c0_i32_0 = arith.constant 0 : i32
    %c0_i32_1 = arith.constant 0 : i32
    return %c0_i32, %c0_i32_0 : i32, i32
  }
  func.func @transform_6(%arg0: i32) -> (i32, i32) {
    %c0_i32 = arith.constant 0 : i32
    %c0_i32_0 = arith.constant 0 : i32
    %c0_i32_1 = arith.constant 0 : i32
    return %c0_i32, %c0_i32_0 : i32, i32
  }
  func.func @transform_7(%arg0: i32) -> (i32, i32) {
    %c0_i32 = arith.constant 0 : i32
    %c0_i32_0 = arith.constant 0 : i32
    %c0_i32_1 = arith.constant 0 : i32
    return %c0_i32, %c0_i32_0 : i32, i32
  }
  func.func @transform_8(%arg0: i32) -> (i32, i32) {
    %c0_i32 = arith.constant 0 : i32
    %c0_i32_0 = arith.constant 0 : i32
    %c0_i32_1 = arith.constant 0 : i32
    return %c0_i32, %c0_i32_0 : i32, i32
  }
  func.func @transform_9(%arg0: i32) -> (i32, i32) {
    %c0_i32 = arith.constant 0 : i32
    %c0_i32_0 = arith.constant 0 : i32
    %c0_i32_1 = arith.constant 0 : i32
    return %c0_i32, %c0_i32_0 : i32, i32
  }
  func.func @transform_10(%arg0: i32) -> (i32, i32) {
    %c0_i32 = arith.constant 0 : i32
    %c0_i32_0 = arith.constant 0 : i32
    %c0_i32_1 = arith.constant 0 : i32
    return %c0_i32, %c0_i32_0 : i32, i32
  }
  func.func @transform_11(%arg0: i32) -> (i32, i32) {
    %c0_i32 = arith.constant 0 : i32
    %c0_i32_0 = arith.constant 0 : i32
    return %arg0, %c0_i32 : i32, i32
  }
}

module attributes {stable_mosaic.version = 14 : i64} {
  func.func @_gcn_pre_body(%arg0: i32, %arg1: memref<1000x128xf32, #tpu.memory_space<vmem>>, %arg2: memref<128x128xf32, #tpu.memory_space<vmem>>, %arg3: memref<1000x16xf32, #tpu.memory_space<vmem>>, %arg4: memref<1000x16xf32, #tpu.memory_space<vmem>>, %arg5: memref<1000x128xf32, #tpu.memory_space<vmem>>, %arg6: memref<1000x128xf32, #tpu.memory_space<vmem>>) attributes {dimension_semantics = [#tpu.dimension_semantics<arbitrary>], iteration_bounds = array<i64: 10>, scalar_prefetch = 0 : i64, scratch_operands = 0 : i64, tpu.core_type = #tpu.core_type<tc>, window_params = [{transform_indices = @transform_0, window_bounds = array<i64: 1000, 128>}, {pipeline_mode = #tpu.pipeline_mode<synchronous>, transform_indices = @transform_1, window_bounds = array<i64: 128, 128>}, {transform_indices = @transform_2, window_bounds = array<i64: 1000, 16>}, {transform_indices = @transform_3, window_bounds = array<i64: 1000, 16>}, {transform_indices = @transform_4, window_bounds = array<i64: 1000, 128>}, {transform_indices = @transform_5, window_bounds = array<i64: 1000, 128>}]} {
    %get3A = arith.constant 0 : index
    %get3A_0 = arith.constant 0 : index
    %get3A_1 = vector.load %arg3[%get3A, %get3A_0] : memref<1000x16xf32, #tpu.memory_space<vmem>>, vector<1000x16xf32>
    %slice3A = vector.extract_strided_slice %get3A_1 {offsets = [0, 0], sizes = [1000, 1], strides = [1, 1]} : vector<1000x16xf32> to vector<1000x1xf32>
    %get3A_2 = arith.constant 0 : index
    %get3A_3 = arith.constant 0 : index
    %get3A_4 = vector.load %arg4[%get3A_2, %get3A_3] : memref<1000x16xf32, #tpu.memory_space<vmem>>, vector<1000x16xf32>
    %slice3A_5 = vector.extract_strided_slice %get3A_4 {offsets = [0, 0], sizes = [1000, 1], strides = [1, 1]} : vector<1000x16xf32> to vector<1000x1xf32>
    %add3A = arith.addf %slice3A, %slice3A_5 : vector<1000x1xf32>
    %add3A_6 = arith.constant 1.000000e+00 : f32
    %add3A_7 = vector.broadcast %add3A_6 : f32 to vector<1000x1xf32>
    %add3A_8 = arith.addf %add3A, %add3A_7 : vector<1000x1xf32>
    %rsqrt3A = math.rsqrt %add3A_8 : vector<1000x1xf32>
    %get3A_9 = arith.constant 0 : index
    %get3A_10 = arith.constant 0 : index
    %get3A_11 = vector.load %arg1[%get3A_9, %get3A_10] : memref<1000x128xf32, #tpu.memory_space<vmem>>, vector<1000x128xf32>
    %get3A_12 = arith.constant 0 : index
    %get3A_13 = arith.constant 0 : index
    %get3A_14 = vector.load %arg2[%get3A_12, %get3A_13] : memref<128x128xf32, #tpu.memory_space<vmem>>, vector<128x128xf32>
    %dot_general3A = arith.constant dense<0.000000e+00> : vector<1000x128xf32>
    %dot_general3A_15 = tpu.matmul %get3A_11, %get3A_14, %dot_general3A {dimension_numbers = #tpu.dot_dimension_numbers<[1], [0], [0], [1], [0, 0, 1, 1], [], []>, transpose_lhs_hint = false} : vector<1000x128xf32>, vector<128x128xf32>, vector<1000x128xf32> -> vector<1000x128xf32>
    %mul3A = vector.broadcast %rsqrt3A : vector<1000x1xf32> to vector<1000x128xf32>
    %mul3A_16 = arith.mulf %dot_general3A_15, %mul3A : vector<1000x128xf32>
    %swap3A = arith.constant 0 : index
    %swap3A_17 = arith.constant 0 : index
    %swap3A_18 = vector.load %arg5[%swap3A, %swap3A_17] : memref<1000x128xf32, #tpu.memory_space<vmem>>, vector<1000x128xf32>
    tpu.vector_store %arg5[%swap3A, %swap3A_17], %mul3A_16 {strides = array<i32>} : memref<1000x128xf32, #tpu.memory_space<vmem>>, vector<1000x128xf32>,
    %div3A = vector.broadcast %add3A_8 : vector<1000x1xf32> to vector<1000x128xf32>
    %div3A_19 = arith.divf %dot_general3A_15, %div3A : vector<1000x128xf32>
    %swap3A_20 = arith.constant 0 : index
    %swap3A_21 = arith.constant 0 : index
    %swap3A_22 = vector.load %arg6[%swap3A_20, %swap3A_21] : memref<1000x128xf32, #tpu.memory_space<vmem>>, vector<1000x128xf32>
    tpu.vector_store %arg6[%swap3A_20, %swap3A_21], %div3A_19 {strides = array<i32>} : memref<1000x128xf32, #tpu.memory_space<vmem>>, vector<1000x128xf32>,
    return
  }
  func.func @transform_0(%arg0: i32) -> (i32, i32) {
    %c0_i32 = arith.constant 0 : i32
    %c0_i32_0 = arith.constant 0 : i32
    return %arg0, %c0_i32 : i32, i32
  }
  func.func @transform_1(%arg0: i32) -> (i32, i32) {
    %c0_i32 = arith.constant 0 : i32
    %c0_i32_0 = arith.constant 0 : i32
    %c0_i32_1 = arith.constant 0 : i32
    return %c0_i32, %c0_i32_0 : i32, i32
  }
  func.func @transform_2(%arg0: i32) -> (i32, i32) {
    %c0_i32 = arith.constant 0 : i32
    %c0_i32_0 = arith.constant 0 : i32
    return %arg0, %c0_i32 : i32, i32
  }
  func.func @transform_3(%arg0: i32) -> (i32, i32) {
    %c0_i32 = arith.constant 0 : i32
    %c0_i32_0 = arith.constant 0 : i32
    return %arg0, %c0_i32 : i32, i32
  }
  func.func @transform_4(%arg0: i32) -> (i32, i32) {
    %c0_i32 = arith.constant 0 : i32
    %c0_i32_0 = arith.constant 0 : i32
    return %arg0, %c0_i32 : i32, i32
  }
  func.func @transform_5(%arg0: i32) -> (i32, i32) {
    %c0_i32 = arith.constant 0 : i32
    %c0_i32_0 = arith.constant 0 : i32
    return %arg0, %c0_i32 : i32, i32
  }
}

module attributes {stable_mosaic.version = 14 : i64} {
  func.func @_gcn_mid_body(%arg0: i32, %arg1: memref<1000x128xf32, #tpu.memory_space<vmem>>, %arg2: memref<1000x128xf32, #tpu.memory_space<vmem>>, %arg3: memref<1000x128xf32, #tpu.memory_space<vmem>>, %arg4: memref<1000x16xf32, #tpu.memory_space<vmem>>, %arg5: memref<1000x16xf32, #tpu.memory_space<vmem>>, %arg6: memref<1x128xf32, #tpu.memory_space<vmem>>, %arg7: memref<128x128xf32, #tpu.memory_space<vmem>>, %arg8: memref<1000x128xf32, #tpu.memory_space<vmem>>, %arg9: memref<1000x128xf32, #tpu.memory_space<vmem>>) attributes {dimension_semantics = [#tpu.dimension_semantics<arbitrary>], iteration_bounds = array<i64: 10>, scalar_prefetch = 0 : i64, scratch_operands = 0 : i64, tpu.core_type = #tpu.core_type<tc>, window_params = [{transform_indices = @transform_0, window_bounds = array<i64: 1000, 128>}, {transform_indices = @transform_1, window_bounds = array<i64: 1000, 128>}, {transform_indices = @transform_2, window_bounds = array<i64: 1000, 128>}, {transform_indices = @transform_3, window_bounds = array<i64: 1000, 16>}, {transform_indices = @transform_4, window_bounds = array<i64: 1000, 16>}, {pipeline_mode = #tpu.pipeline_mode<synchronous>, transform_indices = @transform_5, window_bounds = array<i64: 1, 128>}, {pipeline_mode = #tpu.pipeline_mode<synchronous>, transform_indices = @transform_6, window_bounds = array<i64: 128, 128>}, {transform_indices = @transform_7, window_bounds = array<i64: 1000, 128>}, {transform_indices = @transform_8, window_bounds = array<i64: 1000, 128>}]} {
    %get3A = arith.constant 0 : index
    %get3A_0 = arith.constant 0 : index
    %get3A_1 = vector.load %arg4[%get3A, %get3A_0] : memref<1000x16xf32, #tpu.memory_space<vmem>>, vector<1000x16xf32>
    %slice3A = vector.extract_strided_slice %get3A_1 {offsets = [0, 0], sizes = [1000, 1], strides = [1, 1]} : vector<1000x16xf32> to vector<1000x1xf32>
    %get3A_2 = arith.constant 0 : index
    %get3A_3 = arith.constant 0 : index
    %get3A_4 = vector.load %arg5[%get3A_2, %get3A_3] : memref<1000x16xf32, #tpu.memory_space<vmem>>, vector<1000x16xf32>
    %slice3A_5 = vector.extract_strided_slice %get3A_4 {offsets = [0, 0], sizes = [1000, 1], strides = [1, 1]} : vector<1000x16xf32> to vector<1000x1xf32>
    %add3A = arith.addf %slice3A, %slice3A_5 : vector<1000x1xf32>
    %add3A_6 = arith.constant 1.000000e+00 : f32
    %add3A_7 = vector.broadcast %add3A_6 : f32 to vector<1000x1xf32>
    %add3A_8 = arith.addf %add3A, %add3A_7 : vector<1000x1xf32>
    %rsqrt3A = math.rsqrt %add3A_8 : vector<1000x1xf32>
    %get3A_9 = arith.constant 0 : index
    %get3A_10 = arith.constant 0 : index
    %get3A_11 = vector.load %arg1[%get3A_9, %get3A_10] : memref<1000x128xf32, #tpu.memory_space<vmem>>, vector<1000x128xf32>
    %get3A_12 = arith.constant 0 : index
    %get3A_13 = arith.constant 0 : index
    %get3A_14 = vector.load %arg2[%get3A_12, %get3A_13] : memref<1000x128xf32, #tpu.memory_space<vmem>>, vector<1000x128xf32>
    %add3A_15 = arith.addf %get3A_11, %get3A_14 : vector<1000x128xf32>
    %mul3A = vector.broadcast %rsqrt3A : vector<1000x1xf32> to vector<1000x128xf32>
    %mul3A_16 = arith.mulf %mul3A, %add3A_15 : vector<1000x128xf32>
    %get3A_17 = arith.constant 0 : index
    %get3A_18 = arith.constant 0 : index
    %get3A_19 = vector.load %arg3[%get3A_17, %get3A_18] : memref<1000x128xf32, #tpu.memory_space<vmem>>, vector<1000x128xf32>
    %add3A_20 = arith.addf %mul3A_16, %get3A_19 : vector<1000x128xf32>
    %get3A_21 = arith.constant 0 : index
    %get3A_22 = arith.constant 0 : index
    %get3A_23 = vector.load %arg6[%get3A_21, %get3A_22] : memref<1x128xf32, #tpu.memory_space<vmem>>, vector<1x128xf32>
    %add3A_24 = vector.broadcast %get3A_23 : vector<1x128xf32> to vector<1000x128xf32>
    %add3A_25 = arith.addf %add3A_20, %add3A_24 : vector<1000x128xf32>
    %max3A = arith.constant 0.000000e+00 : f32
    %max3A_26 = vector.broadcast %max3A : f32 to vector<1000x128xf32>
    %max3A_27 = arith.maximumf %add3A_25, %max3A_26 : vector<1000x128xf32>
    %get3A_28 = arith.constant 0 : index
    %get3A_29 = arith.constant 0 : index
    %get3A_30 = vector.load %arg7[%get3A_28, %get3A_29] : memref<128x128xf32, #tpu.memory_space<vmem>>, vector<128x128xf32>
    %dot_general3A = arith.constant dense<0.000000e+00> : vector<1000x128xf32>
    %dot_general3A_31 = tpu.matmul %max3A_27, %get3A_30, %dot_general3A {dimension_numbers = #tpu.dot_dimension_numbers<[1], [0], [0], [1], [0, 0, 1, 1], [], []>, transpose_lhs_hint = false} : vector<1000x128xf32>, vector<128x128xf32>, vector<1000x128xf32> -> vector<1000x128xf32>
    %mul3A_32 = vector.broadcast %rsqrt3A : vector<1000x1xf32> to vector<1000x128xf32>
    %mul3A_33 = arith.mulf %dot_general3A_31, %mul3A_32 : vector<1000x128xf32>
    %swap3A = arith.constant 0 : index
    %swap3A_34 = arith.constant 0 : index
    %swap3A_35 = vector.load %arg8[%swap3A, %swap3A_34] : memref<1000x128xf32, #tpu.memory_space<vmem>>, vector<1000x128xf32>
    tpu.vector_store %arg8[%swap3A, %swap3A_34], %mul3A_33 {strides = array<i32>} : memref<1000x128xf32, #tpu.memory_space<vmem>>, vector<1000x128xf32>,
    %div3A = vector.broadcast %add3A_8 : vector<1000x1xf32> to vector<1000x128xf32>
    %div3A_36 = arith.divf %dot_general3A_31, %div3A : vector<1000x128xf32>
    %swap3A_37 = arith.constant 0 : index
    %swap3A_38 = arith.constant 0 : index
    %swap3A_39 = vector.load %arg9[%swap3A_37, %swap3A_38] : memref<1000x128xf32, #tpu.memory_space<vmem>>, vector<1000x128xf32>
    tpu.vector_store %arg9[%swap3A_37, %swap3A_38], %div3A_36 {strides = array<i32>} : memref<1000x128xf32, #tpu.memory_space<vmem>>, vector<1000x128xf32>,
    return
  }
  func.func @transform_0(%arg0: i32) -> (i32, i32) {
    %c0_i32 = arith.constant 0 : i32
    %c0_i32_0 = arith.constant 0 : i32
    return %arg0, %c0_i32 : i32, i32
  }
  func.func @transform_1(%arg0: i32) -> (i32, i32) {
    %c0_i32 = arith.constant 0 : i32
    %c0_i32_0 = arith.constant 0 : i32
    return %arg0, %c0_i32 : i32, i32
  }
  func.func @transform_2(%arg0: i32) -> (i32, i32) {
    %c0_i32 = arith.constant 0 : i32
    %c0_i32_0 = arith.constant 0 : i32
    return %arg0, %c0_i32 : i32, i32
  }
  func.func @transform_3(%arg0: i32) -> (i32, i32) {
    %c0_i32 = arith.constant 0 : i32
    %c0_i32_0 = arith.constant 0 : i32
    return %arg0, %c0_i32 : i32, i32
  }
  func.func @transform_4(%arg0: i32) -> (i32, i32) {
    %c0_i32 = arith.constant 0 : i32
    %c0_i32_0 = arith.constant 0 : i32
    return %arg0, %c0_i32 : i32, i32
  }
  func.func @transform_5(%arg0: i32) -> (i32, i32) {
    %c0_i32 = arith.constant 0 : i32
    %c0_i32_0 = arith.constant 0 : i32
    %c0_i32_1 = arith.constant 0 : i32
    return %c0_i32, %c0_i32_0 : i32, i32
  }
  func.func @transform_6(%arg0: i32) -> (i32, i32) {
    %c0_i32 = arith.constant 0 : i32
    %c0_i32_0 = arith.constant 0 : i32
    %c0_i32_1 = arith.constant 0 : i32
    return %c0_i32, %c0_i32_0 : i32, i32
  }
  func.func @transform_7(%arg0: i32) -> (i32, i32) {
    %c0_i32 = arith.constant 0 : i32
    %c0_i32_0 = arith.constant 0 : i32
    return %arg0, %c0_i32 : i32, i32
  }
  func.func @transform_8(%arg0: i32) -> (i32, i32) {
    %c0_i32 = arith.constant 0 : i32
    %c0_i32_0 = arith.constant 0 : i32
    return %arg0, %c0_i32 : i32, i32
  }
}

module attributes {stable_mosaic.version = 14 : i64} {
  func.func @_gcn_out_body(%arg0: i32, %arg1: memref<1000x128xf32, #tpu.memory_space<vmem>>, %arg2: memref<1000x128xf32, #tpu.memory_space<vmem>>, %arg3: memref<1000x128xf32, #tpu.memory_space<vmem>>, %arg4: memref<1000x16xf32, #tpu.memory_space<vmem>>, %arg5: memref<1000x16xf32, #tpu.memory_space<vmem>>, %arg6: memref<1x128xf32, #tpu.memory_space<vmem>>, %arg7: memref<1000x128xf32, #tpu.memory_space<vmem>>) attributes {dimension_semantics = [#tpu.dimension_semantics<arbitrary>], iteration_bounds = array<i64: 4>, scalar_prefetch = 0 : i64, scratch_operands = 0 : i64, tpu.core_type = #tpu.core_type<tc>, window_params = [{transform_indices = @transform_0, window_bounds = array<i64: 1000, 128>}, {transform_indices = @transform_1, window_bounds = array<i64: 1000, 128>}, {transform_indices = @transform_2, window_bounds = array<i64: 1000, 128>}, {transform_indices = @transform_3, window_bounds = array<i64: 1000, 16>}, {transform_indices = @transform_4, window_bounds = array<i64: 1000, 16>}, {pipeline_mode = #tpu.pipeline_mode<synchronous>, transform_indices = @transform_5, window_bounds = array<i64: 1, 128>}, {transform_indices = @transform_6, window_bounds = array<i64: 1000, 128>}]} {
    %get3A = arith.constant 0 : index
    %get3A_0 = arith.constant 0 : index
    %get3A_1 = vector.load %arg4[%get3A, %get3A_0] : memref<1000x16xf32, #tpu.memory_space<vmem>>, vector<1000x16xf32>
    %slice3A = vector.extract_strided_slice %get3A_1 {offsets = [0, 0], sizes = [1000, 1], strides = [1, 1]} : vector<1000x16xf32> to vector<1000x1xf32>
    %get3A_2 = arith.constant 0 : index
    %get3A_3 = arith.constant 0 : index
    %get3A_4 = vector.load %arg5[%get3A_2, %get3A_3] : memref<1000x16xf32, #tpu.memory_space<vmem>>, vector<1000x16xf32>
    %slice3A_5 = vector.extract_strided_slice %get3A_4 {offsets = [0, 0], sizes = [1000, 1], strides = [1, 1]} : vector<1000x16xf32> to vector<1000x1xf32>
    %add3A = arith.addf %slice3A, %slice3A_5 : vector<1000x1xf32>
    %add3A_6 = arith.constant 1.000000e+00 : f32
    %add3A_7 = vector.broadcast %add3A_6 : f32 to vector<1000x1xf32>
    %add3A_8 = arith.addf %add3A, %add3A_7 : vector<1000x1xf32>
    %rsqrt3A = math.rsqrt %add3A_8 : vector<1000x1xf32>
    %get3A_9 = arith.constant 0 : index
    %get3A_10 = arith.constant 0 : index
    %get3A_11 = vector.load %arg1[%get3A_9, %get3A_10] : memref<1000x128xf32, #tpu.memory_space<vmem>>, vector<1000x128xf32>
    %get3A_12 = arith.constant 0 : index
    %get3A_13 = arith.constant 0 : index
    %get3A_14 = vector.load %arg2[%get3A_12, %get3A_13] : memref<1000x128xf32, #tpu.memory_space<vmem>>, vector<1000x128xf32>
    %add3A_15 = arith.addf %get3A_11, %get3A_14 : vector<1000x128xf32>
    %mul3A = vector.broadcast %rsqrt3A : vector<1000x1xf32> to vector<1000x128xf32>
    %mul3A_16 = arith.mulf %mul3A, %add3A_15 : vector<1000x128xf32>
    %get3A_17 = arith.constant 0 : index
    %get3A_18 = arith.constant 0 : index
    %get3A_19 = vector.load %arg3[%get3A_17, %get3A_18] : memref<1000x128xf32, #tpu.memory_space<vmem>>, vector<1000x128xf32>
    %add3A_20 = arith.addf %mul3A_16, %get3A_19 : vector<1000x128xf32>
    %get3A_21 = arith.constant 0 : index
    %get3A_22 = arith.constant 0 : index
    %get3A_23 = vector.load %arg6[%get3A_21, %get3A_22] : memref<1x128xf32, #tpu.memory_space<vmem>>, vector<1x128xf32>
    %add3A_24 = vector.broadcast %get3A_23 : vector<1x128xf32> to vector<1000x128xf32>
    %add3A_25 = arith.addf %add3A_20, %add3A_24 : vector<1000x128xf32>
    %swap3A = arith.constant 0 : index
    %swap3A_26 = arith.constant 0 : index
    %swap3A_27 = vector.load %arg7[%swap3A, %swap3A_26] : memref<1000x128xf32, #tpu.memory_space<vmem>>, vector<1000x128xf32>
    tpu.vector_store %arg7[%swap3A, %swap3A_26], %add3A_25 {strides = array<i32>} : memref<1000x128xf32, #tpu.memory_space<vmem>>, vector<1000x128xf32>,
    return
  }
  func.func @transform_0(%arg0: i32) -> (i32, i32) {
    %c0_i32 = arith.constant 0 : i32
    %c0_i32_0 = arith.constant 0 : i32
    return %arg0, %c0_i32 : i32, i32
  }
  func.func @transform_1(%arg0: i32) -> (i32, i32) {
    %c0_i32 = arith.constant 0 : i32
    %c0_i32_0 = arith.constant 0 : i32
    return %arg0, %c0_i32 : i32, i32
  }
  func.func @transform_2(%arg0: i32) -> (i32, i32) {
    %c0_i32 = arith.constant 0 : i32
    %c0_i32_0 = arith.constant 0 : i32
    return %arg0, %c0_i32 : i32, i32
  }
  func.func @transform_3(%arg0: i32) -> (i32, i32) {
    %c0_i32 = arith.constant 0 : i32
    %c0_i32_0 = arith.constant 0 : i32
    return %arg0, %c0_i32 : i32, i32
  }
  func.func @transform_4(%arg0: i32) -> (i32, i32) {
    %c0_i32 = arith.constant 0 : i32
    %c0_i32_0 = arith.constant 0 : i32
    return %arg0, %c0_i32 : i32, i32
  }
  func.func @transform_5(%arg0: i32) -> (i32, i32) {
    %c0_i32 = arith.constant 0 : i32
    %c0_i32_0 = arith.constant 0 : i32
    %c0_i32_1 = arith.constant 0 : i32
    return %c0_i32, %c0_i32_0 : i32, i32
  }
  func.func @transform_6(%arg0: i32) -> (i32, i32) {
    %c0_i32 = arith.constant 0 : i32
    %c0_i32_0 = arith.constant 0 : i32
    return %arg0, %c0_i32 : i32, i32
  }
}

</mosaic_0001>

<sc_bundles>
// kernel: kernel.12.cloned.1.call-start
scs
__scs_entry_jumppad:
0x0: {  	(pc) =	sbr.rel $0x88, $3  }
0x1: {  	(tag) =	ssettag $0x0;
	lr =	simm.s32 $0x1  }
0x2: {  	[smem:$0x3F8E] =	sst lr;
	_ =	strace $0xD0000000  }
0x3: {  	_ = 	snop  }
0x4: {  	_ = 	snop  }
0x5: {  	_ = 	snop  }
0x6: {  	_ = 	snop  }
0x7: {  	_ = 	snop  }
__scs_overlays_trampoline_lowered:
0x8: {  	[smem:$0x3F9D] =	sst s0  }
0x9: {  	[smem:$0x3F9E] =	sst s1  }
0xa: {  	[smem:$0x3F9F] =	sst s2  }
0xb: {  	[smem:$0x3FA0] =	sst s3  }
0xc: {  	[smem:$0x3FA1] =	sst s4  }
0xd: {  	[smem:$0x3FA2] =	sst s5  }
0xe: {  	[smem:$0x3FA3] =	sst s6  }
0xf: {  	[smem:$0x3FA4] =	sst s7  }
0x10: {  	[smem:$0x3FA5] =	sst s8  }
0x11: {  	[smem:$0x3FA6] =	sst s9;
	s0 =	simm.s32 @!p0 $0x0  }
0x12: {  	s1 =	sld [smem:$0x3F8C];
	s0 =	simm.s32 @p0 $0x1  }
0x13: {  	[smem:$0x3FA7] =	sst s0;
	s0 =	simm.s32 @!p1 $0x0  }
0x14: {  	s2 =	sld [smem:$0x3F8B];
	s0 =	simm.s32 @p1 $0x1  }
0x15: {  	[smem:$0x3FA8] =	sst s0;
	s0 =	simm.s32 @!p2 $0x0  }
0x16: {  	s3 =	sld [smem:$0x3FDB];
	s0 =	simm.s32 @p2 $0x1  }
0x17: {  	s4 =	simm.s32 $0x1BF5;
	[smem:$0x3FAA] =	sst s0  }
0x18: {  	s0 =	sld [smem:$0x3F8D];
	_ =	swait.ge [sflag:s4], $0x0  }
0x19: {  	s7 =	sld [smem:$0x3F8E]  }
0x1a: {  	s8 =	sadd.s32 $0xFFFFE003, lr  }
0x1b: {  	s9 =	sadd.s32 $0xFFFFFEF7, lr;
	s5 =	simm.s32 $0xFFFFFFFF;
	p2 =	slt.u32 s8, $0xFFFFF086  }
0x1c: {  	p1 =	slt.u32 s9, $0xF7A;
	s5 =	simm.s32 @!p2 $0x0  }
0x1d: {  	s5 =	simm.s32 @p1 $0x1;
	p0 =	seq.s32 s7, s2  }
0x1e: {  	s7 =	smul.u32 @!p0 $0xF7A, s2;
	p2 =	seq.s32 @!p0 s5, $0x0  }
0x1f: {  	s9 =	smul.u32 $0xF7A, s1;
	s8 =	simm.s32 @!p0 $0x1BF5;
	p2 =	por !p2, p0  }
0x20: {  	[sflag:s8] =	ssyncset.s32 @!p0 $0xFFFFF086;
	s6 =	sadd.s32 @!p0 s3, s7;
	s7 =	simm.s32 @!p0 $0x108  }
0x21: {  	s3 =	sadd.s32 s3, s9;
	s6 =	sadd.s32 @!p0 $0x88, s6;
	s7 =	simm.s32 @p2 $0x1082  }
0x22: {  	[simem:s7], [sflag:s8] =	dma.local @!p0 [hbm:s6], $0xF7A  }
0x23: {  	s9 =	sor.u32 $0xD0000000, s2;
	s6 =	simm.s32 $0x108;
	_ =	swait.ge @!p0 [sflag:s8], $0x0  }
0x24: {  	s3 =	sadd.s32 $0x88, s3;
	s6 =	simm.s32 @!p1 $0x1082;
	[sflag:s4] =	ssyncset.s32 $0xFFFFF086  }
0x25: {  	[simem:s6], [sflag:s4] =	dma.local [hbm:s3], $0xF7A  }
0x26: {  	[smem:$0x3F8E] =	sst s1;
	(tag) =	ssettag s2;
	_ =	strace s9  }
0x27: {  	s1 =	sld [smem:$0x3F9E]  }
0x28: {  	s2 =	sld [smem:$0x3F9F]  }
0x29: {  	s4 =	sld [smem:$0x3FA1]  }
0x2a: {  	p0 =	seq.s32 s5, $0x0;
	s5 =	sld [smem:$0x3FA2]  }
0x2b: {  	s6 =	sld [smem:$0x3FA3]  }
0x2c: {  	s7 =	sld [smem:$0x3FA4]  }
0x2d: {  	s3 =	simm.s32 $0x108;
	s8 =	sld [smem:$0x3FA5]  }
0x2e: {  	s3 =	simm.s32 @!p0 $0x1082;
	s9 =	sld [smem:$0x3FA6]  }
0x2f: {  	lr =	sadd.s32 s0, s3;
	s0 =	sld [smem:$0x3F9D]  }
0x30: {  	s3 =	sld [smem:$0x3FA0]  }
0x31: {  	[smem:$0x3FA9] =	sst s10  }
0x32: {  	s10 =	sld [smem:$0x3FA7];
	_ =	sdelay $0x3  }
0x33: {  	p0 =	seq.s32 s10, $0x1;
	s10 =	sld [smem:$0x3FA9];
	_ =	sdelay $0x3  }
0x34: {  	[smem:$0x3FA9] =	sst s10  }
0x35: {  	s10 =	sld [smem:$0x3FA8];
	_ =	sdelay $0x3  }
0x36: {  	p1 =	seq.s32 s10, $0x1;
	s10 =	sld [smem:$0x3FA9];
	_ =	sdelay $0x3  }
0x37: {  	[smem:$0x3FA9] =	sst s10  }
0x38: {  	s10 =	sld [smem:$0x3FAA]  }
0x39: {  	_ = 	snop;
	(pc) =	sbr.ind lr, $3  }
0x3a: {  	_ = 	snop  }
0x3b: {  	_ = 	snop  }
0x3c: {  	p2 =	seq.s32 s10, $0x1;
	s10 =	sld [smem:$0x3FA9]  }
0x3d: {  	_ =	shalt  }
0x3e: {  	_ =	shalt  }
0x3f: {  	_ =	shalt  }
0x40: {  	_ =	shalt  }
0x41: {  	_ =	shalt  }
0x42: {  	_ =	shalt  }
0x43: {  	_ =	shalt  }
0x44: {  	_ =	shalt  }
0x45: {  	_ =	shalt  }
0x46: {  	_ =	shalt  }
0x47: {  	_ =	shalt  }
0x48: {  	_ =	shalt  }
0x49: {  	_ =	shalt  }
0x4a: {  	_ =	shalt  }
0x4b: {  	_ =	shalt  }
0x4c: {  	_ =	shalt  }
0x4d: {  	_ =	shalt  }
0x4e: {  	_ =	shalt  }
0x4f: {  	_ =	shalt  }
0x50: {  	_ =	shalt  }
0x51: {  	_ =	shalt  }
0x52: {  	_ =	shalt  }
0x53: {  	_ =	shalt  }
0x54: {  	_ =	shalt  }
0x55: {  	_ =	shalt  }
0x56: {  	_ =	shalt  }
0x57: {  	_ =	shalt  }
0x58: {  	_ =	shalt  }
0x59: {  	_ =	shalt  }
0x5a: {  	_ =	shalt  }
0x5b: {  	_ =	shalt  }
0x5c: {  	_ =	shalt  }
0x5d: {  	_ =	shalt  }
0x5e: {  	_ =	shalt  }
0x5f: {  	_ =	shalt  }
0x60: {  	_ =	shalt  }
0x61: {  	_ =	shalt  }
0x62: {  	_ =	shalt  }
0x63: {  	_ =	shalt  }
0x64: {  	_ =	shalt  }
0x65: {  	_ =	shalt  }
0x66: {  	_ =	shalt  }
0x67: {  	_ =	shalt  }
0x68: {  	_ =	shalt  }
0x69: {  	_ =	shalt  }
0x6a: {  	_ =	shalt  }
0x6b: {  	_ =	shalt  }
0x6c: {  	_ =	shalt  }
0x6d: {  	_ =	shalt  }
0x6e: {  	_ =	shalt  }
0x6f: {  	_ =	shalt  }
0x70: {  	_ =	shalt  }
0x71: {  	_ =	shalt  }
0x72: {  	_ =	shalt  }
0x73: {  	_ =	shalt  }
0x74: {  	_ =	shalt  }
0x75: {  	_ =	shalt  }
0x76: {  	_ =	shalt  }
0x77: {  	_ =	shalt  }
0x78: {  	_ =	shalt  }
0x79: {  	_ =	shalt  }
0x7a: {  	_ =	shalt  }
0x7b: {  	_ =	shalt  }
0x7c: {  	_ =	shalt  }
0x7d: {  	_ =	shalt  }
0x7e: {  	_ =	shalt  }
0x7f: {  	_ =	shalt  }
0x80: {  	_ =	shalt  }
0x81: {  	_ =	shalt  }
0x82: {  	_ =	shalt  }
0x83: {  	_ =	shalt  }
0x84: {  	_ =	shalt  }
0x85: {  	_ =	shalt  }
0x86: {  	_ =	shalt  }
0x87: {  	_ =	shalt  }
.Lfunc_end0:
.L_simem_size_0:
called_computation.1_lowered:
.L_overlay_start_0:
0x88: {  	s2 =	sld [smem:$0x3FD9]  }
0x89: {  	s3 =	sld [smem:$0x3FFE];
	_ =	sdelay $0x1  }
0x8a: {  	s1 =	srdreg.scid  }
0x8b: {  	s0 =	sand.u32 $0x1, s1  }
0x8c: {  	s17 =	sshll.u32 s0, $0xA;
	s2 =	sadd.s32 s3, s2  }
0x8d: {  	s2 =	sadd.s32 s2, s17  }
0x8e: {  	[smem:$0x3FB5] =	sst s2  }
0x8f: {  	_ = 	snop  }
0x90: {  	s2 =	sld [smem:$0x3FD0];
	(tm) =	ssettm $0x1  }
0x91: {  	s18 =	sld [smem:$0x3FFB];
	_ =	sdelay $0x3  }
0x92: {  	_ =	strace s18  }
0x93: {  	s3 =	sld [smem:$0x3FFC];
	_ =	sdelay $0x3  }
0x94: {  	_ =	strace s3  }
0x95: {  	s3 =	sld [smem:$0x3FFD];
	_ =	sdelay $0x3  }
0x96: {  	_ =	strace s3  }
0x97: {  	_ =	strace $0x8FFFFFFF  }
0x98: {  	s19 =	sld [smem:$0x3FDB];
	_ =	sdelay $0x1  }
0x99: {  	s4 =	simm.s32 $_scs_section_size  }
0x9a: {  	s5 =	simm.s32 $_size__tile_overlayer_lowered;
	s6 =	simm.s32 $_tile_overlayer_lowered  }
0x9b: {  	s22 =	simm.s32 $0x1BFF;
	s21 =	sshll.u32 s6, $0x1;
	s3 =	sadd.s32 s4, s19  }
0x9c: {  	s7 =	simm.s32 $0x0;
	s20 =	sshll.u32 s5, $0x1;
	s5 =	sadd.s32 s21, s3  }
0x9d: {  	[timem:s7], [sflag:s22] =	dma.local [hbm:s5], s20  }
0x9e: {  	_ =	swait.ge [sflag:s22], s20  }
0x9f: {  	s4 =	ssub.s32 $0x0, s20;
	[sflag:s22] =	ssyncset.done $0x0  }
0xa0: {  	[sflag:s22] =	ssyncadd.s32 s4;
	_ =	sdelay $0x1  }
0xa1: {  	s23 =	simm.s32 $0x1B8B  }
0xa2: {  	_ =	swait.ge [sflag:s23], $0x1  }
0xa3: {  	[sflag:s23] =	ssyncset.done $0x0  }
0xa4: {  	s25 =	simm.s32 $0x1B8E;
	s24 =	sld [smem:$0x3FFE];
	[sflag:s23] =	ssyncadd.s32 $0xFFFFFFFF  }
0xa5: {  	s26 =	simm.s32 $execute0_lowered;
	[smem:$0x3FD2] =	sst s25  }
0xa6: {  	s5 =	sshll.u32 s26, $0x1;
	_ =	strace $0x80000049;
	[dreg:$0x1] =	wrdreg $0xFFFFFFFF  }
0xa7: {  	s28 =	simm.s32 $_size_execute0_lowered;
	s3 =	sadd.s32 s3, s5;
	[dreg:$0x0] =	wrdreg $0x0  }
0xa8: {  	s5 =	sshll.u32 s28, $0x1;
	[dreg:$0x2] =	wrdreg s3  }
0xa9: {  	[dreg:$0x3] =	wrdreg s5  }
0xaa: {  	[dreg:$0x4] =	wrdreg $0xC0  }
0xab: {  	_ =	task [dreg:s7], $0x5FFFF  }
0xac: {  	[dreg:$0x1] =	wrdreg $0xFFFFFFFF  }
0xad: {  	[dreg:$0x0] =	wrdreg $0x60  }
0xae: {  	[dreg:$0x2] =	wrdreg s24  }
0xaf: {  	[dreg:$0x3] =	wrdreg s2  }
0xb0: {  	[dreg:$0x4] =	wrdreg $0x82000  }
0xb1: {  	[dreg:$0x5] =	wrdreg $0x9  }
0xb2: {  	_ =	task.clear_ibuf [dreg:s7], $0x6FFFF;
	_ =	strace $0x90000049  }
0xb3: {  	s29 =	simm.s32 $0x9;
	_ =	strace $0x8000004B  }
0xb4: {  	_ =	swait.ge [sflag:s29], $0x1  }
0xb5: {  	[sflag:s29] =	ssyncadd.s32 $0xFFFFFFFF  }
0xb6: {  	_ =	strace $0x9000004B  }
0xb7: {  	_ =	sfence  }
0xb8: {  	s30 =	sld [smem:$0x0];
	_ =	sdelay $0x2  }
0xb9: {  	s31 =	sshll.u32 s1, $0xD;
	s1 =	sshrl.u32 s1, $0x2  }
0xba: {  	s3 =	sand.u32 $0x4000, s31;
	s1 =	sadd.s32 s1, s30  }
0xbb: {  	s0 =	sor.u32 s3, s0;
	s1 =	sshll.u32 s1, $0x11  }
0xbc: {  	s0 =	sor.u32 s1, s0  }
0xbd: {  	s0 =	sadd.s32 $0x8F2B, s0  }
0xbe: {  	[sflag:s0] =	ssyncadd.remote.s32 $0x1  }
0xbf: {  	_ =	sfence.sel $0xFFFF  }
0xc0: {  	[dreg:$0x0] =	wrdreg $0xFFFFFFFF;
	(pc) =	sbr.abs _section_cstart, $3  }
0xc1: {  	[dreg:$0x1] =	wrdreg $0xFFFFFFFF  }
0xc2: {  	_ =	task.clear_ibuf [dreg:s7], $0x2FFFF;
	_ =	strace $0x9FFFFFFF  }
0xc3: {  	(tm) =	ssettm $0x7FFFFFFF  }
tec
execute0_lowered:
.L_overlay_start_1:
0x0: {  	(tag) =	ssettag $0x1  }
0x1: {  	s5 =	rddreg [dreg:$0x0]  }
0x2: {  	s16 =	rddreg [dreg:$0x1]  }
0x3: {  	s2 =	rddreg [dreg:$0x2];
	s1 =	stileid.u32  }
0x4: {  	s4 =	srdreg.scid;
	s3 =	simm.s32 $0x0;
	s20 =	simm.s32 $0x3  }
0x5: {  	s21 =	simm.s32 $0x200;
	s28 =	simm.s32 $0x2;
	s29 =	simm.s32 $0x0  }
0x6: {  	s6 =	smul.u32 $0x14000, s1;
	s7 =	sand.u32 $0x1, s4;
	[smem:$0x7FF] =	sst s3  }
0x7: {  	s4 =	sadd.s32 $0x54000, s5;
	s15 =	sadd.s32 $0x279E00, s5;
	s10 =	smul.u32 $0x50000, s1  }
0x8: {  	s22 =	sshll.u32 s1, $0x1;
	s26 =	smul.u32 $0x5000, s1;
	s30 =	sshll.u32 s1, $0x6  }
0x9: {  	s8 =	smul.u32 $0x140000, s7;
	_ =	strace $0x8000004A;
	s23 =	ssub.s32 $0x2, s7  }
0xa: {  	s24 =	sor.u32 s7, s22;
	s14 =	smul.u32 $0x2800, s7;
	s22 =	simm.s32 $0x100  }
0xb: {  	s9 =	sshrl.u32 s6, $0x3;
	s25 =	sshrl.u32 s23, $0x1;
	s10 =	sshrl.u32 s10, $0x2  }
0xc: {  	s9 =	sadd.s32 s9, s5;
	s6 =	sadd.s32 s6, s8;
	s12 =	ssub.s32 s23, s25  }
0xd: {  	s17 =	sadd.s32 s10, s2;
	s14 =	sadd.s32 s14, s26;
	s23 =	simm.s32 $0x180  }
0xe: {  	s25 =	simm.s32 $0x4200;
	s26 =	simm.s32 $0x1;
	s6 =	sshrl.u32 s6, $0x3  }
0xf: {  	s31 =	sor.u32 $0x180, s14;
	s14 =	sor.u32 $0x100, s14;
	s12 =	smax.u32 s12, $0x1  }
0x10: {  	s17 =	sshrl.u32 s17, $0x3;
	s11 =	sadd.s32 s6, s5;
	s6 =	smul.u32 $0x2800, s24  }
0x11: {  	s5 =	sadd.s32 $0x7B200, s9;
	s18 =	sshrl.u32 s31, $0x3;
	s19 =	sshrl.u32 s14, $0x3  }
0x12: {  	s24 =	simm.s32 $0x4;
	s11 =	sadd.s32 $0xA3200, s11;
	s13 =	sshrl.u32 s6, $0x3  }
0x13: {  	s7 =	sadd.s32 s16, s13;
	s8 =	sadd.s32 s15, s13;
	s13 =	sor.u32 $0x10, s13  }
0x14: {  	s14 =	sadd.s32 s18, s16;
	s6 =	sor.u32 $0x1C05, s30;
	s9 =	sadd.s32 s16, s13  }
0x15: {  	s10 =	sadd.s32 s15, s13;
	s13 =	sadd.s32 s18, s15;
	s15 =	sadd.s32 s19, s15  }
0x16: {  	s16 =	sadd.s32 s19, s16;
	s18 =	simm.s32 $0x5;
	s19 =	simm.s32 $0x80  }
.LBB2_1:
0x17: {  	[spmem:s17], [sflag:s6] =	dma.local [hbm:s5], $0x2800  }
0x18: {  	_ =	swait.ge [sflag:s18], $0x2800  }
0x19: {  	[sflag:s18] =	ssyncset.done $0x0  }
0x1a: {  	[sflag:s18] =	ssyncadd.s32 $0xFFFFD800  }
0x1b: {  	[bflag:$0x0] =	sbarrier.arrive $0xFFFF  }
0x1c: {  	[tilespmem:s3], [sflag:$0x3] =	stream.linear.gather [hbm4b:s7+s3], $0x80, $0x38;
	[tilespmem:$0x1C200] =	vst v63  }
0x1d: {  	_ = 	snop  }
0x1e: {  	[tilespmem:s19], [sflag:$0x3] =	stream.linear.gather [hbm4b:s8+s3], $0x80, $0x38;
	[tilespmem:$0x1C200] =	vst v63  }
0x1f: {  	_ =	swait.ge [sflag:s20], $0x80  }
0x20: {  	[sflag:s20] =	ssyncset.done $0x0  }
0x21: {  	[sflag:s20] =	ssyncadd.s32 $0xFFFFFF80  }
0x22: {  	_ =	swait.ge [sflag:s20], $0x80  }
0x23: {  	[sflag:s20] =	ssyncset.done $0x0  }
0x24: {  	[sflag:s20] =	ssyncadd.s32 $0xFFFFFF80  }
0x25: {  	[tilespmem:s21], [sflag:$0x1] =	stream.indirect.gather [hbm4b:s4+s19], $0x80, s3, s19, $0xb8;
	[tilespmem:$0x1C200] =	vst v63  }
0x26: {  	_ = 	snop  }
0x27: {  	[tilespmem:s22], [sflag:$0x4] =	stream.linear.gather [hbm4b:s9+s3], $0x80, $0x38;
	[tilespmem:$0x1C200] =	vst v63  }
0x28: {  	_ = 	snop  }
0x29: {  	[tilespmem:s23], [sflag:$0x4] =	stream.linear.gather [hbm4b:s10+s3], $0x80, $0x38;
	[tilespmem:$0x1C200] =	vst v63  }
0x2a: {  	_ =	swait.ge [sflag:s24], $0x80  }
0x2b: {  	[sflag:s24] =	ssyncset.done $0x0  }
0x2c: {  	[sflag:s24] =	ssyncadd.s32 $0xFFFFFF80  }
0x2d: {  	_ =	swait.ge [sflag:s24], $0x80  }
0x2e: {  	[sflag:s24] =	ssyncset.done $0x0  }
0x2f: {  	[sflag:s24] =	ssyncadd.s32 $0xFFFFFF80  }
0x30: {  	[tilespmem:s25], [sflag:$0x2] =	stream.indirect.gather [hbm4b:s4+s19], $0x80, s22, s19, $0xb8;
	[tilespmem:$0x1C200] =	vst v63  }
0x31: {  	_ =	swait.ge [sflag:s26], $0x4000  }
0x32: {  	[sflag:s26] =	ssyncset.done $0x0  }
0x33: {  	[sflag:s26] =	ssyncadd.s32 $0xFFFFC000  }
0x34: {  	[spmem:s2] =	stream.indirect.scatter.add.f32 [tilespmem:s21], [sflag:$0x5], $0x80, s19, s19, $0xb8;
	[tilespmem:$0x1C200] =	vst v63  }
0x35: {  	_ =	swait.ge [sflag:s18], $0x4000  }
0x36: {  	[sflag:s18] =	ssyncset.done $0x0  }
0x37: {  	s30 =	sadd.s32 $0x0, s16;
	[sflag:s18] =	ssyncadd.s32 $0xFFFFC000  }
0x38: {  	[tilespmem:s3], [sflag:$0x3] =	stream.linear.gather [hbm4b:s30+s3], $0x80, $0x38;
	[tilespmem:$0x1C200] =	vst v63  }
0x39: {  	s30 =	sadd.s32 $0x0, s15  }
0x3a: {  	[tilespmem:s19], [sflag:$0x3] =	stream.linear.gather [hbm4b:s30+s3], $0x80, $0x38;
	[tilespmem:$0x1C200] =	vst v63  }
0x3b: {  	_ =	swait.ge [sflag:s20], $0x80  }
0x3c: {  	[sflag:s20] =	ssyncset.done $0x0  }
0x3d: {  	[sflag:s20] =	ssyncadd.s32 $0xFFFFFF80  }
0x3e: {  	_ =	swait.ge [sflag:s20], $0x80  }
0x3f: {  	[sflag:s20] =	ssyncset.done $0x0  }
0x40: {  	[sflag:s20] =	ssyncadd.s32 $0xFFFFFF80  }
0x41: {  	[tilespmem:s21], [sflag:$0x1] =	stream.indirect.gather [hbm4b:s4+s19], $0x80, s3, s19, $0xb8;
	[tilespmem:$0x1C200] =	vst v63  }
0x42: {  	_ =	swait.ge [sflag:s28], $0x4000  }
0x43: {  	[sflag:s28] =	ssyncset.done $0x0  }
0x44: {  	[sflag:s28] =	ssyncadd.s32 $0xFFFFC000  }
0x45: {  	[spmem:s2] =	stream.indirect.scatter.add.f32 [tilespmem:s25], [sflag:$0x5], $0x80, s23, s19, $0xb8;
	[tilespmem:$0x1C200] =	vst v63  }
0x46: {  	_ =	swait.ge [sflag:s18], $0x4000  }
0x47: {  	[sflag:s18] =	ssyncset.done $0x0  }
0x48: {  	s30 =	sadd.s32 $0x0, s14;
	[sflag:s18] =	ssyncadd.s32 $0xFFFFC000  }
0x49: {  	[tilespmem:s22], [sflag:$0x4] =	stream.linear.gather [hbm4b:s30+s3], $0x80, $0x38;
	[tilespmem:$0x1C200] =	vst v63  }
0x4a: {  	s31 =	sadd.s32 $0x0, s13;
	s30 =	simm.s32 $0x20  }
.LBB2_2:
0x4b: {  	[tilespmem:s23], [sflag:$0x4] =	stream.linear.gather [hbm4b:s31+s3], $0x80, $0x38;
	[tilespmem:$0x1C200] =	vst v63  }
0x4c: {  	s31 =	smov.u32 s30  }
0x4d: {  	p0 =	sne.s32 s30, $0x4C0;
	s30 =	sadd.s32 $0x20, s30;
	_ =	swait.ge [sflag:s24], $0x80  }
0x4e: {  	[sflag:s24] =	ssyncset.done $0x0  }
0x4f: {  	[sflag:s24] =	ssyncadd.s32 $0xFFFFFF80  }
0x50: {  	_ =	swait.ge [sflag:s24], $0x80  }
0x51: {  	[sflag:s24] =	ssyncset.done $0x0  }
0x52: {  	[sflag:s24] =	ssyncadd.s32 $0xFFFFFF80  }
0x53: {  	[tilespmem:s25], [sflag:$0x2] =	stream.indirect.gather [hbm4b:s4+s19], $0x80, s22, s19, $0xb8;
	[tilespmem:$0x1C200] =	vst v63  }
0x54: {  	_ =	swait.ge [sflag:s26], $0x4000  }
0x55: {  	[sflag:s26] =	ssyncset.done $0x0  }
0x56: {  	[sflag:s26] =	ssyncadd.s32 $0xFFFFC000  }
0x57: {  	[spmem:s2] =	stream.indirect.scatter.add.f32 [tilespmem:s21], [sflag:$0x5], $0x80, s19, s19, $0xb8;
	[tilespmem:$0x1C200] =	vst v63  }
0x58: {  	_ =	swait.ge [sflag:s18], $0x4000  }
0x59: {  	[sflag:s18] =	ssyncset.done $0x0  }
0x5a: {  	s0 =	sadd.s32 s31, s16;
	[sflag:s18] =	ssyncadd.s32 $0xFFFFC000  }
0x5b: {  	[tilespmem:s3], [sflag:$0x3] =	stream.linear.gather [hbm4b:s0+s3], $0x80, $0x38;
	[tilespmem:$0x1C200] =	vst v63  }
0x5c: {  	s0 =	sadd.s32 s31, s15  }
0x5d: {  	[tilespmem:s19], [sflag:$0x3] =	stream.linear.gather [hbm4b:s0+s3], $0x80, $0x38;
	[tilespmem:$0x1C200] =	vst v63  }
0x5e: {  	_ =	swait.ge [sflag:s20], $0x80  }
0x5f: {  	[sflag:s20] =	ssyncset.done $0x0  }
0x60: {  	[sflag:s20] =	ssyncadd.s32 $0xFFFFFF80  }
0x61: {  	_ =	swait.ge [sflag:s20], $0x80  }
0x62: {  	[sflag:s20] =	ssyncset.done $0x0  }
0x63: {  	[sflag:s20] =	ssyncadd.s32 $0xFFFFFF80  }
0x64: {  	[tilespmem:s21], [sflag:$0x1] =	stream.indirect.gather [hbm4b:s4+s19], $0x80, s3, s19, $0xb8;
	[tilespmem:$0x1C200] =	vst v63  }
0x65: {  	_ =	swait.ge [sflag:s28], $0x4000  }
0x66: {  	[sflag:s28] =	ssyncset.done $0x0  }
0x67: {  	[sflag:s28] =	ssyncadd.s32 $0xFFFFC000  }
0x68: {  	[spmem:s2] =	stream.indirect.scatter.add.f32 [tilespmem:s25], [sflag:$0x5], $0x80, s23, s19, $0xb8;
	[tilespmem:$0x1C200] =	vst v63  }
.Ltmp0:
0x69: {  	_ =	swait.ge [sflag:s18], $0x4000;
	(pc) =	sbr.rel @p0 .LBB2_2-.Ltmp0, $4  }
0x6a: {  	[sflag:s18] =	ssyncset.done $0x0  }
0x6b: {  	s0 =	sadd.s32 s31, s14;
	[sflag:s18] =	ssyncadd.s32 $0xFFFFC000  }
0x6c: {  	[tilespmem:s22], [sflag:$0x4] =	stream.linear.gather [hbm4b:s0+s3], $0x80, $0x38;
	[tilespmem:$0x1C200] =	vst v63  }
0x6d: {  	s31 =	sadd.s32 s31, s13  }
0x6e: {  	[tilespmem:s23], [sflag:$0x4] =	stream.linear.gather [hbm4b:s31+s3], $0x80, $0x38;
	[tilespmem:$0x1C200] =	vst v63  }
0x6f: {  	_ =	swait.ge [sflag:s24], $0x80  }
0x70: {  	[sflag:s24] =	ssyncset.done $0x0  }
0x71: {  	[sflag:s24] =	ssyncadd.s32 $0xFFFFFF80  }
0x72: {  	_ =	swait.ge [sflag:s24], $0x80  }
0x73: {  	[sflag:s24] =	ssyncset.done $0x0  }
0x74: {  	[sflag:s24] =	ssyncadd.s32 $0xFFFFFF80  }
0x75: {  	[tilespmem:s25], [sflag:$0x2] =	stream.indirect.gather [hbm4b:s4+s19], $0x80, s22, s19, $0xb8;
	[tilespmem:$0x1C200] =	vst v63  }
0x76: {  	_ =	swait.ge [sflag:s26], $0x4000  }
0x77: {  	[sflag:s26] =	ssyncset.done $0x0  }
0x78: {  	[sflag:s26] =	ssyncadd.s32 $0xFFFFC000  }
0x79: {  	[spmem:s2] =	stream.indirect.scatter.add.f32 [tilespmem:s21], [sflag:$0x5], $0x80, s19, s19, $0xb8;
	[tilespmem:$0x1C200] =	vst v63  }
0x7a: {  	_ =	swait.ge [sflag:s18], $0x4000  }
0x7b: {  	[sflag:s18] =	ssyncset.done $0x0  }
0x7c: {  	[sflag:s18] =	ssyncadd.s32 $0xFFFFC000  }
0x7d: {  	_ =	swait.ge [sflag:s28], $0x4000  }
0x7e: {  	[sflag:s28] =	ssyncset.done $0x0  }
0x7f: {  	[sflag:s28] =	ssyncadd.s32 $0xFFFFC000  }
0x80: {  	[spmem:s2] =	stream.indirect.scatter.add.f32 [tilespmem:s25], [sflag:$0x5], $0x80, s23, s19, $0xb8;
	[tilespmem:$0x1C200] =	vst v63  }
0x81: {  	_ =	swait.ge [sflag:s18], $0x4000  }
0x82: {  	s29 =	sadd.s32 $0x1, s29;
	[sflag:s18] =	ssyncset.done $0x0  }
0x83: {  	p0 =	sne.s32 s29, s12;
	[sflag:s18] =	ssyncadd.s32 $0xFFFFC000  }
.Ltmp1:
0x84: {  	[bflag:$0x0] =	sbarrier.arrive $0xFFFF;
	(pc) =	sbr.rel @p0 .LBB2_1-.Ltmp1, $4  }
0x85: {  	[hbm:s11], [sflag:s6] =	dma.local [spmem:s17], $0x2800  }
0x86: {  	_ =	swait.ge [sflag:s18], $0x2800  }
0x87: {  	[sflag:s18] =	ssyncset.done $0x0  }
0x88: {  	[sflag:s18] =	ssyncadd.s32 $0xFFFFD800  }
0x89: {  	_ =	sfence.sel $0x180000  }
0x8a: {  	[bflag:$0x0] =	sbarrier.arrive $0xFFFF  }
0x8b: {  	_ =	strace $0x9000004A  }
0x8c: {  	[bflag:$0x2] =	sbarrier.arrive $0xFFFF  }
0x8d: {  	p0 =	sne.s32 s1, $0x0;
	s0 =	rddreg [dreg:$0x3]  }
0x8e: {  	s0 =	sadd.s32 @!p0 $0x100000, s0  }
0x8f: {  	[sflag:s0] =	ssyncadd.tile.s32 @!p0 $0x1;
	_ =	shalt  }
.Lfunc_end2:
_tile_overlayer_lowered:
.L_overlay_start_2:
0x90: {  	(tag) =	ssettag $0x2  }
0x91: {  	s0 =	rddreg [dreg:$0x0];
	s2 =	stileid.u32  }
0x92: {  	s1 =	rddreg [dreg:$0x1];
	p0 =	sne.s32 s2, $0x0  }
0x93: {  	s3 =	rddreg [dreg:$0x2];
	[bflag:$0x3] =	sbarrier.arrive $0xFFFF;
	s2 =	simm.s32 @!p0 $0x1C05  }
0x94: {  	[timem:s3], [sflag:s2] =	dma.local @!p0 [hbm:s0], s1  }
0x95: {  	s0 =	simm.s32 @!p0 $0x5  }
0x96: {  	_ =	swait.ge @!p0 [sflag:s0], s1  }
0x97: {  	s1 =	ssub.s32 @!p0 $0x0, s1;
	[sflag:s0] =	ssyncset.done @!p0 $0x0  }
0x98: {  	[sflag:s0] =	ssyncadd.s32 @!p0 s1  }
0x99: {  	[bflag:$0x3] =	sbarrier.arrive $0xFFFF  }
0x9a: {  	_ =	shalt  }

// kernel: kernel.15.cloned.1.call-start
scs
__scs_entry_jumppad:
0x0: {  	(pc) =	sbr.rel $0x88, $3  }
0x1: {  	(tag) =	ssettag $0x0;
	lr =	simm.s32 $0x1  }
0x2: {  	[smem:$0x3F8E] =	sst lr;
	_ =	strace $0xD0000000  }
0x3: {  	_ = 	snop  }
0x4: {  	_ = 	snop  }
0x5: {  	_ = 	snop  }
0x6: {  	_ = 	snop  }
0x7: {  	_ = 	snop  }
__scs_overlays_trampoline_lowered:
0x8: {  	[smem:$0x3F9D] =	sst s0  }
0x9: {  	[smem:$0x3F9E] =	sst s1  }
0xa: {  	[smem:$0x3F9F] =	sst s2  }
0xb: {  	[smem:$0x3FA0] =	sst s3  }
0xc: {  	[smem:$0x3FA1] =	sst s4  }
0xd: {  	[smem:$0x3FA2] =	sst s5  }
0xe: {  	[smem:$0x3FA3] =	sst s6  }
0xf: {  	[smem:$0x3FA4] =	sst s7  }
0x10: {  	[smem:$0x3FA5] =	sst s8  }
0x11: {  	[smem:$0x3FA6] =	sst s9;
	s0 =	simm.s32 @!p0 $0x0  }
0x12: {  	s1 =	sld [smem:$0x3F8C];
	s0 =	simm.s32 @p0 $0x1  }
0x13: {  	[smem:$0x3FA7] =	sst s0;
	s0 =	simm.s32 @!p1 $0x0  }
0x14: {  	s2 =	sld [smem:$0x3F8B];
	s0 =	simm.s32 @p1 $0x1  }
0x15: {  	[smem:$0x3FA8] =	sst s0;
	s0 =	simm.s32 @!p2 $0x0  }
0x16: {  	s3 =	sld [smem:$0x3FDB];
	s0 =	simm.s32 @p2 $0x1  }
0x17: {  	s4 =	simm.s32 $0x1BF5;
	[smem:$0x3FAA] =	sst s0  }
0x18: {  	s0 =	sld [smem:$0x3F8D];
	_ =	swait.ge [sflag:s4], $0x0  }
0x19: {  	s7 =	sld [smem:$0x3F8E]  }
0x1a: {  	s8 =	sadd.s32 $0xFFFFE003, lr  }
0x1b: {  	s9 =	sadd.s32 $0xFFFFFEF7, lr;
	s5 =	simm.s32 $0xFFFFFFFF;
	p2 =	slt.u32 s8, $0xFFFFF086  }
0x1c: {  	p1 =	slt.u32 s9, $0xF7A;
	s5 =	simm.s32 @!p2 $0x0  }
0x1d: {  	s5 =	simm.s32 @p1 $0x1;
	p0 =	seq.s32 s7, s2  }
0x1e: {  	s7 =	smul.u32 @!p0 $0xF7A, s2;
	p2 =	seq.s32 @!p0 s5, $0x0  }
0x1f: {  	s9 =	smul.u32 $0xF7A, s1;
	s8 =	simm.s32 @!p0 $0x1BF5;
	p2 =	por !p2, p0  }
0x20: {  	[sflag:s8] =	ssyncset.s32 @!p0 $0xFFFFF086;
	s6 =	sadd.s32 @!p0 s3, s7;
	s7 =	simm.s32 @!p0 $0x108  }
0x21: {  	s3 =	sadd.s32 s3, s9;
	s6 =	sadd.s32 @!p0 $0x88, s6;
	s7 =	simm.s32 @p2 $0x1082  }
0x22: {  	[simem:s7], [sflag:s8] =	dma.local @!p0 [hbm:s6], $0xF7A  }
0x23: {  	s9 =	sor.u32 $0xD0000000, s2;
	s6 =	simm.s32 $0x108;
	_ =	swait.ge @!p0 [sflag:s8], $0x0  }
0x24: {  	s3 =	sadd.s32 $0x88, s3;
	s6 =	simm.s32 @!p1 $0x1082;
	[sflag:s4] =	ssyncset.s32 $0xFFFFF086  }
0x25: {  	[simem:s6], [sflag:s4] =	dma.local [hbm:s3], $0xF7A  }
0x26: {  	[smem:$0x3F8E] =	sst s1;
	(tag) =	ssettag s2;
	_ =	strace s9  }
0x27: {  	s1 =	sld [smem:$0x3F9E]  }
0x28: {  	s2 =	sld [smem:$0x3F9F]  }
0x29: {  	s4 =	sld [smem:$0x3FA1]  }
0x2a: {  	p0 =	seq.s32 s5, $0x0;
	s5 =	sld [smem:$0x3FA2]  }
0x2b: {  	s6 =	sld [smem:$0x3FA3]  }
0x2c: {  	s7 =	sld [smem:$0x3FA4]  }
0x2d: {  	s3 =	simm.s32 $0x108;
	s8 =	sld [smem:$0x3FA5]  }
0x2e: {  	s3 =	simm.s32 @!p0 $0x1082;
	s9 =	sld [smem:$0x3FA6]  }
0x2f: {  	lr =	sadd.s32 s0, s3;
	s0 =	sld [smem:$0x3F9D]  }
0x30: {  	s3 =	sld [smem:$0x3FA0]  }
0x31: {  	[smem:$0x3FA9] =	sst s10  }
0x32: {  	s10 =	sld [smem:$0x3FA7];
	_ =	sdelay $0x3  }
0x33: {  	p0 =	seq.s32 s10, $0x1;
	s10 =	sld [smem:$0x3FA9];
	_ =	sdelay $0x3  }
0x34: {  	[smem:$0x3FA9] =	sst s10  }
0x35: {  	s10 =	sld [smem:$0x3FA8];
	_ =	sdelay $0x3  }
0x36: {  	p1 =	seq.s32 s10, $0x1;
	s10 =	sld [smem:$0x3FA9];
	_ =	sdelay $0x3  }
0x37: {  	[smem:$0x3FA9] =	sst s10  }
0x38: {  	s10 =	sld [smem:$0x3FAA]  }
0x39: {  	_ = 	snop;
	(pc) =	sbr.ind lr, $3  }
0x3a: {  	_ = 	snop  }
0x3b: {  	_ = 	snop  }
0x3c: {  	p2 =	seq.s32 s10, $0x1;
	s10 =	sld [smem:$0x3FA9]  }
0x3d: {  	_ =	shalt  }
0x3e: {  	_ =	shalt  }
0x3f: {  	_ =	shalt  }
0x40: {  	_ =	shalt  }
0x41: {  	_ =	shalt  }
0x42: {  	_ =	shalt  }
0x43: {  	_ =	shalt  }
0x44: {  	_ =	shalt  }
0x45: {  	_ =	shalt  }
0x46: {  	_ =	shalt  }
0x47: {  	_ =	shalt  }
0x48: {  	_ =	shalt  }
0x49: {  	_ =	shalt  }
0x4a: {  	_ =	shalt  }
0x4b: {  	_ =	shalt  }
0x4c: {  	_ =	shalt  }
0x4d: {  	_ =	shalt  }
0x4e: {  	_ =	shalt  }
0x4f: {  	_ =	shalt  }
0x50: {  	_ =	shalt  }
0x51: {  	_ =	shalt  }
0x52: {  	_ =	shalt  }
0x53: {  	_ =	shalt  }
0x54: {  	_ =	shalt  }
0x55: {  	_ =	shalt  }
0x56: {  	_ =	shalt  }
0x57: {  	_ =	shalt  }
0x58: {  	_ =	shalt  }
0x59: {  	_ =	shalt  }
0x5a: {  	_ =	shalt  }
0x5b: {  	_ =	shalt  }
0x5c: {  	_ =	shalt  }
0x5d: {  	_ =	shalt  }
0x5e: {  	_ =	shalt  }
0x5f: {  	_ =	shalt  }
0x60: {  	_ =	shalt  }
0x61: {  	_ =	shalt  }
0x62: {  	_ =	shalt  }
0x63: {  	_ =	shalt  }
0x64: {  	_ =	shalt  }
0x65: {  	_ =	shalt  }
0x66: {  	_ =	shalt  }
0x67: {  	_ =	shalt  }
0x68: {  	_ =	shalt  }
0x69: {  	_ =	shalt  }
0x6a: {  	_ =	shalt  }
0x6b: {  	_ =	shalt  }
0x6c: {  	_ =	shalt  }
0x6d: {  	_ =	shalt  }
0x6e: {  	_ =	shalt  }
0x6f: {  	_ =	shalt  }
0x70: {  	_ =	shalt  }
0x71: {  	_ =	shalt  }
0x72: {  	_ =	shalt  }
0x73: {  	_ =	shalt  }
0x74: {  	_ =	shalt  }
0x75: {  	_ =	shalt  }
0x76: {  	_ =	shalt  }
0x77: {  	_ =	shalt  }
0x78: {  	_ =	shalt  }
0x79: {  	_ =	shalt  }
0x7a: {  	_ =	shalt  }
0x7b: {  	_ =	shalt  }
0x7c: {  	_ =	shalt  }
0x7d: {  	_ =	shalt  }
0x7e: {  	_ =	shalt  }
0x7f: {  	_ =	shalt  }
0x80: {  	_ =	shalt  }
0x81: {  	_ =	shalt  }
0x82: {  	_ =	shalt  }
0x83: {  	_ =	shalt  }
0x84: {  	_ =	shalt  }
0x85: {  	_ =	shalt  }
0x86: {  	_ =	shalt  }
0x87: {  	_ =	shalt  }
.Lfunc_end0:
.L_simem_size_0:
called_computation.2_lowered:
.L_overlay_start_0:
0x88: {  	s2 =	sld [smem:$0x3FD9]  }
0x89: {  	s3 =	sld [smem:$0x3FFE];
	_ =	sdelay $0x1  }
0x8a: {  	s1 =	srdreg.scid  }
0x8b: {  	s0 =	sand.u32 $0x1, s1  }
0x8c: {  	s17 =	sshll.u32 s0, $0xA;
	s2 =	sadd.s32 s3, s2  }
0x8d: {  	s2 =	sadd.s32 s2, s17  }
0x8e: {  	[smem:$0x3FB5] =	sst s2  }
0x8f: {  	_ = 	snop  }
0x90: {  	s2 =	sld [smem:$0x3FD0];
	(tm) =	ssettm $0x1  }
0x91: {  	s18 =	sld [smem:$0x3FFB];
	_ =	sdelay $0x3  }
0x92: {  	_ =	strace s18  }
0x93: {  	s3 =	sld [smem:$0x3FFC];
	_ =	sdelay $0x3  }
0x94: {  	_ =	strace s3  }
0x95: {  	s3 =	sld [smem:$0x3FFD];
	_ =	sdelay $0x3  }
0x96: {  	_ =	strace s3  }
0x97: {  	_ =	strace $0x8FFFFFFF  }
0x98: {  	s19 =	sld [smem:$0x3FDB];
	_ =	sdelay $0x1  }
0x99: {  	s4 =	simm.s32 $_scs_section_size  }
0x9a: {  	s5 =	simm.s32 $_size__tile_overlayer_lowered;
	s6 =	simm.s32 $_tile_overlayer_lowered  }
0x9b: {  	s22 =	simm.s32 $0x1BFF;
	s21 =	sshll.u32 s6, $0x1;
	s3 =	sadd.s32 s4, s19  }
0x9c: {  	s7 =	simm.s32 $0x0;
	s20 =	sshll.u32 s5, $0x1;
	s5 =	sadd.s32 s21, s3  }
0x9d: {  	[timem:s7], [sflag:s22] =	dma.local [hbm:s5], s20  }
0x9e: {  	_ =	swait.ge [sflag:s22], s20  }
0x9f: {  	s4 =	ssub.s32 $0x0, s20;
	[sflag:s22] =	ssyncset.done $0x0  }
0xa0: {  	[sflag:s22] =	ssyncadd.s32 s4;
	_ =	sdelay $0x1  }
0xa1: {  	s23 =	simm.s32 $0x1B8B  }
0xa2: {  	_ =	swait.ge [sflag:s23], $0x1  }
0xa3: {  	[sflag:s23] =	ssyncset.done $0x0  }
0xa4: {  	s25 =	simm.s32 $0x1B8E;
	s24 =	sld [smem:$0x3FFE];
	[sflag:s23] =	ssyncadd.s32 $0xFFFFFFFF  }
0xa5: {  	s26 =	simm.s32 $execute0_lowered;
	[smem:$0x3FD2] =	sst s25  }
0xa6: {  	s5 =	sshll.u32 s26, $0x1;
	_ =	strace $0x8000004C;
	[dreg:$0x1] =	wrdreg $0xFFFFFFFF  }
0xa7: {  	s28 =	simm.s32 $_size_execute0_lowered;
	s3 =	sadd.s32 s3, s5;
	[dreg:$0x0] =	wrdreg $0x0  }
0xa8: {  	s5 =	sshll.u32 s28, $0x1;
	[dreg:$0x2] =	wrdreg s3  }
0xa9: {  	[dreg:$0x3] =	wrdreg s5  }
0xaa: {  	[dreg:$0x4] =	wrdreg $0xC0  }
0xab: {  	_ =	task [dreg:s7], $0x5FFFF  }
0xac: {  	[dreg:$0x1] =	wrdreg $0xFFFFFFFF  }
0xad: {  	[dreg:$0x0] =	wrdreg $0x60  }
0xae: {  	[dreg:$0x2] =	wrdreg s24  }
0xaf: {  	[dreg:$0x3] =	wrdreg s2  }
0xb0: {  	[dreg:$0x4] =	wrdreg $0x82000  }
0xb1: {  	[dreg:$0x5] =	wrdreg $0x9  }
0xb2: {  	_ =	task.clear_ibuf [dreg:s7], $0x6FFFF;
	_ =	strace $0x9000004C  }
0xb3: {  	s29 =	simm.s32 $0x9;
	_ =	strace $0x8000004E  }
0xb4: {  	_ =	swait.ge [sflag:s29], $0x1  }
0xb5: {  	[sflag:s29] =	ssyncadd.s32 $0xFFFFFFFF  }
0xb6: {  	_ =	strace $0x9000004E  }
0xb7: {  	_ =	sfence  }
0xb8: {  	s30 =	sld [smem:$0x0];
	_ =	sdelay $0x2  }
0xb9: {  	s31 =	sshll.u32 s1, $0xD;
	s1 =	sshrl.u32 s1, $0x2  }
0xba: {  	s3 =	sand.u32 $0x4000, s31;
	s1 =	sadd.s32 s1, s30  }
0xbb: {  	s0 =	sor.u32 s3, s0;
	s1 =	sshll.u32 s1, $0x11  }
0xbc: {  	s0 =	sor.u32 s1, s0  }
0xbd: {  	s0 =	sadd.s32 $0x8F2B, s0  }
0xbe: {  	[sflag:s0] =	ssyncadd.remote.s32 $0x1  }
0xbf: {  	_ =	sfence.sel $0xFFFF  }
0xc0: {  	[dreg:$0x0] =	wrdreg $0xFFFFFFFF;
	(pc) =	sbr.abs _section_cstart, $3  }
0xc1: {  	[dreg:$0x1] =	wrdreg $0xFFFFFFFF  }
0xc2: {  	_ =	task.clear_ibuf [dreg:s7], $0x2FFFF;
	_ =	strace $0x9FFFFFFF  }
0xc3: {  	(tm) =	ssettm $0x7FFFFFFF  }
tec
execute0_lowered:
.L_overlay_start_1:
0x0: {  	(tag) =	ssettag $0x1  }
0x1: {  	s5 =	rddreg [dreg:$0x0]  }
0x2: {  	s16 =	rddreg [dreg:$0x1]  }
0x3: {  	s2 =	rddreg [dreg:$0x2];
	s1 =	stileid.u32  }
0x4: {  	s4 =	srdreg.scid;
	s3 =	simm.s32 $0x0;
	s20 =	simm.s32 $0x3  }
0x5: {  	s21 =	simm.s32 $0x200;
	s28 =	simm.s32 $0x2;
	s29 =	simm.s32 $0x0  }
0x6: {  	s6 =	smul.u32 $0x14000, s1;
	s7 =	sand.u32 $0x1, s4;
	[smem:$0x7FF] =	sst s3  }
0x7: {  	s4 =	sadd.s32 $0x54000, s5;
	s15 =	sadd.s32 $0x279E00, s5;
	s10 =	smul.u32 $0x50000, s1  }
0x8: {  	s22 =	sshll.u32 s1, $0x1;
	s26 =	smul.u32 $0x5000, s1;
	s30 =	sshll.u32 s1, $0x6  }
0x9: {  	s8 =	smul.u32 $0x140000, s7;
	_ =	strace $0x8000004D;
	s23 =	ssub.s32 $0x2, s7  }
0xa: {  	s24 =	sor.u32 s7, s22;
	s14 =	smul.u32 $0x2800, s7;
	s22 =	simm.s32 $0x100  }
0xb: {  	s9 =	sshrl.u32 s6, $0x3;
	s25 =	sshrl.u32 s23, $0x1;
	s10 =	sshrl.u32 s10, $0x2  }
0xc: {  	s9 =	sadd.s32 s9, s5;
	s6 =	sadd.s32 s6, s8;
	s12 =	ssub.s32 s23, s25  }
0xd: {  	s17 =	sadd.s32 s10, s2;
	s14 =	sadd.s32 s14, s26;
	s23 =	simm.s32 $0x180  }
0xe: {  	s25 =	simm.s32 $0x4200;
	s26 =	simm.s32 $0x1;
	s6 =	sshrl.u32 s6, $0x3  }
0xf: {  	s31 =	sor.u32 $0x180, s14;
	s14 =	sor.u32 $0x100, s14;
	s12 =	smax.u32 s12, $0x1  }
0x10: {  	s17 =	sshrl.u32 s17, $0x3;
	s11 =	sadd.s32 s6, s5;
	s6 =	smul.u32 $0x2800, s24  }
0x11: {  	s5 =	sadd.s32 $0x7B200, s9;
	s18 =	sshrl.u32 s31, $0x3;
	s19 =	sshrl.u32 s14, $0x3  }
0x12: {  	s24 =	simm.s32 $0x4;
	s11 =	sadd.s32 $0xA3200, s11;
	s13 =	sshrl.u32 s6, $0x3  }
0x13: {  	s7 =	sadd.s32 s16, s13;
	s8 =	sadd.s32 s15, s13;
	s13 =	sor.u32 $0x10, s13  }
0x14: {  	s14 =	sadd.s32 s18, s16;
	s6 =	sor.u32 $0x1C05, s30;
	s9 =	sadd.s32 s16, s13  }
0x15: {  	s10 =	sadd.s32 s15, s13;
	s13 =	sadd.s32 s18, s15;
	s15 =	sadd.s32 s19, s15  }
0x16: {  	s16 =	sadd.s32 s19, s16;
	s18 =	simm.s32 $0x5;
	s19 =	simm.s32 $0x80  }
.LBB2_1:
0x17: {  	[spmem:s17], [sflag:s6] =	dma.local [hbm:s5], $0x2800  }
0x18: {  	_ =	swait.ge [sflag:s18], $0x2800  }
0x19: {  	[sflag:s18] =	ssyncset.done $0x0  }
0x1a: {  	[sflag:s18] =	ssyncadd.s32 $0xFFFFD800  }
0x1b: {  	[bflag:$0x0] =	sbarrier.arrive $0xFFFF  }
0x1c: {  	[tilespmem:s3], [sflag:$0x3] =	stream.linear.gather [hbm4b:s7+s3], $0x80, $0x38;
	[tilespmem:$0x1C200] =	vst v63  }
0x1d: {  	_ = 	snop  }
0x1e: {  	[tilespmem:s19], [sflag:$0x3] =	stream.linear.gather [hbm4b:s8+s3], $0x80, $0x38;
	[tilespmem:$0x1C200] =	vst v63  }
0x1f: {  	_ =	swait.ge [sflag:s20], $0x80  }
0x20: {  	[sflag:s20] =	ssyncset.done $0x0  }
0x21: {  	[sflag:s20] =	ssyncadd.s32 $0xFFFFFF80  }
0x22: {  	_ =	swait.ge [sflag:s20], $0x80  }
0x23: {  	[sflag:s20] =	ssyncset.done $0x0  }
0x24: {  	[sflag:s20] =	ssyncadd.s32 $0xFFFFFF80  }
0x25: {  	[tilespmem:s21], [sflag:$0x1] =	stream.indirect.gather [hbm4b:s4+s19], $0x80, s3, s19, $0xb8;
	[tilespmem:$0x1C200] =	vst v63  }
0x26: {  	_ = 	snop  }
0x27: {  	[tilespmem:s22], [sflag:$0x4] =	stream.linear.gather [hbm4b:s9+s3], $0x80, $0x38;
	[tilespmem:$0x1C200] =	vst v63  }
0x28: {  	_ = 	snop  }
0x29: {  	[tilespmem:s23], [sflag:$0x4] =	stream.linear.gather [hbm4b:s10+s3], $0x80, $0x38;
	[tilespmem:$0x1C200] =	vst v63  }
0x2a: {  	_ =	swait.ge [sflag:s24], $0x80  }
0x2b: {  	[sflag:s24] =	ssyncset.done $0x0  }
0x2c: {  	[sflag:s24] =	ssyncadd.s32 $0xFFFFFF80  }
0x2d: {  	_ =	swait.ge [sflag:s24], $0x80  }
0x2e: {  	[sflag:s24] =	ssyncset.done $0x0  }
0x2f: {  	[sflag:s24] =	ssyncadd.s32 $0xFFFFFF80  }
0x30: {  	[tilespmem:s25], [sflag:$0x2] =	stream.indirect.gather [hbm4b:s4+s19], $0x80, s22, s19, $0xb8;
	[tilespmem:$0x1C200] =	vst v63  }
0x31: {  	_ =	swait.ge [sflag:s26], $0x4000  }
0x32: {  	[sflag:s26] =	ssyncset.done $0x0  }
0x33: {  	[sflag:s26] =	ssyncadd.s32 $0xFFFFC000  }
0x34: {  	[spmem:s2] =	stream.indirect.scatter.add.f32 [tilespmem:s21], [sflag:$0x5], $0x80, s19, s19, $0xb8;
	[tilespmem:$0x1C200] =	vst v63  }
0x35: {  	_ =	swait.ge [sflag:s18], $0x4000  }
0x36: {  	[sflag:s18] =	ssyncset.done $0x0  }
0x37: {  	s30 =	sadd.s32 $0x0, s16;
	[sflag:s18] =	ssyncadd.s32 $0xFFFFC000  }
0x38: {  	[tilespmem:s3], [sflag:$0x3] =	stream.linear.gather [hbm4b:s30+s3], $0x80, $0x38;
	[tilespmem:$0x1C200] =	vst v63  }
0x39: {  	s30 =	sadd.s32 $0x0, s15  }
0x3a: {  	[tilespmem:s19], [sflag:$0x3] =	stream.linear.gather [hbm4b:s30+s3], $0x80, $0x38;
	[tilespmem:$0x1C200] =	vst v63  }
0x3b: {  	_ =	swait.ge [sflag:s20], $0x80  }
0x3c: {  	[sflag:s20] =	ssyncset.done $0x0  }
0x3d: {  	[sflag:s20] =	ssyncadd.s32 $0xFFFFFF80  }
0x3e: {  	_ =	swait.ge [sflag:s20], $0x80  }
0x3f: {  	[sflag:s20] =	ssyncset.done $0x0  }
0x40: {  	[sflag:s20] =	ssyncadd.s32 $0xFFFFFF80  }
0x41: {  	[tilespmem:s21], [sflag:$0x1] =	stream.indirect.gather [hbm4b:s4+s19], $0x80, s3, s19, $0xb8;
	[tilespmem:$0x1C200] =	vst v63  }
0x42: {  	_ =	swait.ge [sflag:s28], $0x4000  }
0x43: {  	[sflag:s28] =	ssyncset.done $0x0  }
0x44: {  	[sflag:s28] =	ssyncadd.s32 $0xFFFFC000  }
0x45: {  	[spmem:s2] =	stream.indirect.scatter.add.f32 [tilespmem:s25], [sflag:$0x5], $0x80, s23, s19, $0xb8;
	[tilespmem:$0x1C200] =	vst v63  }
0x46: {  	_ =	swait.ge [sflag:s18], $0x4000  }
0x47: {  	[sflag:s18] =	ssyncset.done $0x0  }
0x48: {  	s30 =	sadd.s32 $0x0, s14;
	[sflag:s18] =	ssyncadd.s32 $0xFFFFC000  }
0x49: {  	[tilespmem:s22], [sflag:$0x4] =	stream.linear.gather [hbm4b:s30+s3], $0x80, $0x38;
	[tilespmem:$0x1C200] =	vst v63  }
0x4a: {  	s31 =	sadd.s32 $0x0, s13;
	s30 =	simm.s32 $0x20  }
.LBB2_2:
0x4b: {  	[tilespmem:s23], [sflag:$0x4] =	stream.linear.gather [hbm4b:s31+s3], $0x80, $0x38;
	[tilespmem:$0x1C200] =	vst v63  }
0x4c: {  	s31 =	smov.u32 s30  }
0x4d: {  	p0 =	sne.s32 s30, $0x4C0;
	s30 =	sadd.s32 $0x20, s30;
	_ =	swait.ge [sflag:s24], $0x80  }
0x4e: {  	[sflag:s24] =	ssyncset.done $0x0  }
0x4f: {  	[sflag:s24] =	ssyncadd.s32 $0xFFFFFF80  }
0x50: {  	_ =	swait.ge [sflag:s24], $0x80  }
0x51: {  	[sflag:s24] =	ssyncset.done $0x0  }
0x52: {  	[sflag:s24] =	ssyncadd.s32 $0xFFFFFF80  }
0x53: {  	[tilespmem:s25], [sflag:$0x2] =	stream.indirect.gather [hbm4b:s4+s19], $0x80, s22, s19, $0xb8;
	[tilespmem:$0x1C200] =	vst v63  }
0x54: {  	_ =	swait.ge [sflag:s26], $0x4000  }
0x55: {  	[sflag:s26] =	ssyncset.done $0x0  }
0x56: {  	[sflag:s26] =	ssyncadd.s32 $0xFFFFC000  }
0x57: {  	[spmem:s2] =	stream.indirect.scatter.add.f32 [tilespmem:s21], [sflag:$0x5], $0x80, s19, s19, $0xb8;
	[tilespmem:$0x1C200] =	vst v63  }
0x58: {  	_ =	swait.ge [sflag:s18], $0x4000  }
0x59: {  	[sflag:s18] =	ssyncset.done $0x0  }
0x5a: {  	s0 =	sadd.s32 s31, s16;
	[sflag:s18] =	ssyncadd.s32 $0xFFFFC000  }
0x5b: {  	[tilespmem:s3], [sflag:$0x3] =	stream.linear.gather [hbm4b:s0+s3], $0x80, $0x38;
	[tilespmem:$0x1C200] =	vst v63  }
0x5c: {  	s0 =	sadd.s32 s31, s15  }
0x5d: {  	[tilespmem:s19], [sflag:$0x3] =	stream.linear.gather [hbm4b:s0+s3], $0x80, $0x38;
	[tilespmem:$0x1C200] =	vst v63  }
0x5e: {  	_ =	swait.ge [sflag:s20], $0x80  }
0x5f: {  	[sflag:s20] =	ssyncset.done $0x0  }
0x60: {  	[sflag:s20] =	ssyncadd.s32 $0xFFFFFF80  }
0x61: {  	_ =	swait.ge [sflag:s20], $0x80  }
0x62: {  	[sflag:s20] =	ssyncset.done $0x0  }
0x63: {  	[sflag:s20] =	ssyncadd.s32 $0xFFFFFF80  }
0x64: {  	[tilespmem:s21], [sflag:$0x1] =	stream.indirect.gather [hbm4b:s4+s19], $0x80, s3, s19, $0xb8;
	[tilespmem:$0x1C200] =	vst v63  }
0x65: {  	_ =	swait.ge [sflag:s28], $0x4000  }
0x66: {  	[sflag:s28] =	ssyncset.done $0x0  }
0x67: {  	[sflag:s28] =	ssyncadd.s32 $0xFFFFC000  }
0x68: {  	[spmem:s2] =	stream.indirect.scatter.add.f32 [tilespmem:s25], [sflag:$0x5], $0x80, s23, s19, $0xb8;
	[tilespmem:$0x1C200] =	vst v63  }
.Ltmp0:
0x69: {  	_ =	swait.ge [sflag:s18], $0x4000;
	(pc) =	sbr.rel @p0 .LBB2_2-.Ltmp0, $4  }
0x6a: {  	[sflag:s18] =	ssyncset.done $0x0  }
0x6b: {  	s0 =	sadd.s32 s31, s14;
	[sflag:s18] =	ssyncadd.s32 $0xFFFFC000  }
0x6c: {  	[tilespmem:s22], [sflag:$0x4] =	stream.linear.gather [hbm4b:s0+s3], $0x80, $0x38;
	[tilespmem:$0x1C200] =	vst v63  }
0x6d: {  	s31 =	sadd.s32 s31, s13  }
0x6e: {  	[tilespmem:s23], [sflag:$0x4] =	stream.linear.gather [hbm4b:s31+s3], $0x80, $0x38;
	[tilespmem:$0x1C200] =	vst v63  }
0x6f: {  	_ =	swait.ge [sflag:s24], $0x80  }
0x70: {  	[sflag:s24] =	ssyncset.done $0x0  }
0x71: {  	[sflag:s24] =	ssyncadd.s32 $0xFFFFFF80  }
0x72: {  	_ =	swait.ge [sflag:s24], $0x80  }
0x73: {  	[sflag:s24] =	ssyncset.done $0x0  }
0x74: {  	[sflag:s24] =	ssyncadd.s32 $0xFFFFFF80  }
0x75: {  	[tilespmem:s25], [sflag:$0x2] =	stream.indirect.gather [hbm4b:s4+s19], $0x80, s22, s19, $0xb8;
	[tilespmem:$0x1C200] =	vst v63  }
0x76: {  	_ =	swait.ge [sflag:s26], $0x4000  }
0x77: {  	[sflag:s26] =	ssyncset.done $0x0  }
0x78: {  	[sflag:s26] =	ssyncadd.s32 $0xFFFFC000  }
0x79: {  	[spmem:s2] =	stream.indirect.scatter.add.f32 [tilespmem:s21], [sflag:$0x5], $0x80, s19, s19, $0xb8;
	[tilespmem:$0x1C200] =	vst v63  }
0x7a: {  	_ =	swait.ge [sflag:s18], $0x4000  }
0x7b: {  	[sflag:s18] =	ssyncset.done $0x0  }
0x7c: {  	[sflag:s18] =	ssyncadd.s32 $0xFFFFC000  }
0x7d: {  	_ =	swait.ge [sflag:s28], $0x4000  }
0x7e: {  	[sflag:s28] =	ssyncset.done $0x0  }
0x7f: {  	[sflag:s28] =	ssyncadd.s32 $0xFFFFC000  }
0x80: {  	[spmem:s2] =	stream.indirect.scatter.add.f32 [tilespmem:s25], [sflag:$0x5], $0x80, s23, s19, $0xb8;
	[tilespmem:$0x1C200] =	vst v63  }
0x81: {  	_ =	swait.ge [sflag:s18], $0x4000  }
0x82: {  	s29 =	sadd.s32 $0x1, s29;
	[sflag:s18] =	ssyncset.done $0x0  }
0x83: {  	p0 =	sne.s32 s29, s12;
	[sflag:s18] =	ssyncadd.s32 $0xFFFFC000  }
.Ltmp1:
0x84: {  	[bflag:$0x0] =	sbarrier.arrive $0xFFFF;
	(pc) =	sbr.rel @p0 .LBB2_1-.Ltmp1, $4  }
0x85: {  	[hbm:s11], [sflag:s6] =	dma.local [spmem:s17], $0x2800  }
0x86: {  	_ =	swait.ge [sflag:s18], $0x2800  }
0x87: {  	[sflag:s18] =	ssyncset.done $0x0  }
0x88: {  	[sflag:s18] =	ssyncadd.s32 $0xFFFFD800  }
0x89: {  	_ =	sfence.sel $0x180000  }
0x8a: {  	[bflag:$0x0] =	sbarrier.arrive $0xFFFF  }
0x8b: {  	_ =	strace $0x9000004D  }
0x8c: {  	[bflag:$0x2] =	sbarrier.arrive $0xFFFF  }
0x8d: {  	p0 =	sne.s32 s1, $0x0;
	s0 =	rddreg [dreg:$0x3]  }
0x8e: {  	s0 =	sadd.s32 @!p0 $0x100000, s0  }
0x8f: {  	[sflag:s0] =	ssyncadd.tile.s32 @!p0 $0x1;
	_ =	shalt  }
.Lfunc_end2:
_tile_overlayer_lowered:
.L_overlay_start_2:
0x90: {  	(tag) =	ssettag $0x2  }
0x91: {  	s0 =	rddreg [dreg:$0x0];
	s2 =	stileid.u32  }
0x92: {  	s1 =	rddreg [dreg:$0x1];
	p0 =	sne.s32 s2, $0x0  }
0x93: {  	s3 =	rddreg [dreg:$0x2];
	[bflag:$0x3] =	sbarrier.arrive $0xFFFF;
	s2 =	simm.s32 @!p0 $0x1C05  }
0x94: {  	[timem:s3], [sflag:s2] =	dma.local @!p0 [hbm:s0], s1  }
0x95: {  	s0 =	simm.s32 @!p0 $0x5  }
0x96: {  	_ =	swait.ge @!p0 [sflag:s0], s1  }
0x97: {  	s1 =	ssub.s32 @!p0 $0x0, s1;
	[sflag:s0] =	ssyncset.done @!p0 $0x0  }
0x98: {  	[sflag:s0] =	ssyncadd.s32 @!p0 s1  }
0x99: {  	[bflag:$0x3] =	sbarrier.arrive $0xFFFF  }
0x9a: {  	_ =	shalt  }

// kernel: kernel.9.cloned.1.call-start
scs
__scs_entry_jumppad:
0x0: {  	(pc) =	sbr.rel $0x88, $3  }
0x1: {  	(tag) =	ssettag $0x0;
	lr =	simm.s32 $0x1  }
0x2: {  	[smem:$0x3F8E] =	sst lr;
	_ =	strace $0xD0000000  }
0x3: {  	_ = 	snop  }
0x4: {  	_ = 	snop  }
0x5: {  	_ = 	snop  }
0x6: {  	_ = 	snop  }
0x7: {  	_ = 	snop  }
__scs_overlays_trampoline_lowered:
0x8: {  	[smem:$0x3F9D] =	sst s0  }
0x9: {  	[smem:$0x3F9E] =	sst s1  }
0xa: {  	[smem:$0x3F9F] =	sst s2  }
0xb: {  	[smem:$0x3FA0] =	sst s3  }
0xc: {  	[smem:$0x3FA1] =	sst s4  }
0xd: {  	[smem:$0x3FA2] =	sst s5  }
0xe: {  	[smem:$0x3FA3] =	sst s6  }
0xf: {  	[smem:$0x3FA4] =	sst s7  }
0x10: {  	[smem:$0x3FA5] =	sst s8  }
0x11: {  	[smem:$0x3FA6] =	sst s9;
	s0 =	simm.s32 @!p0 $0x0  }
0x12: {  	s1 =	sld [smem:$0x3F8C];
	s0 =	simm.s32 @p0 $0x1  }
0x13: {  	[smem:$0x3FA7] =	sst s0;
	s0 =	simm.s32 @!p1 $0x0  }
0x14: {  	s2 =	sld [smem:$0x3F8B];
	s0 =	simm.s32 @p1 $0x1  }
0x15: {  	[smem:$0x3FA8] =	sst s0;
	s0 =	simm.s32 @!p2 $0x0  }
0x16: {  	s3 =	sld [smem:$0x3FDB];
	s0 =	simm.s32 @p2 $0x1  }
0x17: {  	s4 =	simm.s32 $0x1BF5;
	[smem:$0x3FAA] =	sst s0  }
0x18: {  	s0 =	sld [smem:$0x3F8D];
	_ =	swait.ge [sflag:s4], $0x0  }
0x19: {  	s7 =	sld [smem:$0x3F8E]  }
0x1a: {  	s8 =	sadd.s32 $0xFFFFE003, lr  }
0x1b: {  	s9 =	sadd.s32 $0xFFFFFEF7, lr;
	s5 =	simm.s32 $0xFFFFFFFF;
	p2 =	slt.u32 s8, $0xFFFFF086  }
0x1c: {  	p1 =	slt.u32 s9, $0xF7A;
	s5 =	simm.s32 @!p2 $0x0  }
0x1d: {  	s5 =	simm.s32 @p1 $0x1;
	p0 =	seq.s32 s7, s2  }
0x1e: {  	s7 =	smul.u32 @!p0 $0xF7A, s2;
	p2 =	seq.s32 @!p0 s5, $0x0  }
0x1f: {  	s9 =	smul.u32 $0xF7A, s1;
	s8 =	simm.s32 @!p0 $0x1BF5;
	p2 =	por !p2, p0  }
0x20: {  	[sflag:s8] =	ssyncset.s32 @!p0 $0xFFFFF086;
	s6 =	sadd.s32 @!p0 s3, s7;
	s7 =	simm.s32 @!p0 $0x108  }
0x21: {  	s3 =	sadd.s32 s3, s9;
	s6 =	sadd.s32 @!p0 $0x88, s6;
	s7 =	simm.s32 @p2 $0x1082  }
0x22: {  	[simem:s7], [sflag:s8] =	dma.local @!p0 [hbm:s6], $0xF7A  }
0x23: {  	s9 =	sor.u32 $0xD0000000, s2;
	s6 =	simm.s32 $0x108;
	_ =	swait.ge @!p0 [sflag:s8], $0x0  }
0x24: {  	s3 =	sadd.s32 $0x88, s3;
	s6 =	simm.s32 @!p1 $0x1082;
	[sflag:s4] =	ssyncset.s32 $0xFFFFF086  }
0x25: {  	[simem:s6], [sflag:s4] =	dma.local [hbm:s3], $0xF7A  }
0x26: {  	[smem:$0x3F8E] =	sst s1;
	(tag) =	ssettag s2;
	_ =	strace s9  }
0x27: {  	s1 =	sld [smem:$0x3F9E]  }
0x28: {  	s2 =	sld [smem:$0x3F9F]  }
0x29: {  	s4 =	sld [smem:$0x3FA1]  }
0x2a: {  	p0 =	seq.s32 s5, $0x0;
	s5 =	sld [smem:$0x3FA2]  }
0x2b: {  	s6 =	sld [smem:$0x3FA3]  }
0x2c: {  	s7 =	sld [smem:$0x3FA4]  }
0x2d: {  	s3 =	simm.s32 $0x108;
	s8 =	sld [smem:$0x3FA5]  }
0x2e: {  	s3 =	simm.s32 @!p0 $0x1082;
	s9 =	sld [smem:$0x3FA6]  }
0x2f: {  	lr =	sadd.s32 s0, s3;
	s0 =	sld [smem:$0x3F9D]  }
0x30: {  	s3 =	sld [smem:$0x3FA0]  }
0x31: {  	[smem:$0x3FA9] =	sst s10  }
0x32: {  	s10 =	sld [smem:$0x3FA7];
	_ =	sdelay $0x3  }
0x33: {  	p0 =	seq.s32 s10, $0x1;
	s10 =	sld [smem:$0x3FA9];
	_ =	sdelay $0x3  }
0x34: {  	[smem:$0x3FA9] =	sst s10  }
0x35: {  	s10 =	sld [smem:$0x3FA8];
	_ =	sdelay $0x3  }
0x36: {  	p1 =	seq.s32 s10, $0x1;
	s10 =	sld [smem:$0x3FA9];
	_ =	sdelay $0x3  }
0x37: {  	[smem:$0x3FA9] =	sst s10  }
0x38: {  	s10 =	sld [smem:$0x3FAA]  }
0x39: {  	_ = 	snop;
	(pc) =	sbr.ind lr, $3  }
0x3a: {  	_ = 	snop  }
0x3b: {  	_ = 	snop  }
0x3c: {  	p2 =	seq.s32 s10, $0x1;
	s10 =	sld [smem:$0x3FA9]  }
0x3d: {  	_ =	shalt  }
0x3e: {  	_ =	shalt  }
0x3f: {  	_ =	shalt  }
0x40: {  	_ =	shalt  }
0x41: {  	_ =	shalt  }
0x42: {  	_ =	shalt  }
0x43: {  	_ =	shalt  }
0x44: {  	_ =	shalt  }
0x45: {  	_ =	shalt  }
0x46: {  	_ =	shalt  }
0x47: {  	_ =	shalt  }
0x48: {  	_ =	shalt  }
0x49: {  	_ =	shalt  }
0x4a: {  	_ =	shalt  }
0x4b: {  	_ =	shalt  }
0x4c: {  	_ =	shalt  }
0x4d: {  	_ =	shalt  }
0x4e: {  	_ =	shalt  }
0x4f: {  	_ =	shalt  }
0x50: {  	_ =	shalt  }
0x51: {  	_ =	shalt  }
0x52: {  	_ =	shalt  }
0x53: {  	_ =	shalt  }
0x54: {  	_ =	shalt  }
0x55: {  	_ =	shalt  }
0x56: {  	_ =	shalt  }
0x57: {  	_ =	shalt  }
0x58: {  	_ =	shalt  }
0x59: {  	_ =	shalt  }
0x5a: {  	_ =	shalt  }
0x5b: {  	_ =	shalt  }
0x5c: {  	_ =	shalt  }
0x5d: {  	_ =	shalt  }
0x5e: {  	_ =	shalt  }
0x5f: {  	_ =	shalt  }
0x60: {  	_ =	shalt  }
0x61: {  	_ =	shalt  }
0x62: {  	_ =	shalt  }
0x63: {  	_ =	shalt  }
0x64: {  	_ =	shalt  }
0x65: {  	_ =	shalt  }
0x66: {  	_ =	shalt  }
0x67: {  	_ =	shalt  }
0x68: {  	_ =	shalt  }
0x69: {  	_ =	shalt  }
0x6a: {  	_ =	shalt  }
0x6b: {  	_ =	shalt  }
0x6c: {  	_ =	shalt  }
0x6d: {  	_ =	shalt  }
0x6e: {  	_ =	shalt  }
0x6f: {  	_ =	shalt  }
0x70: {  	_ =	shalt  }
0x71: {  	_ =	shalt  }
0x72: {  	_ =	shalt  }
0x73: {  	_ =	shalt  }
0x74: {  	_ =	shalt  }
0x75: {  	_ =	shalt  }
0x76: {  	_ =	shalt  }
0x77: {  	_ =	shalt  }
0x78: {  	_ =	shalt  }
0x79: {  	_ =	shalt  }
0x7a: {  	_ =	shalt  }
0x7b: {  	_ =	shalt  }
0x7c: {  	_ =	shalt  }
0x7d: {  	_ =	shalt  }
0x7e: {  	_ =	shalt  }
0x7f: {  	_ =	shalt  }
0x80: {  	_ =	shalt  }
0x81: {  	_ =	shalt  }
0x82: {  	_ =	shalt  }
0x83: {  	_ =	shalt  }
0x84: {  	_ =	shalt  }
0x85: {  	_ =	shalt  }
0x86: {  	_ =	shalt  }
0x87: {  	_ =	shalt  }
.Lfunc_end0:
.L_simem_size_0:
called_computation_lowered:
.L_overlay_start_0:
0x88: {  	s2 =	sld [smem:$0x3FD9]  }
0x89: {  	s3 =	sld [smem:$0x3FFE];
	_ =	sdelay $0x1  }
0x8a: {  	s1 =	srdreg.scid  }
0x8b: {  	s0 =	sand.u32 $0x1, s1  }
0x8c: {  	s16 =	sshll.u32 s0, $0xA;
	s2 =	sadd.s32 s3, s2  }
0x8d: {  	s2 =	sadd.s32 s2, s16  }
0x8e: {  	[smem:$0x3FB5] =	sst s2  }
0x8f: {  	_ = 	snop  }
0x90: {  	(tm) =	ssettm $0x1  }
0x91: {  	s17 =	sld [smem:$0x3FFB];
	_ =	sdelay $0x3  }
0x92: {  	_ =	strace s17  }
0x93: {  	s2 =	sld [smem:$0x3FFC];
	_ =	sdelay $0x3  }
0x94: {  	_ =	strace s2  }
0x95: {  	s2 =	sld [smem:$0x3FFD];
	_ =	sdelay $0x3  }
0x96: {  	_ =	strace s2  }
0x97: {  	_ =	strace $0x8FFFFFFF  }
0x98: {  	s18 =	sld [smem:$0x3FDB];
	_ =	sdelay $0x1  }
0x99: {  	s19 =	simm.s32 $_scs_section_size  }
0x9a: {  	s4 =	simm.s32 $_size__tile_overlayer_lowered;
	s5 =	simm.s32 $_tile_overlayer_lowered  }
0x9b: {  	s22 =	simm.s32 $0x1BFF;
	s21 =	sshll.u32 s5, $0x1;
	s2 =	sadd.s32 s19, s18  }
0x9c: {  	s6 =	simm.s32 $0x0;
	s20 =	sshll.u32 s4, $0x1;
	s4 =	sadd.s32 s21, s2  }
0x9d: {  	[timem:s6], [sflag:s22] =	dma.local [hbm:s4], s20  }
0x9e: {  	_ =	swait.ge [sflag:s22], s20  }
0x9f: {  	s3 =	ssub.s32 $0x0, s20;
	[sflag:s22] =	ssyncset.done $0x0  }
0xa0: {  	[sflag:s22] =	ssyncadd.s32 s3;
	_ =	sdelay $0x1  }
0xa1: {  	s23 =	simm.s32 $0x1B8B  }
0xa2: {  	_ =	swait.ge [sflag:s23], $0x1  }
0xa3: {  	[sflag:s23] =	ssyncset.done $0x0  }
0xa4: {  	s25 =	simm.s32 $0x1B8E;
	s24 =	sld [smem:$0x3FFE];
	[sflag:s23] =	ssyncadd.s32 $0xFFFFFFFF  }
0xa5: {  	s26 =	simm.s32 $execute0_lowered;
	[smem:$0x3FD2] =	sst s25  }
0xa6: {  	s4 =	sshll.u32 s26, $0x1;
	_ =	strace $0x80000046;
	[dreg:$0x1] =	wrdreg $0xFFFFFFFF  }
0xa7: {  	s28 =	simm.s32 $_size_execute0_lowered;
	s2 =	sadd.s32 s2, s4;
	[dreg:$0x0] =	wrdreg $0x0  }
0xa8: {  	s4 =	sshll.u32 s28, $0x1;
	[dreg:$0x2] =	wrdreg s2  }
0xa9: {  	[dreg:$0x3] =	wrdreg s4  }
0xaa: {  	[dreg:$0x4] =	wrdreg $0xC0  }
0xab: {  	_ =	task [dreg:s6], $0x5FFFF  }
0xac: {  	[dreg:$0x1] =	wrdreg $0xFFFFFFFF  }
0xad: {  	[dreg:$0x0] =	wrdreg $0x60  }
0xae: {  	[dreg:$0x2] =	wrdreg s24  }
0xaf: {  	[dreg:$0x3] =	wrdreg $0x28800  }
0xb0: {  	[dreg:$0x4] =	wrdreg $0x9  }
0xb1: {  	_ =	task.clear_ibuf [dreg:s6], $0x5FFFF;
	_ =	strace $0x90000046  }
0xb2: {  	s29 =	simm.s32 $0x9;
	_ =	strace $0x80000048  }
0xb3: {  	_ =	swait.ge [sflag:s29], $0x1  }
0xb4: {  	[sflag:s29] =	ssyncadd.s32 $0xFFFFFFFF  }
0xb5: {  	_ =	strace $0x90000048  }
0xb6: {  	_ =	sfence  }
0xb7: {  	s30 =	sld [smem:$0x0];
	_ =	sdelay $0x2  }
0xb8: {  	s31 =	sshll.u32 s1, $0xD;
	s1 =	sshrl.u32 s1, $0x2  }
0xb9: {  	s3 =	sand.u32 $0x4000, s31;
	s1 =	sadd.s32 s1, s30  }
0xba: {  	s0 =	sor.u32 s3, s0;
	s1 =	sshll.u32 s1, $0x11  }
0xbb: {  	s0 =	sor.u32 s1, s0  }
0xbc: {  	s0 =	sadd.s32 $0x8F2B, s0  }
0xbd: {  	[sflag:s0] =	ssyncadd.remote.s32 $0x1  }
0xbe: {  	_ =	sfence.sel $0xFFFF  }
0xbf: {  	[dreg:$0x0] =	wrdreg $0xFFFFFFFF;
	(pc) =	sbr.abs _section_cstart, $3  }
0xc0: {  	[dreg:$0x1] =	wrdreg $0xFFFFFFFF  }
0xc1: {  	_ =	task.clear_ibuf [dreg:s6], $0x2FFFF;
	_ =	strace $0x9FFFFFFF  }
0xc2: {  	(tm) =	ssettm $0x7FFFFFFF  }
0xc3: {  	_ =	shalt  }
tec
execute0_lowered:
.L_overlay_start_1:
0x0: {  	(tag) =	ssettag $0x1  }
0x1: {  	s1 =	srdreg.scid  }
0x2: {  	s0 =	stileid.u32;
	s4 =	rddreg [dreg:$0x0]  }
0x3: {  	s2 =	rddreg [dreg:$0x1];
	s6 =	smul.u32 $0x4E20, s0  }
0x4: {  	s3 =	simm.s32 $0x0;
	s12 =	simm.s32 $0x80;
	s26 =	smul.u32 $0x14000, s0  }
0x5: {  	s5 =	sand.u32 $0x1, s1;
	s1 =	rddreg [dreg:$0x2];
	s29 =	smul.u32 $0x50000, s0  }
0x6: {  	s13 =	simm.s32 $0x0;
	[smem:$0x7FF] =	sst s3;
	s7 =	smul.u32 $0x2710, s5  }
0x7: {  	s31 =	sshll.u32 s0, $0x6;
	s8 =	smul.u32 $0x140000, s5;
	s5 =	ssub.s32 $0x2, s5  }
0x8: {  	_ =	strace $0x80000047;
	s28 =	sshrl.u32 s26, $0x3;
	s10 =	sshrl.u32 s5, $0x1  }
0x9: {  	s30 =	sshrl.u32 s29, $0x2;
	s6 =	sadd.s32 s7, s6;
	s7 =	sadd.s32 s26, s8  }
0xa: {  	s10 =	ssub.s32 s5, s10;
	s11 =	sadd.s32 s30, s2;
	s6 =	sshrl.u32 s6, $0x3  }
0xb: {  	s7 =	sshrl.u32 s7, $0x3;
	s9 =	sadd.s32 s6, s4;
	s6 =	sadd.s32 s28, s4  }
0xc: {  	s5 =	sor.u32 $0x1C01, s31;
	s7 =	sadd.s32 s7, s4;
	s4 =	sadd.s32 $0xDE00, s6  }
0xd: {  	s6 =	sadd.s32 $0x35E00, s7;
	s7 =	smax.u32 s10, $0x1;
	s8 =	sadd.s32 $0x4000, s9  }
0xe: {  	v0 =	vimm.f32 $1.000000000e+00;
	s9 =	sshrl.u32 s11, $0x3;
	s10 =	simm.s32 $0x1;
	s11 =	simm.s32 $0x50  }
.LBB2_1:
0xf: {  	[tilespmem:$0x80] =	vst v0  }
0x10: {  	[tilespmem:$0x100] =	vst v0  }
0x11: {  	[tilespmem:$0x180] =	vst v0  }
0x12: {  	[tilespmem:$0x200] =	vst v0  }
0x13: {  	[tilespmem:$0x280] =	vst v0  }
0x14: {  	[tilespmem:$0x300] =	vst v0  }
0x15: {  	[tilespmem:$0x380] =	vst v0  }
0x16: {  	[tilespmem:$0x400] =	vst v0  }
0x17: {  	[tilespmem:$0x480] =	vst v0  }
0x18: {  	[tilespmem:$0x500] =	vst v0  }
0x19: {  	[tilespmem:$0x580] =	vst v0  }
0x1a: {  	[tilespmem:$0x600] =	vst v0  }
0x1b: {  	[tilespmem:$0x680] =	vst v0  }
0x1c: {  	[tilespmem:$0x700] =	vst v0  }
0x1d: {  	[tilespmem:$0x780] =	vst v0  }
0x1e: {  	[tilespmem:$0x800] =	vst v0  }
0x1f: {  	[tilespmem:$0x880] =	vst v0  }
0x20: {  	[tilespmem:$0x900] =	vst v0  }
0x21: {  	[tilespmem:$0x980] =	vst v0  }
0x22: {  	[tilespmem:$0xA00] =	vst v0  }
0x23: {  	[tilespmem:$0xA80] =	vst v0  }
0x24: {  	[tilespmem:$0xB00] =	vst v0  }
0x25: {  	[tilespmem:$0xB80] =	vst v0  }
0x26: {  	[tilespmem:$0xC00] =	vst v0  }
0x27: {  	[tilespmem:$0xC80] =	vst v0  }
0x28: {  	[tilespmem:$0xD00] =	vst v0  }
0x29: {  	[tilespmem:$0xD80] =	vst v0  }
0x2a: {  	[tilespmem:$0xE00] =	vst v0  }
0x2b: {  	[tilespmem:$0xE80] =	vst v0  }
0x2c: {  	[tilespmem:$0xF00] =	vst v0  }
0x2d: {  	[tilespmem:$0xF80] =	vst v0  }
0x2e: {  	[tilespmem:$0x1000] =	vst v0  }
0x2f: {  	[tilespmem:$0x1080] =	vst v0  }
0x30: {  	[tilespmem:$0x1100] =	vst v0  }
0x31: {  	[tilespmem:$0x1180] =	vst v0  }
0x32: {  	[tilespmem:$0x1200] =	vst v0  }
0x33: {  	[tilespmem:$0x1280] =	vst v0  }
0x34: {  	[tilespmem:$0x1300] =	vst v0  }
0x35: {  	[tilespmem:$0x1380] =	vst v0  }
0x36: {  	[tilespmem:$0x1400] =	vst v0  }
0x37: {  	[tilespmem:$0x1480] =	vst v0  }
0x38: {  	[tilespmem:$0x1500] =	vst v0  }
0x39: {  	[tilespmem:$0x1580] =	vst v0  }
0x3a: {  	[tilespmem:$0x1600] =	vst v0  }
0x3b: {  	[tilespmem:$0x1680] =	vst v0  }
0x3c: {  	[tilespmem:$0x1700] =	vst v0  }
0x3d: {  	[tilespmem:$0x1780] =	vst v0  }
0x3e: {  	[tilespmem:$0x1800] =	vst v0  }
0x3f: {  	[tilespmem:$0x1880] =	vst v0  }
0x40: {  	[tilespmem:$0x1900] =	vst v0  }
0x41: {  	[tilespmem:$0x1980] =	vst v0  }
0x42: {  	[tilespmem:$0x1A00] =	vst v0  }
0x43: {  	[tilespmem:$0x1A80] =	vst v0  }
0x44: {  	[tilespmem:$0x1B00] =	vst v0  }
0x45: {  	[tilespmem:$0x1B80] =	vst v0  }
0x46: {  	[tilespmem:$0x1C00] =	vst v0  }
0x47: {  	[tilespmem:$0x1C80] =	vst v0  }
0x48: {  	[tilespmem:$0x1D00] =	vst v0  }
0x49: {  	[tilespmem:$0x1D80] =	vst v0  }
0x4a: {  	[tilespmem:$0x1E00] =	vst v0  }
0x4b: {  	[tilespmem:$0x1E80] =	vst v0  }
0x4c: {  	[tilespmem:$0x1F00] =	vst v0  }
0x4d: {  	[tilespmem:$0x1F80] =	vst v0  }
0x4e: {  	[tilespmem:$0x2000] =	vst v0  }
0x4f: {  	[tilespmem:$0x2080] =	vst v0  }
0x50: {  	[tilespmem:$0x2100] =	vst v0  }
0x51: {  	[tilespmem:$0x2180] =	vst v0  }
0x52: {  	[tilespmem:$0x2200] =	vst v0  }
0x53: {  	[tilespmem:$0x2280] =	vst v0  }
0x54: {  	[tilespmem:$0x2300] =	vst v0  }
0x55: {  	[tilespmem:$0x2380] =	vst v0  }
0x56: {  	[tilespmem:$0x2400] =	vst v0  }
0x57: {  	[tilespmem:$0x2480] =	vst v0  }
0x58: {  	[tilespmem:$0x2500] =	vst v0  }
0x59: {  	[tilespmem:$0x2580] =	vst v0  }
0x5a: {  	[tilespmem:$0x2600] =	vst v0  }
0x5b: {  	[tilespmem:$0x2680] =	vst v0  }
0x5c: {  	[tilespmem:$0x2700] =	vst v0  }
0x5d: {  	[tilespmem:$0x2780] =	vst v0  }
0x5e: {  	[tilespmem:$0x2800] =	vst v0  }
0x5f: {  	[spmem:s9], [sflag:s5] =	dma.local [hbm:s4], $0x2800  }
0x60: {  	_ =	swait.ge [sflag:s10], $0x2800  }
0x61: {  	[sflag:s10] =	ssyncset.done $0x0  }
0x62: {  	[sflag:s10] =	ssyncadd.s32 $0xFFFFD800  }
0x63: {  	s14 =	sadd.s32 $0x0, s8;
	[bflag:$0x0] =	sbarrier.arrive $0xFFFF  }
0x64: {  	[tilespmem:s3], [sflag:$0x1] =	stream.linear.gather [hbm4b:s14+s3], $0x50, $0x38;
	[tilespmem:$0x5080] =	vst v63  }
0x65: {  	_ =	swait.ge [sflag:s10], $0x50  }
0x66: {  	[sflag:s10] =	ssyncset.done $0x0  }
0x67: {  	[sflag:s10] =	ssyncadd.s32 $0xFFFFFFB0  }
0x68: {  	[spmem:s2] =	stream.indirect.scatter.add.f32 [tilespmem:s12], [sflag:$0x1], $0x10, s3, s11, $0xb8;
	[tilespmem:$0x5080] =	vst v63  }
0x69: {  	_ =	swait.ge [sflag:s10], $0x500  }
0x6a: {  	s15 =	simm.s32 $0x14;
	s14 =	simm.s32 $0xA;
	[sflag:s10] =	ssyncset.done $0x0  }
.LBB2_2:
0x6b: {  	s16 =	sadd.s32 s14, s8  }
0x6c: {  	[sflag:s10] =	ssyncadd.s32 $0xFFFFFB00;
	s14 =	smov.u32 s15;
	s17 =	sadd.s32 $0xA, s15  }
0x6d: {  	[tilespmem:s3], [sflag:$0x1] =	stream.linear.gather [hbm4b:s16+s3], $0x50, $0x38;
	[tilespmem:$0x5080] =	vst v63  }
0x6e: {  	p0 =	sne.s32 s15, $0x4D8;
	_ =	swait.ge [sflag:s10], $0x50  }
.Ltmp0:
0x6f: {  	[sflag:s10] =	ssyncset.done $0x0;
	(pc) =	sbr.rel @p0 .LBB2_2-.Ltmp0, $4  }
0x70: {  	[sflag:s10] =	ssyncadd.s32 $0xFFFFFFB0  }
0x71: {  	[spmem:s2] =	stream.indirect.scatter.add.f32 [tilespmem:s12], [sflag:$0x1], $0x10, s3, s11, $0xb8;
	[tilespmem:$0x5080] =	vst v63  }
0x72: {  	_ =	swait.ge [sflag:s10], $0x500  }
0x73: {  	s15 =	smov.u32 s17;
	[sflag:s10] =	ssyncset.done $0x0  }
0x74: {  	s14 =	sadd.s32 s14, s8;
	[sflag:s10] =	ssyncadd.s32 $0xFFFFFB00  }
0x75: {  	[tilespmem:s3], [sflag:$0x1] =	stream.linear.gather [hbm4b:s14+s3], $0x50, $0x38;
	[tilespmem:$0x5080] =	vst v63  }
0x76: {  	_ =	swait.ge [sflag:s10], $0x50  }
0x77: {  	[sflag:s10] =	ssyncset.done $0x0  }
0x78: {  	[sflag:s10] =	ssyncadd.s32 $0xFFFFFFB0  }
0x79: {  	[spmem:s2] =	stream.indirect.scatter.add.f32 [tilespmem:s12], [sflag:$0x1], $0x10, s3, s11, $0xb8;
	[tilespmem:$0x5080] =	vst v63  }
0x7a: {  	_ =	swait.ge [sflag:s10], $0x500  }
0x7b: {  	s13 =	sadd.s32 $0x1, s13;
	[sflag:s10] =	ssyncset.done $0x0  }
0x7c: {  	p0 =	sne.s32 s13, s7;
	[sflag:s10] =	ssyncadd.s32 $0xFFFFFB00  }
.Ltmp1:
0x7d: {  	[bflag:$0x0] =	sbarrier.arrive $0xFFFF;
	(pc) =	sbr.rel @p0 .LBB2_1-.Ltmp1, $4  }
0x7e: {  	[hbm:s6], [sflag:s5] =	dma.local [spmem:s9], $0x2800  }
0x7f: {  	_ =	swait.ge [sflag:s10], $0x2800  }
0x80: {  	[sflag:s10] =	ssyncset.done $0x0  }
0x81: {  	[sflag:s10] =	ssyncadd.s32 $0xFFFFD800  }
0x82: {  	_ =	sfence.sel $0x180000  }
0x83: {  	[bflag:$0x0] =	sbarrier.arrive $0xFFFF  }
0x84: {  	p0 =	sne.s32 s0, $0x0;
	_ =	strace $0x90000047  }
0x85: {  	s0 =	sadd.s32 @!p0 $0x100000, s1;
	[bflag:$0x2] =	sbarrier.arrive $0xFFFF  }
0x86: {  	[sflag:s0] =	ssyncadd.tile.s32 @!p0 $0x1;
	_ =	shalt  }
.Lfunc_end2:
_tile_overlayer_lowered:
.L_overlay_start_2:
0x87: {  	(tag) =	ssettag $0x2  }
0x88: {  	s0 =	rddreg [dreg:$0x0];
	s2 =	stileid.u32  }
0x89: {  	s1 =	rddreg [dreg:$0x1];
	p0 =	sne.s32 s2, $0x0  }
0x8a: {  	s3 =	rddreg [dreg:$0x2];
	[bflag:$0x3] =	sbarrier.arrive $0xFFFF;
	s2 =	simm.s32 @!p0 $0x1C01  }
0x8b: {  	[timem:s3], [sflag:s2] =	dma.local @!p0 [hbm:s0], s1  }
0x8c: {  	s0 =	simm.s32 @!p0 $0x1  }
0x8d: {  	_ =	swait.ge @!p0 [sflag:s0], s1  }
0x8e: {  	s1 =	ssub.s32 @!p0 $0x0, s1;
	[sflag:s0] =	ssyncset.done @!p0 $0x0  }
0x8f: {  	[sflag:s0] =	ssyncadd.s32 @!p0 s1  }
0x90: {  	[bflag:$0x3] =	sbarrier.arrive $0xFFFF  }
0x91: {  	_ =	shalt  }

</sc_bundles>
